<compile_context>
chip_gen: v7x
topology: tpu7x:2x2x1
jax: 0.10.2.dev20260603
libtpu: 0.0.44.dev20260713+nightly
codegen_flags: <defaults>
</compile_context>

<pallas_src>
import dataclasses

import jax
import jax.numpy as jnp
from jax import lax
from jax.experimental import pallas as pl
from jax.experimental.pallas import tpu as pltpu
from jax.experimental.pallas import tpu_sc as plsc

N = 160000
NUM_SEGMENTS = 10000
SEGP = 10240
SEG_SLICE = SEGP // 16
CHUNK = 128
NCHUNK = 1280
NP = NCHUNK * CHUNK
NC, NS = 2, 16
NW = NC * NS
CPW = NCHUNK // NW
RPW = CPW * CHUNK
CPS = NCHUNK // NS
L = 16

_mesh = plsc.VectorSubcoreMesh(core_axis_name="c", subcore_axis_name="s")

_cp = pltpu.CompilerParams()
if "needs_layout_passes" in pltpu.CompilerParams.__dataclass_fields__:
    _cp = dataclasses.replace(_cp, needs_layout_passes=False)


def _body(index_hbm, x_hbm, y_hbm, z_hbm, ox_hbm, oy_hbm, oz_hbm,
          idxa, xa, ya, za, idxb, xb, yb, zb, pxb, pyb, pzb,
          ones, seg0, msl,
          accx, accy, accz, accc, sem, sem2):
    cid = lax.axis_index("c")
    sid = lax.axis_index("s")
    w = sid * NC + cid

    cs = pl.ds(sid * CPS * CHUNK, CPS * CHUNK)
    pltpu.async_copy(index_hbm.at[cs], idxa, sem2)
    pltpu.async_copy(x_hbm.at[cs], xa, sem2)
    pltpu.async_copy(y_hbm.at[cs], ya, sem2)
    pltpu.async_copy(z_hbm.at[cs], za, sem2)

    one16 = jnp.full((L,), 1.0, jnp.float32)
    zero16 = jnp.zeros((L,), jnp.float32)

    @pl.loop(0, CPS * CHUNK // L)
    def _(r):
        ones[pl.ds(r * L, L)] = one16

    for k in range(SEG_SLICE // L):
        seg0[pl.ds(k * L, L)] = zero16

    off = sid * SEG_SLICE
    sl = pl.ds(off, SEG_SLICE)
    pltpu.sync_copy(seg0, accx.at[sl])
    pltpu.sync_copy(seg0, accy.at[sl])
    pltpu.sync_copy(seg0, accz.at[sl])
    pltpu.sync_copy(seg0, accc.at[sl])
    plsc.subcore_barrier()

    pltpu.make_async_copy(index_hbm.at[cs], idxa, sem2).wait()
    pltpu.make_async_copy(x_hbm.at[cs], xa, sem2).wait()
    pltpu.make_async_copy(x_hbm.at[cs], ya, sem2).wait()
    pltpu.make_async_copy(x_hbm.at[cs], za, sem2).wait()

    pltpu.async_copy(xa, accx.at[idxa], sem, add=True)
    pltpu.async_copy(ya, accy.at[idxa], sem, add=True)
    pltpu.async_copy(za, accz.at[idxa], sem, add=True)
    pltpu.async_copy(ones, accc.at[idxa], sem, add=True)

    for buf in (xa, ya, za, xa):
        pltpu.make_async_copy(x_hbm.at[cs], buf, sem).wait()

    plsc.subcore_barrier()

    pltpu.sync_copy(accc.at[sl], seg0)
    for k in range(SEG_SLICE // L):
        s = pl.ds(k * L, L)
        seg0[s] = one16 / jnp.maximum(seg0[s], one16)
    for acc in (accx, accy, accz):
        pltpu.sync_copy(acc.at[sl], msl)
        for k in range(SEG_SLICE // L):
            s = pl.ds(k * L, L)
            msl[s] = msl[s] * seg0[s]
        pltpu.sync_copy(msl, acc.at[sl])
    plsc.subcore_barrier()

    ws = pl.ds(w * RPW, RPW)
    pltpu.async_copy(x_hbm.at[ws], pxb, sem2)
    pltpu.async_copy(y_hbm.at[ws], pyb, sem2)
    pltpu.async_copy(z_hbm.at[ws], pzb, sem2)
    pltpu.sync_copy(index_hbm.at[ws], idxb)

    pltpu.async_copy(accx.at[idxb], xb, sem)
    pltpu.async_copy(accy.at[idxb], yb, sem)
    pltpu.async_copy(accz.at[idxb], zb, sem)

    for buf in (xb, yb, zb):
        pltpu.make_async_copy(x_hbm.at[ws], buf, sem).wait()
    for buf in (pxb, pyb, pzb):
        pltpu.make_async_copy(x_hbm.at[ws], buf, sem2).wait()

    @pl.loop(0, RPW // L)
    def _(r):
        s = pl.ds(r * L, L)
        pxb[s] = pxb[s] - xb[s]
        pyb[s] = pyb[s] - yb[s]
        pzb[s] = pzb[s] - zb[s]

    pltpu.sync_copy(pxb, ox_hbm.at[ws])
    pltpu.sync_copy(pyb, oy_hbm.at[ws])
    pltpu.sync_copy(pzb, oz_hbm.at[ws])


@jax.jit
def _center(index2d, xs, ys, zs):
    f32 = jnp.float32
    return pl.kernel(
        _body,
        out_type=[jax.ShapeDtypeStruct((NP,), f32)] * 3,
        mesh=_mesh,
        compiler_params=_cp,
        scratch_types=[
            pltpu.VMEM((CPS * CHUNK,), jnp.int32),
            pltpu.VMEM((CPS * CHUNK,), f32),
            pltpu.VMEM((CPS * CHUNK,), f32),
            pltpu.VMEM((CPS * CHUNK,), f32),
            pltpu.VMEM((RPW,), jnp.int32),
            pltpu.VMEM((RPW,), f32),
            pltpu.VMEM((RPW,), f32),
            pltpu.VMEM((RPW,), f32),
            pltpu.VMEM((RPW,), f32),
            pltpu.VMEM((RPW,), f32),
            pltpu.VMEM((RPW,), f32),
            pltpu.VMEM((CPS * CHUNK,), f32),
            pltpu.VMEM((SEG_SLICE,), f32),
            pltpu.VMEM((SEG_SLICE,), f32),
            pltpu.VMEM_SHARED((SEGP,), f32),
            pltpu.VMEM_SHARED((SEGP,), f32),
            pltpu.VMEM_SHARED((SEGP,), f32),
            pltpu.VMEM_SHARED((SEGP,), f32),
            pltpu.SemaphoreType.DMA,
            pltpu.SemaphoreType.DMA,
        ],
    )(index2d, xs, ys, zs)


def kernel(index, sample_h, sample_pos):
    pad_rows = NP - N
    indexp = jnp.concatenate(
        [index.astype(jnp.int32), jnp.full((pad_rows,), SEGP - 1, jnp.int32)])
    posT = jnp.pad(sample_pos.T, ((0, 0), (0, pad_rows)))
    ox, oy, oz = _center(indexp, posT[0], posT[1], posT[2])
    out = jnp.stack([ox[:N], oy[:N], oz[:N]], axis=1)
    return (sample_h, out)

# --- scband reference (transcript-rebuilt; emitter-appended) ---
"""Pipeline reference for scband-gaussian-distribution-88751204205245 (READ-ONLY COPY).

The authoritative reference and input builder live on the scoring server;
editing this copy changes nothing except your own understanding.
"""

import jax, jax.numpy as jnp
import numpy as np

N = 160000
NUM_SEGMENTS = 10000
DIM_H = 256
DIM_POS = 3


def scatter_center(pos, index, num_segments):
    # subtract per-segment center of gravity (mean) from positions
    seg_sum = jax.ops.segment_sum(pos, index, num_segments=num_segments)
    counts = jax.ops.segment_sum(jnp.ones((pos.shape[0],), dtype=pos.dtype), index, num_segments=num_segments)
    mean = seg_sum / jnp.maximum(counts, 1.0)[:, None]
    return pos - mean[index]


def setup_inputs(seed: int = 0) -> dict:
    key = jax.random.key(seed)
    k1, k2, k3 = jax.random.split(key, 3)
    index = jnp.sort(jax.random.randint(k1, (N,), 0, NUM_SEGMENTS, dtype=jnp.int64) if jax.config.jax_enable_x64 else jax.random.randint(k1, (N,), 0, NUM_SEGMENTS).astype(jnp.int32))
    # the torch module draws these internally with torch.randn; we materialize
    # them deterministically here so the reference is reproducible
    sample_h = jax.random.normal(k2, (N, DIM_H), dtype=jnp.float32)
    sample_pos = jax.random.normal(k3, (N, DIM_POS), dtype=jnp.float32)
    return {"index": index, "sample_h": sample_h, "sample_pos": sample_pos}


def reference(index, sample_h, sample_pos):
    # GaussianDistribution.sample with zero_cog=True:
    # returns (sample_h, scatter_center(sample_pos, index))
    centered_pos = scatter_center(sample_pos, index, NUM_SEGMENTS)
    return (sample_h, centered_pos)

if __name__ == "__main__":
    import jax
    _d = setup_inputs()
    print(jax.jit(kernel)(*tuple(_d.values())))

</pallas_src>

<mosaic_0001>
#map = affine_map<(d0, d1) -> (0)>
module attributes {stable_mosaic.version = 14 : i64} {
  func.func @_body(%arg0: i32, %arg1: i32, %arg2: memref<163840xi32, #tpu.memory_space<hbm>>, %arg3: memref<163840xf32, #tpu.memory_space<hbm>>, %arg4: memref<163840xf32, #tpu.memory_space<hbm>>, %arg5: memref<163840xf32, #tpu.memory_space<hbm>>, %arg6: memref<163840xf32, #tpu.memory_space<hbm>>, %arg7: memref<163840xf32, #tpu.memory_space<hbm>>, %arg8: memref<163840xf32, #tpu.memory_space<hbm>>, %arg9: memref<10240xi32, #tpu.memory_space<vmem>>, %arg10: memref<10240xf32, #tpu.memory_space<vmem>>, %arg11: memref<10240xf32, #tpu.memory_space<vmem>>, %arg12: memref<10240xf32, #tpu.memory_space<vmem>>, %arg13: memref<5120xi32, #tpu.memory_space<vmem>>, %arg14: memref<5120xf32, #tpu.memory_space<vmem>>, %arg15: memref<5120xf32, #tpu.memory_space<vmem>>, %arg16: memref<5120xf32, #tpu.memory_space<vmem>>, %arg17: memref<5120xf32, #tpu.memory_space<vmem>>, %arg18: memref<5120xf32, #tpu.memory_space<vmem>>, %arg19: memref<5120xf32, #tpu.memory_space<vmem>>, %arg20: memref<10240xf32, #tpu.memory_space<vmem>>, %arg21: memref<640xf32, #tpu.memory_space<vmem>>, %arg22: memref<640xf32, #tpu.memory_space<vmem>>, %arg23: memref<10240xf32, #tpu.memory_space<vmem_shared>>, %arg24: memref<10240xf32, #tpu.memory_space<vmem_shared>>, %arg25: memref<10240xf32, #tpu.memory_space<vmem_shared>>, %arg26: memref<10240xf32, #tpu.memory_space<vmem_shared>>, %arg27: memref<!tpu.dma_semaphore, #tpu.memory_space<semaphore_mem>>, %arg28: memref<!tpu.dma_semaphore, #tpu.memory_space<semaphore_mem>>) attributes {dimension_semantics = [#tpu.dimension_semantics<core_parallel>, #tpu.dimension_semantics<subcore_parallel>], iteration_bounds = array<i64: 2, 16>, scalar_prefetch = 0 : i64, scratch_operands = 20 : i64, tpu.core_type = #tpu.core_type<sc_vector_subcore>, window_params = [{transform_indices = #map}, {transform_indices = #map}, {transform_indices = #map}, {transform_indices = #map}, {transform_indices = #map}, {transform_indices = #map}, {transform_indices = #map}]} {
    %mul3A = arith.constant 2 : i32
    %mul3A_0 = arith.muli %arg1, %mul3A : i32
    %add3A = arith.addi %mul3A_0, %arg0 : i32
    %mul3A_1 = arith.constant 80 : i32
    %mul3A_2 = arith.muli %arg1, %mul3A_1 : i32
    %mul3A_3 = arith.constant 128 : i32
    %mul3A_4 = arith.muli %mul3A_2, %mul3A_3 : i32
    %dma_start3A = tpu.memref_slice %arg2[%mul3A_4] : memref<163840xi32, #tpu.memory_space<hbm>> -> memref<10240xi32, #tpu.memory_space<hbm>>
    %dma_start3A_5 = tpu.memref_slice %arg2[%mul3A_4] : memref<163840xi32, #tpu.memory_space<hbm>> -> memref<10240xi32, #tpu.memory_space<hbm>>
    tpu.enqueue_dma source(%dma_start3A_5 : memref<10240xi32, #tpu.memory_space<hbm>>) target(%arg9 : memref<10240xi32, #tpu.memory_space<vmem>>) target_semaphore(%arg28 : memref<!tpu.dma_semaphore, #tpu.memory_space<semaphore_mem>>)
    %dma_start3A_6 = tpu.memref_slice %arg3[%mul3A_4] : memref<163840xf32, #tpu.memory_space<hbm>> -> memref<10240xf32, #tpu.memory_space<hbm>>
    %dma_start3A_7 = tpu.memref_slice %arg3[%mul3A_4] : memref<163840xf32, #tpu.memory_space<hbm>> -> memref<10240xf32, #tpu.memory_space<hbm>>
    tpu.enqueue_dma source(%dma_start3A_7 : memref<10240xf32, #tpu.memory_space<hbm>>) target(%arg10 : memref<10240xf32, #tpu.memory_space<vmem>>) target_semaphore(%arg28 : memref<!tpu.dma_semaphore, #tpu.memory_space<semaphore_mem>>)
    %dma_start3A_8 = tpu.memref_slice %arg4[%mul3A_4] : memref<163840xf32, #tpu.memory_space<hbm>> -> memref<10240xf32, #tpu.memory_space<hbm>>
    %dma_start3A_9 = tpu.memref_slice %arg4[%mul3A_4] : memref<163840xf32, #tpu.memory_space<hbm>> -> memref<10240xf32, #tpu.memory_space<hbm>>
    tpu.enqueue_dma source(%dma_start3A_9 : memref<10240xf32, #tpu.memory_space<hbm>>) target(%arg11 : memref<10240xf32, #tpu.memory_space<vmem>>) target_semaphore(%arg28 : memref<!tpu.dma_semaphore, #tpu.memory_space<semaphore_mem>>)
    %dma_start3A_10 = tpu.memref_slice %arg5[%mul3A_4] : memref<163840xf32, #tpu.memory_space<hbm>> -> memref<10240xf32, #tpu.memory_space<hbm>>
    %dma_start3A_11 = tpu.memref_slice %arg5[%mul3A_4] : memref<163840xf32, #tpu.memory_space<hbm>> -> memref<10240xf32, #tpu.memory_space<hbm>>
    tpu.enqueue_dma source(%dma_start3A_11 : memref<10240xf32, #tpu.memory_space<hbm>>) target(%arg12 : memref<10240xf32, #tpu.memory_space<vmem>>) target_semaphore(%arg28 : memref<!tpu.dma_semaphore, #tpu.memory_space<semaphore_mem>>)
    %broadcast_in_dim3A = arith.constant 1.000000e+00 : f32
    %broadcast_in_dim3A_12 = vector.broadcast %broadcast_in_dim3A : f32 to vector<16xf32>
    %broadcast_in_dim3A_13 = arith.constant 0.000000e+00 : f32
    %broadcast_in_dim3A_14 = vector.broadcast %broadcast_in_dim3A_13 : f32 to vector<16xf32>
    %scan3A = arith.constant 0 : i32
    %scan3A_15 = arith.constant 640 : i32
    %scan3A_16 = arith.addi %scan3A, %scan3A_15 : i32
    %scan3A_17 = arith.constant 1 : i32
    scf.for %scan3A_1233 = %scan3A to %scan3A_16 step %scan3A_17  : i32 {
      %mul3A_1234 = arith.constant 1 : i32
      %mul3A_1235 = arith.muli %scan3A_1233, %mul3A_1234 : i32
      %add3A_1236 = arith.constant 0 : i32
      %add3A_1237 = arith.addi %add3A_1236, %mul3A_1235 : i32
      %mul3A_1238 = arith.constant 16 : i32
      %mul3A_1239 = arith.muli %add3A_1237, %mul3A_1238 : i32
      %swap3A_1240 = arith.index_cast %mul3A_1239 : i32 to index
      %swap3A_1241 = tpu.vector_load %arg20[%swap3A_1240] {strides = array<i32>} : memref<10240xf32, #tpu.memory_space<vmem>>, vector<16xf32>,
      tpu.vector_store %arg20[%swap3A_1240], %broadcast_in_dim3A_12 {strides = array<i32>} : memref<10240xf32, #tpu.memory_space<vmem>>, vector<16xf32>,
    }
    %scan3A_18 = arith.constant 640 : i32
    %swap3A = arith.constant 0 : index
    %swap3A_19 = tpu.vector_load %arg21[%swap3A] {strides = array<i32>} : memref<640xf32, #tpu.memory_space<vmem>>, vector<16xf32>,
    tpu.vector_store %arg21[%swap3A], %broadcast_in_dim3A_14 {strides = array<i32>} : memref<640xf32, #tpu.memory_space<vmem>>, vector<16xf32>,
    %swap3A_20 = arith.constant 16 : index
    %swap3A_21 = tpu.vector_load %arg21[%swap3A_20] {strides = array<i32>} : memref<640xf32, #tpu.memory_space<vmem>>, vector<16xf32>,
    tpu.vector_store %arg21[%swap3A_20], %broadcast_in_dim3A_14 {strides = array<i32>} : memref<640xf32, #tpu.memory_space<vmem>>, vector<16xf32>,
    %swap3A_22 = arith.constant 32 : index
    %swap3A_23 = tpu.vector_load %arg21[%swap3A_22] {strides = array<i32>} : memref<640xf32, #tpu.memory_space<vmem>>, vector<16xf32>,
    tpu.vector_store %arg21[%swap3A_22], %broadcast_in_dim3A_14 {strides = array<i32>} : memref<640xf32, #tpu.memory_space<vmem>>, vector<16xf32>,
    %swap3A_24 = arith.constant 48 : index
    %swap3A_25 = tpu.vector_load %arg21[%swap3A_24] {strides = array<i32>} : memref<640xf32, #tpu.memory_space<vmem>>, vector<16xf32>,
    tpu.vector_store %arg21[%swap3A_24], %broadcast_in_dim3A_14 {strides = array<i32>} : memref<640xf32, #tpu.memory_space<vmem>>, vector<16xf32>,
    %swap3A_26 = arith.constant 64 : index
    %swap3A_27 = tpu.vector_load %arg21[%swap3A_26] {strides = array<i32>} : memref<640xf32, #tpu.memory_space<vmem>>, vector<16xf32>,
    tpu.vector_store %arg21[%swap3A_26], %broadcast_in_dim3A_14 {strides = array<i32>} : memref<640xf32, #tpu.memory_space<vmem>>, vector<16xf32>,
    %swap3A_28 = arith.constant 80 : index
    %swap3A_29 = tpu.vector_load %arg21[%swap3A_28] {strides = array<i32>} : memref<640xf32, #tpu.memory_space<vmem>>, vector<16xf32>,
    tpu.vector_store %arg21[%swap3A_28], %broadcast_in_dim3A_14 {strides = array<i32>} : memref<640xf32, #tpu.memory_space<vmem>>, vector<16xf32>,
    %swap3A_30 = arith.constant 96 : index
    %swap3A_31 = tpu.vector_load %arg21[%swap3A_30] {strides = array<i32>} : memref<640xf32, #tpu.memory_space<vmem>>, vector<16xf32>,
    tpu.vector_store %arg21[%swap3A_30], %broadcast_in_dim3A_14 {strides = array<i32>} : memref<640xf32, #tpu.memory_space<vmem>>, vector<16xf32>,
    %swap3A_32 = arith.constant 112 : index
    %swap3A_33 = tpu.vector_load %arg21[%swap3A_32] {strides = array<i32>} : memref<640xf32, #tpu.memory_space<vmem>>, vector<16xf32>,
    tpu.vector_store %arg21[%swap3A_32], %broadcast_in_dim3A_14 {strides = array<i32>} : memref<640xf32, #tpu.memory_space<vmem>>, vector<16xf32>,
    %swap3A_34 = arith.constant 128 : index
    %swap3A_35 = tpu.vector_load %arg21[%swap3A_34] {strides = array<i32>} : memref<640xf32, #tpu.memory_space<vmem>>, vector<16xf32>,
    tpu.vector_store %arg21[%swap3A_34], %broadcast_in_dim3A_14 {strides = array<i32>} : memref<640xf32, #tpu.memory_space<vmem>>, vector<16xf32>,
    %swap3A_36 = arith.constant 144 : index
    %swap3A_37 = tpu.vector_load %arg21[%swap3A_36] {strides = array<i32>} : memref<640xf32, #tpu.memory_space<vmem>>, vector<16xf32>,
    tpu.vector_store %arg21[%swap3A_36], %broadcast_in_dim3A_14 {strides = array<i32>} : memref<640xf32, #tpu.memory_space<vmem>>, vector<16xf32>,
    %swap3A_38 = arith.constant 160 : index
    %swap3A_39 = tpu.vector_load %arg21[%swap3A_38] {strides = array<i32>} : memref<640xf32, #tpu.memory_space<vmem>>, vector<16xf32>,
    tpu.vector_store %arg21[%swap3A_38], %broadcast_in_dim3A_14 {strides = array<i32>} : memref<640xf32, #tpu.memory_space<vmem>>, vector<16xf32>,
    %swap3A_40 = arith.constant 176 : index
    %swap3A_41 = tpu.vector_load %arg21[%swap3A_40] {strides = array<i32>} : memref<640xf32, #tpu.memory_space<vmem>>, vector<16xf32>,
    tpu.vector_store %arg21[%swap3A_40], %broadcast_in_dim3A_14 {strides = array<i32>} : memref<640xf32, #tpu.memory_space<vmem>>, vector<16xf32>,
    %swap3A_42 = arith.constant 192 : index
    %swap3A_43 = tpu.vector_load %arg21[%swap3A_42] {strides = array<i32>} : memref<640xf32, #tpu.memory_space<vmem>>, vector<16xf32>,
    tpu.vector_store %arg21[%swap3A_42], %broadcast_in_dim3A_14 {strides = array<i32>} : memref<640xf32, #tpu.memory_space<vmem>>, vector<16xf32>,
    %swap3A_44 = arith.constant 208 : index
    %swap3A_45 = tpu.vector_load %arg21[%swap3A_44] {strides = array<i32>} : memref<640xf32, #tpu.memory_space<vmem>>, vector<16xf32>,
    tpu.vector_store %arg21[%swap3A_44], %broadcast_in_dim3A_14 {strides = array<i32>} : memref<640xf32, #tpu.memory_space<vmem>>, vector<16xf32>,
    %swap3A_46 = arith.constant 224 : index
    %swap3A_47 = tpu.vector_load %arg21[%swap3A_46] {strides = array<i32>} : memref<640xf32, #tpu.memory_space<vmem>>, vector<16xf32>,
    tpu.vector_store %arg21[%swap3A_46], %broadcast_in_dim3A_14 {strides = array<i32>} : memref<640xf32, #tpu.memory_space<vmem>>, vector<16xf32>,
    %swap3A_48 = arith.constant 240 : index
    %swap3A_49 = tpu.vector_load %arg21[%swap3A_48] {strides = array<i32>} : memref<640xf32, #tpu.memory_space<vmem>>, vector<16xf32>,
    tpu.vector_store %arg21[%swap3A_48], %broadcast_in_dim3A_14 {strides = array<i32>} : memref<640xf32, #tpu.memory_space<vmem>>, vector<16xf32>,
    %swap3A_50 = arith.constant 256 : index
    %swap3A_51 = tpu.vector_load %arg21[%swap3A_50] {strides = array<i32>} : memref<640xf32, #tpu.memory_space<vmem>>, vector<16xf32>,
    tpu.vector_store %arg21[%swap3A_50], %broadcast_in_dim3A_14 {strides = array<i32>} : memref<640xf32, #tpu.memory_space<vmem>>, vector<16xf32>,
    %swap3A_52 = arith.constant 272 : index
    %swap3A_53 = tpu.vector_load %arg21[%swap3A_52] {strides = array<i32>} : memref<640xf32, #tpu.memory_space<vmem>>, vector<16xf32>,
    tpu.vector_store %arg21[%swap3A_52], %broadcast_in_dim3A_14 {strides = array<i32>} : memref<640xf32, #tpu.memory_space<vmem>>, vector<16xf32>,
    %swap3A_54 = arith.constant 288 : index
    %swap3A_55 = tpu.vector_load %arg21[%swap3A_54] {strides = array<i32>} : memref<640xf32, #tpu.memory_space<vmem>>, vector<16xf32>,
    tpu.vector_store %arg21[%swap3A_54], %broadcast_in_dim3A_14 {strides = array<i32>} : memref<640xf32, #tpu.memory_space<vmem>>, vector<16xf32>,
    %swap3A_56 = arith.constant 304 : index
    %swap3A_57 = tpu.vector_load %arg21[%swap3A_56] {strides = array<i32>} : memref<640xf32, #tpu.memory_space<vmem>>, vector<16xf32>,
    tpu.vector_store %arg21[%swap3A_56], %broadcast_in_dim3A_14 {strides = array<i32>} : memref<640xf32, #tpu.memory_space<vmem>>, vector<16xf32>,
    %swap3A_58 = arith.constant 320 : index
    %swap3A_59 = tpu.vector_load %arg21[%swap3A_58] {strides = array<i32>} : memref<640xf32, #tpu.memory_space<vmem>>, vector<16xf32>,
    tpu.vector_store %arg21[%swap3A_58], %broadcast_in_dim3A_14 {strides = array<i32>} : memref<640xf32, #tpu.memory_space<vmem>>, vector<16xf32>,
    %swap3A_60 = arith.constant 336 : index
    %swap3A_61 = tpu.vector_load %arg21[%swap3A_60] {strides = array<i32>} : memref<640xf32, #tpu.memory_space<vmem>>, vector<16xf32>,
    tpu.vector_store %arg21[%swap3A_60], %broadcast_in_dim3A_14 {strides = array<i32>} : memref<640xf32, #tpu.memory_space<vmem>>, vector<16xf32>,
    %swap3A_62 = arith.constant 352 : index
    %swap3A_63 = tpu.vector_load %arg21[%swap3A_62] {strides = array<i32>} : memref<640xf32, #tpu.memory_space<vmem>>, vector<16xf32>,
    tpu.vector_store %arg21[%swap3A_62], %broadcast_in_dim3A_14 {strides = array<i32>} : memref<640xf32, #tpu.memory_space<vmem>>, vector<16xf32>,
    %swap3A_64 = arith.constant 368 : index
    %swap3A_65 = tpu.vector_load %arg21[%swap3A_64] {strides = array<i32>} : memref<640xf32, #tpu.memory_space<vmem>>, vector<16xf32>,
    tpu.vector_store %arg21[%swap3A_64], %broadcast_in_dim3A_14 {strides = array<i32>} : memref<640xf32, #tpu.memory_space<vmem>>, vector<16xf32>,
    %swap3A_66 = arith.constant 384 : index
    %swap3A_67 = tpu.vector_load %arg21[%swap3A_66] {strides = array<i32>} : memref<640xf32, #tpu.memory_space<vmem>>, vector<16xf32>,
    tpu.vector_store %arg21[%swap3A_66], %broadcast_in_dim3A_14 {strides = array<i32>} : memref<640xf32, #tpu.memory_space<vmem>>, vector<16xf32>,
    %swap3A_68 = arith.constant 400 : index
    %swap3A_69 = tpu.vector_load %arg21[%swap3A_68] {strides = array<i32>} : memref<640xf32, #tpu.memory_space<vmem>>, vector<16xf32>,
    tpu.vector_store %arg21[%swap3A_68], %broadcast_in_dim3A_14 {strides = array<i32>} : memref<640xf32, #tpu.memory_space<vmem>>, vector<16xf32>,
    %swap3A_70 = arith.constant 416 : index
    %swap3A_71 = tpu.vector_load %arg21[%swap3A_70] {strides = array<i32>} : memref<640xf32, #tpu.memory_space<vmem>>, vector<16xf32>,
    tpu.vector_store %arg21[%swap3A_70], %broadcast_in_dim3A_14 {strides = array<i32>} : memref<640xf32, #tpu.memory_space<vmem>>, vector<16xf32>,
    %swap3A_72 = arith.constant 432 : index
    %swap3A_73 = tpu.vector_load %arg21[%swap3A_72] {strides = array<i32>} : memref<640xf32, #tpu.memory_space<vmem>>, vector<16xf32>,
    tpu.vector_store %arg21[%swap3A_72], %broadcast_in_dim3A_14 {strides = array<i32>} : memref<640xf32, #tpu.memory_space<vmem>>, vector<16xf32>,
    %swap3A_74 = arith.constant 448 : index
    %swap3A_75 = tpu.vector_load %arg21[%swap3A_74] {strides = array<i32>} : memref<640xf32, #tpu.memory_space<vmem>>, vector<16xf32>,
    tpu.vector_store %arg21[%swap3A_74], %broadcast_in_dim3A_14 {strides = array<i32>} : memref<640xf32, #tpu.memory_space<vmem>>, vector<16xf32>,
    %swap3A_76 = arith.constant 464 : index
    %swap3A_77 = tpu.vector_load %arg21[%swap3A_76] {strides = array<i32>} : memref<640xf32, #tpu.memory_space<vmem>>, vector<16xf32>,
    tpu.vector_store %arg21[%swap3A_76], %broadcast_in_dim3A_14 {strides = array<i32>} : memref<640xf32, #tpu.memory_space<vmem>>, vector<16xf32>,
    %swap3A_78 = arith.constant 480 : index
    %swap3A_79 = tpu.vector_load %arg21[%swap3A_78] {strides = array<i32>} : memref<640xf32, #tpu.memory_space<vmem>>, vector<16xf32>,
    tpu.vector_store %arg21[%swap3A_78], %broadcast_in_dim3A_14 {strides = array<i32>} : memref<640xf32, #tpu.memory_space<vmem>>, vector<16xf32>,
    %swap3A_80 = arith.constant 496 : index
    %swap3A_81 = tpu.vector_load %arg21[%swap3A_80] {strides = array<i32>} : memref<640xf32, #tpu.memory_space<vmem>>, vector<16xf32>,
    tpu.vector_store %arg21[%swap3A_80], %broadcast_in_dim3A_14 {strides = array<i32>} : memref<640xf32, #tpu.memory_space<vmem>>, vector<16xf32>,
    %swap3A_82 = arith.constant 512 : index
    %swap3A_83 = tpu.vector_load %arg21[%swap3A_82] {strides = array<i32>} : memref<640xf32, #tpu.memory_space<vmem>>, vector<16xf32>,
    tpu.vector_store %arg21[%swap3A_82], %broadcast_in_dim3A_14 {strides = array<i32>} : memref<640xf32, #tpu.memory_space<vmem>>, vector<16xf32>,
    %swap3A_84 = arith.constant 528 : index
    %swap3A_85 = tpu.vector_load %arg21[%swap3A_84] {strides = array<i32>} : memref<640xf32, #tpu.memory_space<vmem>>, vector<16xf32>,
    tpu.vector_store %arg21[%swap3A_84], %broadcast_in_dim3A_14 {strides = array<i32>} : memref<640xf32, #tpu.memory_space<vmem>>, vector<16xf32>,
    %swap3A_86 = arith.constant 544 : index
    %swap3A_87 = tpu.vector_load %arg21[%swap3A_86] {strides = array<i32>} : memref<640xf32, #tpu.memory_space<vmem>>, vector<16xf32>,
    tpu.vector_store %arg21[%swap3A_86], %broadcast_in_dim3A_14 {strides = array<i32>} : memref<640xf32, #tpu.memory_space<vmem>>, vector<16xf32>,
    %swap3A_88 = arith.constant 560 : index
    %swap3A_89 = tpu.vector_load %arg21[%swap3A_88] {strides = array<i32>} : memref<640xf32, #tpu.memory_space<vmem>>, vector<16xf32>,
    tpu.vector_store %arg21[%swap3A_88], %broadcast_in_dim3A_14 {strides = array<i32>} : memref<640xf32, #tpu.memory_space<vmem>>, vector<16xf32>,
    %swap3A_90 = arith.constant 576 : index
    %swap3A_91 = tpu.vector_load %arg21[%swap3A_90] {strides = array<i32>} : memref<640xf32, #tpu.memory_space<vmem>>, vector<16xf32>,
    tpu.vector_store %arg21[%swap3A_90], %broadcast_in_dim3A_14 {strides = array<i32>} : memref<640xf32, #tpu.memory_space<vmem>>, vector<16xf32>,
    %swap3A_92 = arith.constant 592 : index
    %swap3A_93 = tpu.vector_load %arg21[%swap3A_92] {strides = array<i32>} : memref<640xf32, #tpu.memory_space<vmem>>, vector<16xf32>,
    tpu.vector_store %arg21[%swap3A_92], %broadcast_in_dim3A_14 {strides = array<i32>} : memref<640xf32, #tpu.memory_space<vmem>>, vector<16xf32>,
    %swap3A_94 = arith.constant 608 : index
    %swap3A_95 = tpu.vector_load %arg21[%swap3A_94] {strides = array<i32>} : memref<640xf32, #tpu.memory_space<vmem>>, vector<16xf32>,
    tpu.vector_store %arg21[%swap3A_94], %broadcast_in_dim3A_14 {strides = array<i32>} : memref<640xf32, #tpu.memory_space<vmem>>, vector<16xf32>,
    %swap3A_96 = arith.constant 624 : index
    %swap3A_97 = tpu.vector_load %arg21[%swap3A_96] {strides = array<i32>} : memref<640xf32, #tpu.memory_space<vmem>>, vector<16xf32>,
    tpu.vector_store %arg21[%swap3A_96], %broadcast_in_dim3A_14 {strides = array<i32>} : memref<640xf32, #tpu.memory_space<vmem>>, vector<16xf32>,
    %mul3A_98 = arith.constant 640 : i32
    %mul3A_99 = arith.muli %arg1, %mul3A_98 : i32
    "tpu.region"() ({
      %run_scoped3A = tpu.sem_alloc : memref<!tpu.dma_semaphore, #tpu.memory_space<semaphore_mem>>
      %dma_start3A_1233 = tpu.memref_slice %arg23[%mul3A_99] : memref<10240xf32, #tpu.memory_space<vmem_shared>> -> memref<640xf32, #tpu.memory_space<vmem_shared>>
      %dma_start3A_1234 = tpu.memref_slice %arg23[%mul3A_99] : memref<10240xf32, #tpu.memory_space<vmem_shared>> -> memref<640xf32, #tpu.memory_space<vmem_shared>>
      tpu.enqueue_dma source(%arg21 : memref<640xf32, #tpu.memory_space<vmem>>) target(%dma_start3A_1234 : memref<640xf32, #tpu.memory_space<vmem_shared>>) target_semaphore(%run_scoped3A : memref<!tpu.dma_semaphore, #tpu.memory_space<semaphore_mem>>)
      %dma_wait3A_1235 = tpu.memref_slice %arg23[%mul3A_99] : memref<10240xf32, #tpu.memory_space<vmem_shared>> -> memref<640xf32, #tpu.memory_space<vmem_shared>>
      %dma_wait3A_1236 = tpu.memref_slice %arg23[%mul3A_99] : memref<10240xf32, #tpu.memory_space<vmem_shared>> -> memref<640xf32, #tpu.memory_space<vmem_shared>>
      tpu.wait_dma2 semaphore(%run_scoped3A : memref<!tpu.dma_semaphore, #tpu.memory_space<semaphore_mem>>) src(%arg21 : memref<640xf32, #tpu.memory_space<vmem>>) dst(%dma_wait3A_1236 : memref<640xf32, #tpu.memory_space<vmem_shared>>)
      tpu.yield
    }) : () -> ()
    "tpu.region"() ({
      %run_scoped3A = tpu.sem_alloc : memref<!tpu.dma_semaphore, #tpu.memory_space<semaphore_mem>>
      %dma_start3A_1233 = tpu.memref_slice %arg24[%mul3A_99] : memref<10240xf32, #tpu.memory_space<vmem_shared>> -> memref<640xf32, #tpu.memory_space<vmem_shared>>
      %dma_start3A_1234 = tpu.memref_slice %arg24[%mul3A_99] : memref<10240xf32, #tpu.memory_space<vmem_shared>> -> memref<640xf32, #tpu.memory_space<vmem_shared>>
      tpu.enqueue_dma source(%arg21 : memref<640xf32, #tpu.memory_space<vmem>>) target(%dma_start3A_1234 : memref<640xf32, #tpu.memory_space<vmem_shared>>) target_semaphore(%run_scoped3A : memref<!tpu.dma_semaphore, #tpu.memory_space<semaphore_mem>>)
      %dma_wait3A_1235 = tpu.memref_slice %arg24[%mul3A_99] : memref<10240xf32, #tpu.memory_space<vmem_shared>> -> memref<640xf32, #tpu.memory_space<vmem_shared>>
      %dma_wait3A_1236 = tpu.memref_slice %arg24[%mul3A_99] : memref<10240xf32, #tpu.memory_space<vmem_shared>> -> memref<640xf32, #tpu.memory_space<vmem_shared>>
      tpu.wait_dma2 semaphore(%run_scoped3A : memref<!tpu.dma_semaphore, #tpu.memory_space<semaphore_mem>>) src(%arg21 : memref<640xf32, #tpu.memory_space<vmem>>) dst(%dma_wait3A_1236 : memref<640xf32, #tpu.memory_space<vmem_shared>>)
      tpu.yield
    }) : () -> ()
    "tpu.region"() ({
      %run_scoped3A = tpu.sem_alloc : memref<!tpu.dma_semaphore, #tpu.memory_space<semaphore_mem>>
      %dma_start3A_1233 = tpu.memref_slice %arg25[%mul3A_99] : memref<10240xf32, #tpu.memory_space<vmem_shared>> -> memref<640xf32, #tpu.memory_space<vmem_shared>>
      %dma_start3A_1234 = tpu.memref_slice %arg25[%mul3A_99] : memref<10240xf32, #tpu.memory_space<vmem_shared>> -> memref<640xf32, #tpu.memory_space<vmem_shared>>
      tpu.enqueue_dma source(%arg21 : memref<640xf32, #tpu.memory_space<vmem>>) target(%dma_start3A_1234 : memref<640xf32, #tpu.memory_space<vmem_shared>>) target_semaphore(%run_scoped3A : memref<!tpu.dma_semaphore, #tpu.memory_space<semaphore_mem>>)
      %dma_wait3A_1235 = tpu.memref_slice %arg25[%mul3A_99] : memref<10240xf32, #tpu.memory_space<vmem_shared>> -> memref<640xf32, #tpu.memory_space<vmem_shared>>
      %dma_wait3A_1236 = tpu.memref_slice %arg25[%mul3A_99] : memref<10240xf32, #tpu.memory_space<vmem_shared>> -> memref<640xf32, #tpu.memory_space<vmem_shared>>
      tpu.wait_dma2 semaphore(%run_scoped3A : memref<!tpu.dma_semaphore, #tpu.memory_space<semaphore_mem>>) src(%arg21 : memref<640xf32, #tpu.memory_space<vmem>>) dst(%dma_wait3A_1236 : memref<640xf32, #tpu.memory_space<vmem_shared>>)
      tpu.yield
    }) : () -> ()
    "tpu.region"() ({
      %run_scoped3A = tpu.sem_alloc : memref<!tpu.dma_semaphore, #tpu.memory_space<semaphore_mem>>
      %dma_start3A_1233 = tpu.memref_slice %arg26[%mul3A_99] : memref<10240xf32, #tpu.memory_space<vmem_shared>> -> memref<640xf32, #tpu.memory_space<vmem_shared>>
      %dma_start3A_1234 = tpu.memref_slice %arg26[%mul3A_99] : memref<10240xf32, #tpu.memory_space<vmem_shared>> -> memref<640xf32, #tpu.memory_space<vmem_shared>>
      tpu.enqueue_dma source(%arg21 : memref<640xf32, #tpu.memory_space<vmem>>) target(%dma_start3A_1234 : memref<640xf32, #tpu.memory_space<vmem_shared>>) target_semaphore(%run_scoped3A : memref<!tpu.dma_semaphore, #tpu.memory_space<semaphore_mem>>)
      %dma_wait3A_1235 = tpu.memref_slice %arg26[%mul3A_99] : memref<10240xf32, #tpu.memory_space<vmem_shared>> -> memref<640xf32, #tpu.memory_space<vmem_shared>>
      %dma_wait3A_1236 = tpu.memref_slice %arg26[%mul3A_99] : memref<10240xf32, #tpu.memory_space<vmem_shared>> -> memref<640xf32, #tpu.memory_space<vmem_shared>>
      tpu.wait_dma2 semaphore(%run_scoped3A : memref<!tpu.dma_semaphore, #tpu.memory_space<semaphore_mem>>) src(%arg21 : memref<640xf32, #tpu.memory_space<vmem>>) dst(%dma_wait3A_1236 : memref<640xf32, #tpu.memory_space<vmem_shared>>)
      tpu.yield
    }) : () -> ()
    %barrier3A = arith.constant 0 : index
    tpu.barrier barrier_id(%barrier3A)
    %dma_wait3A = tpu.memref_slice %arg2[%mul3A_4] : memref<163840xi32, #tpu.memory_space<hbm>> -> memref<10240xi32, #tpu.memory_space<hbm>>
    %dma_wait3A_100 = tpu.memref_slice %arg2[%mul3A_4] : memref<163840xi32, #tpu.memory_space<hbm>> -> memref<10240xi32, #tpu.memory_space<hbm>>
    tpu.wait_dma2 semaphore(%arg28 : memref<!tpu.dma_semaphore, #tpu.memory_space<semaphore_mem>>) src(%dma_wait3A_100 : memref<10240xi32, #tpu.memory_space<hbm>>) dst(%arg9 : memref<10240xi32, #tpu.memory_space<vmem>>)
    %dma_wait3A_101 = tpu.memref_slice %arg3[%mul3A_4] : memref<163840xf32, #tpu.memory_space<hbm>> -> memref<10240xf32, #tpu.memory_space<hbm>>
    %dma_wait3A_102 = tpu.memref_slice %arg3[%mul3A_4] : memref<163840xf32, #tpu.memory_space<hbm>> -> memref<10240xf32, #tpu.memory_space<hbm>>
    tpu.wait_dma2 semaphore(%arg28 : memref<!tpu.dma_semaphore, #tpu.memory_space<semaphore_mem>>) src(%dma_wait3A_102 : memref<10240xf32, #tpu.memory_space<hbm>>) dst(%arg10 : memref<10240xf32, #tpu.memory_space<vmem>>)
    %dma_wait3A_103 = tpu.memref_slice %arg3[%mul3A_4] : memref<163840xf32, #tpu.memory_space<hbm>> -> memref<10240xf32, #tpu.memory_space<hbm>>
    %dma_wait3A_104 = tpu.memref_slice %arg3[%mul3A_4] : memref<163840xf32, #tpu.memory_space<hbm>> -> memref<10240xf32, #tpu.memory_space<hbm>>
    tpu.wait_dma2 semaphore(%arg28 : memref<!tpu.dma_semaphore, #tpu.memory_space<semaphore_mem>>) src(%dma_wait3A_104 : memref<10240xf32, #tpu.memory_space<hbm>>) dst(%arg11 : memref<10240xf32, #tpu.memory_space<vmem>>)
    %dma_wait3A_105 = tpu.memref_slice %arg3[%mul3A_4] : memref<163840xf32, #tpu.memory_space<hbm>> -> memref<10240xf32, #tpu.memory_space<hbm>>
    %dma_wait3A_106 = tpu.memref_slice %arg3[%mul3A_4] : memref<163840xf32, #tpu.memory_space<hbm>> -> memref<10240xf32, #tpu.memory_space<hbm>>
    tpu.wait_dma2 semaphore(%arg28 : memref<!tpu.dma_semaphore, #tpu.memory_space<semaphore_mem>>) src(%dma_wait3A_106 : memref<10240xf32, #tpu.memory_space<hbm>>) dst(%arg12 : memref<10240xf32, #tpu.memory_space<vmem>>)
    %dma_start3A_107 = arith.constant 0 : i32
    %dma_start3A_108 = tpu.memref_slice %arg23[%dma_start3A_107] : memref<10240xf32, #tpu.memory_space<vmem_shared>> -> memref<10240xf32, #tpu.memory_space<vmem_shared>>
    tpu.enqueue_indirect_dma source(%arg10 : memref<10240xf32, #tpu.memory_space<vmem>>) target(%dma_start3A_108 : memref<10240xf32, #tpu.memory_space<vmem_shared>>) offsets(%arg9 : memref<10240xi32, #tpu.memory_space<vmem>>) semaphore(%arg27 : memref<!tpu.dma_semaphore, #tpu.memory_space<semaphore_mem>>) {add = true}
    %dma_start3A_109 = arith.constant 0 : i32
    %dma_start3A_110 = tpu.memref_slice %arg24[%dma_start3A_109] : memref<10240xf32, #tpu.memory_space<vmem_shared>> -> memref<10240xf32, #tpu.memory_space<vmem_shared>>
    tpu.enqueue_indirect_dma source(%arg11 : memref<10240xf32, #tpu.memory_space<vmem>>) target(%dma_start3A_110 : memref<10240xf32, #tpu.memory_space<vmem_shared>>) offsets(%arg9 : memref<10240xi32, #tpu.memory_space<vmem>>) semaphore(%arg27 : memref<!tpu.dma_semaphore, #tpu.memory_space<semaphore_mem>>) {add = true}
    %dma_start3A_111 = arith.constant 0 : i32
    %dma_start3A_112 = tpu.memref_slice %arg25[%dma_start3A_111] : memref<10240xf32, #tpu.memory_space<vmem_shared>> -> memref<10240xf32, #tpu.memory_space<vmem_shared>>
    tpu.enqueue_indirect_dma source(%arg12 : memref<10240xf32, #tpu.memory_space<vmem>>) target(%dma_start3A_112 : memref<10240xf32, #tpu.memory_space<vmem_shared>>) offsets(%arg9 : memref<10240xi32, #tpu.memory_space<vmem>>) semaphore(%arg27 : memref<!tpu.dma_semaphore, #tpu.memory_space<semaphore_mem>>) {add = true}
    %dma_start3A_113 = arith.constant 0 : i32
    %dma_start3A_114 = tpu.memref_slice %arg26[%dma_start3A_113] : memref<10240xf32, #tpu.memory_space<vmem_shared>> -> memref<10240xf32, #tpu.memory_space<vmem_shared>>
    tpu.enqueue_indirect_dma source(%arg20 : memref<10240xf32, #tpu.memory_space<vmem>>) target(%dma_start3A_114 : memref<10240xf32, #tpu.memory_space<vmem_shared>>) offsets(%arg9 : memref<10240xi32, #tpu.memory_space<vmem>>) semaphore(%arg27 : memref<!tpu.dma_semaphore, #tpu.memory_space<semaphore_mem>>) {add = true}
    %dma_wait3A_115 = tpu.memref_slice %arg3[%mul3A_4] : memref<163840xf32, #tpu.memory_space<hbm>> -> memref<10240xf32, #tpu.memory_space<hbm>>
    %dma_wait3A_116 = tpu.memref_slice %arg3[%mul3A_4] : memref<163840xf32, #tpu.memory_space<hbm>> -> memref<10240xf32, #tpu.memory_space<hbm>>
    tpu.wait_dma2 semaphore(%arg27 : memref<!tpu.dma_semaphore, #tpu.memory_space<semaphore_mem>>) src(%dma_wait3A_116 : memref<10240xf32, #tpu.memory_space<hbm>>) dst(%arg10 : memref<10240xf32, #tpu.memory_space<vmem>>)
    %dma_wait3A_117 = tpu.memref_slice %arg3[%mul3A_4] : memref<163840xf32, #tpu.memory_space<hbm>> -> memref<10240xf32, #tpu.memory_space<hbm>>
    %dma_wait3A_118 = tpu.memref_slice %arg3[%mul3A_4] : memref<163840xf32, #tpu.memory_space<hbm>> -> memref<10240xf32, #tpu.memory_space<hbm>>
    tpu.wait_dma2 semaphore(%arg27 : memref<!tpu.dma_semaphore, #tpu.memory_space<semaphore_mem>>) src(%dma_wait3A_118 : memref<10240xf32, #tpu.memory_space<hbm>>) dst(%arg11 : memref<10240xf32, #tpu.memory_space<vmem>>)
    %dma_wait3A_119 = tpu.memref_slice %arg3[%mul3A_4] : memref<163840xf32, #tpu.memory_space<hbm>> -> memref<10240xf32, #tpu.memory_space<hbm>>
    %dma_wait3A_120 = tpu.memref_slice %arg3[%mul3A_4] : memref<163840xf32, #tpu.memory_space<hbm>> -> memref<10240xf32, #tpu.memory_space<hbm>>
    tpu.wait_dma2 semaphore(%arg27 : memref<!tpu.dma_semaphore, #tpu.memory_space<semaphore_mem>>) src(%dma_wait3A_120 : memref<10240xf32, #tpu.memory_space<hbm>>) dst(%arg12 : memref<10240xf32, #tpu.memory_space<vmem>>)
    %dma_wait3A_121 = tpu.memref_slice %arg3[%mul3A_4] : memref<163840xf32, #tpu.memory_space<hbm>> -> memref<10240xf32, #tpu.memory_space<hbm>>
    %dma_wait3A_122 = tpu.memref_slice %arg3[%mul3A_4] : memref<163840xf32, #tpu.memory_space<hbm>> -> memref<10240xf32, #tpu.memory_space<hbm>>
    tpu.wait_dma2 semaphore(%arg27 : memref<!tpu.dma_semaphore, #tpu.memory_space<semaphore_mem>>) src(%dma_wait3A_122 : memref<10240xf32, #tpu.memory_space<hbm>>) dst(%arg10 : memref<10240xf32, #tpu.memory_space<vmem>>)
    %barrier3A_123 = arith.constant 0 : index
    tpu.barrier barrier_id(%barrier3A_123)
    "tpu.region"() ({
      %run_scoped3A = tpu.sem_alloc : memref<!tpu.dma_semaphore, #tpu.memory_space<semaphore_mem>>
      %dma_start3A_1233 = tpu.memref_slice %arg26[%mul3A_99] : memref<10240xf32, #tpu.memory_space<vmem_shared>> -> memref<640xf32, #tpu.memory_space<vmem_shared>>
      %dma_start3A_1234 = tpu.memref_slice %arg26[%mul3A_99] : memref<10240xf32, #tpu.memory_space<vmem_shared>> -> memref<640xf32, #tpu.memory_space<vmem_shared>>
      tpu.enqueue_dma source(%dma_start3A_1234 : memref<640xf32, #tpu.memory_space<vmem_shared>>) target(%arg21 : memref<640xf32, #tpu.memory_space<vmem>>) target_semaphore(%run_scoped3A : memref<!tpu.dma_semaphore, #tpu.memory_space<semaphore_mem>>)
      %dma_wait3A_1235 = tpu.memref_slice %arg26[%mul3A_99] : memref<10240xf32, #tpu.memory_space<vmem_shared>> -> memref<640xf32, #tpu.memory_space<vmem_shared>>
      %dma_wait3A_1236 = tpu.memref_slice %arg26[%mul3A_99] : memref<10240xf32, #tpu.memory_space<vmem_shared>> -> memref<640xf32, #tpu.memory_space<vmem_shared>>
      tpu.wait_dma2 semaphore(%run_scoped3A : memref<!tpu.dma_semaphore, #tpu.memory_space<semaphore_mem>>) src(%dma_wait3A_1236 : memref<640xf32, #tpu.memory_space<vmem_shared>>) dst(%arg21 : memref<640xf32, #tpu.memory_space<vmem>>)
      tpu.yield
    }) : () -> ()
    %get3A = arith.constant 0 : index
    %get3A_124 = tpu.vector_load %arg21[%get3A] {strides = array<i32>} : memref<640xf32, #tpu.memory_space<vmem>>, vector<16xf32>,
    %max3A = arith.maximumf %get3A_124, %broadcast_in_dim3A_12 : vector<16xf32>
    %div3A = arith.divf %broadcast_in_dim3A_12, %max3A : vector<16xf32>
    %swap3A_125 = arith.constant 0 : index
    %swap3A_126 = tpu.vector_load %arg21[%swap3A_125] {strides = array<i32>} : memref<640xf32, #tpu.memory_space<vmem>>, vector<16xf32>,
    tpu.vector_store %arg21[%swap3A_125], %div3A {strides = array<i32>} : memref<640xf32, #tpu.memory_space<vmem>>, vector<16xf32>,
    %get3A_127 = arith.constant 16 : index
    %get3A_128 = tpu.vector_load %arg21[%get3A_127] {strides = array<i32>} : memref<640xf32, #tpu.memory_space<vmem>>, vector<16xf32>,
    %max3A_129 = arith.maximumf %get3A_128, %broadcast_in_dim3A_12 : vector<16xf32>
    %div3A_130 = arith.divf %broadcast_in_dim3A_12, %max3A_129 : vector<16xf32>
    %swap3A_131 = arith.constant 16 : index
    %swap3A_132 = tpu.vector_load %arg21[%swap3A_131] {strides = array<i32>} : memref<640xf32, #tpu.memory_space<vmem>>, vector<16xf32>,
    tpu.vector_store %arg21[%swap3A_131], %div3A_130 {strides = array<i32>} : memref<640xf32, #tpu.memory_space<vmem>>, vector<16xf32>,
    %get3A_133 = arith.constant 32 : index
    %get3A_134 = tpu.vector_load %arg21[%get3A_133] {strides = array<i32>} : memref<640xf32, #tpu.memory_space<vmem>>, vector<16xf32>,
    %max3A_135 = arith.maximumf %get3A_134, %broadcast_in_dim3A_12 : vector<16xf32>
    %div3A_136 = arith.divf %broadcast_in_dim3A_12, %max3A_135 : vector<16xf32>
    %swap3A_137 = arith.constant 32 : index
    %swap3A_138 = tpu.vector_load %arg21[%swap3A_137] {strides = array<i32>} : memref<640xf32, #tpu.memory_space<vmem>>, vector<16xf32>,
    tpu.vector_store %arg21[%swap3A_137], %div3A_136 {strides = array<i32>} : memref<640xf32, #tpu.memory_space<vmem>>, vector<16xf32>,
    %get3A_139 = arith.constant 48 : index
    %get3A_140 = tpu.vector_load %arg21[%get3A_139] {strides = array<i32>} : memref<640xf32, #tpu.memory_space<vmem>>, vector<16xf32>,
    %max3A_141 = arith.maximumf %get3A_140, %broadcast_in_dim3A_12 : vector<16xf32>
    %div3A_142 = arith.divf %broadcast_in_dim3A_12, %max3A_141 : vector<16xf32>
    %swap3A_143 = arith.constant 48 : index
    %swap3A_144 = tpu.vector_load %arg21[%swap3A_143] {strides = array<i32>} : memref<640xf32, #tpu.memory_space<vmem>>, vector<16xf32>,
    tpu.vector_store %arg21[%swap3A_143], %div3A_142 {strides = array<i32>} : memref<640xf32, #tpu.memory_space<vmem>>, vector<16xf32>,
    %get3A_145 = arith.constant 64 : index
    %get3A_146 = tpu.vector_load %arg21[%get3A_145] {strides = array<i32>} : memref<640xf32, #tpu.memory_space<vmem>>, vector<16xf32>,
    %max3A_147 = arith.maximumf %get3A_146, %broadcast_in_dim3A_12 : vector<16xf32>
    %div3A_148 = arith.divf %broadcast_in_dim3A_12, %max3A_147 : vector<16xf32>
    %swap3A_149 = arith.constant 64 : index
    %swap3A_150 = tpu.vector_load %arg21[%swap3A_149] {strides = array<i32>} : memref<640xf32, #tpu.memory_space<vmem>>, vector<16xf32>,
    tpu.vector_store %arg21[%swap3A_149], %div3A_148 {strides = array<i32>} : memref<640xf32, #tpu.memory_space<vmem>>, vector<16xf32>,
    %get3A_151 = arith.constant 80 : index
    %get3A_152 = tpu.vector_load %arg21[%get3A_151] {strides = array<i32>} : memref<640xf32, #tpu.memory_space<vmem>>, vector<16xf32>,
    %max3A_153 = arith.maximumf %get3A_152, %broadcast_in_dim3A_12 : vector<16xf32>
    %div3A_154 = arith.divf %broadcast_in_dim3A_12, %max3A_153 : vector<16xf32>
    %swap3A_155 = arith.constant 80 : index
    %swap3A_156 = tpu.vector_load %arg21[%swap3A_155] {strides = array<i32>} : memref<640xf32, #tpu.memory_space<vmem>>, vector<16xf32>,
    tpu.vector_store %arg21[%swap3A_155], %div3A_154 {strides = array<i32>} : memref<640xf32, #tpu.memory_space<vmem>>, vector<16xf32>,
    %get3A_157 = arith.constant 96 : index
    %get3A_158 = tpu.vector_load %arg21[%get3A_157] {strides = array<i32>} : memref<640xf32, #tpu.memory_space<vmem>>, vector<16xf32>,
    %max3A_159 = arith.maximumf %get3A_158, %broadcast_in_dim3A_12 : vector<16xf32>
    %div3A_160 = arith.divf %broadcast_in_dim3A_12, %max3A_159 : vector<16xf32>
    %swap3A_161 = arith.constant 96 : index
    %swap3A_162 = tpu.vector_load %arg21[%swap3A_161] {strides = array<i32>} : memref<640xf32, #tpu.memory_space<vmem>>, vector<16xf32>,
    tpu.vector_store %arg21[%swap3A_161], %div3A_160 {strides = array<i32>} : memref<640xf32, #tpu.memory_space<vmem>>, vector<16xf32>,
    %get3A_163 = arith.constant 112 : index
    %get3A_164 = tpu.vector_load %arg21[%get3A_163] {strides = array<i32>} : memref<640xf32, #tpu.memory_space<vmem>>, vector<16xf32>,
    %max3A_165 = arith.maximumf %get3A_164, %broadcast_in_dim3A_12 : vector<16xf32>
    %div3A_166 = arith.divf %broadcast_in_dim3A_12, %max3A_165 : vector<16xf32>
    %swap3A_167 = arith.constant 112 : index
    %swap3A_168 = tpu.vector_load %arg21[%swap3A_167] {strides = array<i32>} : memref<640xf32, #tpu.memory_space<vmem>>, vector<16xf32>,
    tpu.vector_store %arg21[%swap3A_167], %div3A_166 {strides = array<i32>} : memref<640xf32, #tpu.memory_space<vmem>>, vector<16xf32>,
    %get3A_169 = arith.constant 128 : index
    %get3A_170 = tpu.vector_load %arg21[%get3A_169] {strides = array<i32>} : memref<640xf32, #tpu.memory_space<vmem>>, vector<16xf32>,
    %max3A_171 = arith.maximumf %get3A_170, %broadcast_in_dim3A_12 : vector<16xf32>
    %div3A_172 = arith.divf %broadcast_in_dim3A_12, %max3A_171 : vector<16xf32>
    %swap3A_173 = arith.constant 128 : index
    %swap3A_174 = tpu.vector_load %arg21[%swap3A_173] {strides = array<i32>} : memref<640xf32, #tpu.memory_space<vmem>>, vector<16xf32>,
    tpu.vector_store %arg21[%swap3A_173], %div3A_172 {strides = array<i32>} : memref<640xf32, #tpu.memory_space<vmem>>, vector<16xf32>,
    %get3A_175 = arith.constant 144 : index
    %get3A_176 = tpu.vector_load %arg21[%get3A_175] {strides = array<i32>} : memref<640xf32, #tpu.memory_space<vmem>>, vector<16xf32>,
    %max3A_177 = arith.maximumf %get3A_176, %broadcast_in_dim3A_12 : vector<16xf32>
    %div3A_178 = arith.divf %broadcast_in_dim3A_12, %max3A_177 : vector<16xf32>
    %swap3A_179 = arith.constant 144 : index
    %swap3A_180 = tpu.vector_load %arg21[%swap3A_179] {strides = array<i32>} : memref<640xf32, #tpu.memory_space<vmem>>, vector<16xf32>,
    tpu.vector_store %arg21[%swap3A_179], %div3A_178 {strides = array<i32>} : memref<640xf32, #tpu.memory_space<vmem>>, vector<16xf32>,
    %get3A_181 = arith.constant 160 : index
    %get3A_182 = tpu.vector_load %arg21[%get3A_181] {strides = array<i32>} : memref<640xf32, #tpu.memory_space<vmem>>, vector<16xf32>,
    %max3A_183 = arith.maximumf %get3A_182, %broadcast_in_dim3A_12 : vector<16xf32>
    %div3A_184 = arith.divf %broadcast_in_dim3A_12, %max3A_183 : vector<16xf32>
    %swap3A_185 = arith.constant 160 : index
    %swap3A_186 = tpu.vector_load %arg21[%swap3A_185] {strides = array<i32>} : memref<640xf32, #tpu.memory_space<vmem>>, vector<16xf32>,
    tpu.vector_store %arg21[%swap3A_185], %div3A_184 {strides = array<i32>} : memref<640xf32, #tpu.memory_space<vmem>>, vector<16xf32>,
    %get3A_187 = arith.constant 176 : index
    %get3A_188 = tpu.vector_load %arg21[%get3A_187] {strides = array<i32>} : memref<640xf32, #tpu.memory_space<vmem>>, vector<16xf32>,
    %max3A_189 = arith.maximumf %get3A_188, %broadcast_in_dim3A_12 : vector<16xf32>
    %div3A_190 = arith.divf %broadcast_in_dim3A_12, %max3A_189 : vector<16xf32>
    %swap3A_191 = arith.constant 176 : index
    %swap3A_192 = tpu.vector_load %arg21[%swap3A_191] {strides = array<i32>} : memref<640xf32, #tpu.memory_space<vmem>>, vector<16xf32>,
    tpu.vector_store %arg21[%swap3A_191], %div3A_190 {strides = array<i32>} : memref<640xf32, #tpu.memory_space<vmem>>, vector<16xf32>,
    %get3A_193 = arith.constant 192 : index
    %get3A_194 = tpu.vector_load %arg21[%get3A_193] {strides = array<i32>} : memref<640xf32, #tpu.memory_space<vmem>>, vector<16xf32>,
    %max3A_195 = arith.maximumf %get3A_194, %broadcast_in_dim3A_12 : vector<16xf32>
    %div3A_196 = arith.divf %broadcast_in_dim3A_12, %max3A_195 : vector<16xf32>
    %swap3A_197 = arith.constant 192 : index
    %swap3A_198 = tpu.vector_load %arg21[%swap3A_197] {strides = array<i32>} : memref<640xf32, #tpu.memory_space<vmem>>, vector<16xf32>,
    tpu.vector_store %arg21[%swap3A_197], %div3A_196 {strides = array<i32>} : memref<640xf32, #tpu.memory_space<vmem>>, vector<16xf32>,
    %get3A_199 = arith.constant 208 : index
    %get3A_200 = tpu.vector_load %arg21[%get3A_199] {strides = array<i32>} : memref<640xf32, #tpu.memory_space<vmem>>, vector<16xf32>,
    %max3A_201 = arith.maximumf %get3A_200, %broadcast_in_dim3A_12 : vector<16xf32>
    %div3A_202 = arith.divf %broadcast_in_dim3A_12, %max3A_201 : vector<16xf32>
    %swap3A_203 = arith.constant 208 : index
    %swap3A_204 = tpu.vector_load %arg21[%swap3A_203] {strides = array<i32>} : memref<640xf32, #tpu.memory_space<vmem>>, vector<16xf32>,
    tpu.vector_store %arg21[%swap3A_203], %div3A_202 {strides = array<i32>} : memref<640xf32, #tpu.memory_space<vmem>>, vector<16xf32>,
    %get3A_205 = arith.constant 224 : index
    %get3A_206 = tpu.vector_load %arg21[%get3A_205] {strides = array<i32>} : memref<640xf32, #tpu.memory_space<vmem>>, vector<16xf32>,
    %max3A_207 = arith.maximumf %get3A_206, %broadcast_in_dim3A_12 : vector<16xf32>
    %div3A_208 = arith.divf %broadcast_in_dim3A_12, %max3A_207 : vector<16xf32>
    %swap3A_209 = arith.constant 224 : index
    %swap3A_210 = tpu.vector_load %arg21[%swap3A_209] {strides = array<i32>} : memref<640xf32, #tpu.memory_space<vmem>>, vector<16xf32>,
    tpu.vector_store %arg21[%swap3A_209], %div3A_208 {strides = array<i32>} : memref<640xf32, #tpu.memory_space<vmem>>, vector<16xf32>,
    %get3A_211 = arith.constant 240 : index
    %get3A_212 = tpu.vector_load %arg21[%get3A_211] {strides = array<i32>} : memref<640xf32, #tpu.memory_space<vmem>>, vector<16xf32>,
    %max3A_213 = arith.maximumf %get3A_212, %broadcast_in_dim3A_12 : vector<16xf32>
    %div3A_214 = arith.divf %broadcast_in_dim3A_12, %max3A_213 : vector<16xf32>
    %swap3A_215 = arith.constant 240 : index
    %swap3A_216 = tpu.vector_load %arg21[%swap3A_215] {strides = array<i32>} : memref<640xf32, #tpu.memory_space<vmem>>, vector<16xf32>,
    tpu.vector_store %arg21[%swap3A_215], %div3A_214 {strides = array<i32>} : memref<640xf32, #tpu.memory_space<vmem>>, vector<16xf32>,
    %get3A_217 = arith.constant 256 : index
    %get3A_218 = tpu.vector_load %arg21[%get3A_217] {strides = array<i32>} : memref<640xf32, #tpu.memory_space<vmem>>, vector<16xf32>,
    %max3A_219 = arith.maximumf %get3A_218, %broadcast_in_dim3A_12 : vector<16xf32>
    %div3A_220 = arith.divf %broadcast_in_dim3A_12, %max3A_219 : vector<16xf32>
    %swap3A_221 = arith.constant 256 : index
    %swap3A_222 = tpu.vector_load %arg21[%swap3A_221] {strides = array<i32>} : memref<640xf32, #tpu.memory_space<vmem>>, vector<16xf32>,
    tpu.vector_store %arg21[%swap3A_221], %div3A_220 {strides = array<i32>} : memref<640xf32, #tpu.memory_space<vmem>>, vector<16xf32>,
    %get3A_223 = arith.constant 272 : index
    %get3A_224 = tpu.vector_load %arg21[%get3A_223] {strides = array<i32>} : memref<640xf32, #tpu.memory_space<vmem>>, vector<16xf32>,
    %max3A_225 = arith.maximumf %get3A_224, %broadcast_in_dim3A_12 : vector<16xf32>
    %div3A_226 = arith.divf %broadcast_in_dim3A_12, %max3A_225 : vector<16xf32>
    %swap3A_227 = arith.constant 272 : index
    %swap3A_228 = tpu.vector_load %arg21[%swap3A_227] {strides = array<i32>} : memref<640xf32, #tpu.memory_space<vmem>>, vector<16xf32>,
    tpu.vector_store %arg21[%swap3A_227], %div3A_226 {strides = array<i32>} : memref<640xf32, #tpu.memory_space<vmem>>, vector<16xf32>,
    %get3A_229 = arith.constant 288 : index
    %get3A_230 = tpu.vector_load %arg21[%get3A_229] {strides = array<i32>} : memref<640xf32, #tpu.memory_space<vmem>>, vector<16xf32>,
    %max3A_231 = arith.maximumf %get3A_230, %broadcast_in_dim3A_12 : vector<16xf32>
    %div3A_232 = arith.divf %broadcast_in_dim3A_12, %max3A_231 : vector<16xf32>
    %swap3A_233 = arith.constant 288 : index
    %swap3A_234 = tpu.vector_load %arg21[%swap3A_233] {strides = array<i32>} : memref<640xf32, #tpu.memory_space<vmem>>, vector<16xf32>,
    tpu.vector_store %arg21[%swap3A_233], %div3A_232 {strides = array<i32>} : memref<640xf32, #tpu.memory_space<vmem>>, vector<16xf32>,
    %get3A_235 = arith.constant 304 : index
    %get3A_236 = tpu.vector_load %arg21[%get3A_235] {strides = array<i32>} : memref<640xf32, #tpu.memory_space<vmem>>, vector<16xf32>,
    %max3A_237 = arith.maximumf %get3A_236, %broadcast_in_dim3A_12 : vector<16xf32>
    %div3A_238 = arith.divf %broadcast_in_dim3A_12, %max3A_237 : vector<16xf32>
    %swap3A_239 = arith.constant 304 : index
    %swap3A_240 = tpu.vector_load %arg21[%swap3A_239] {strides = array<i32>} : memref<640xf32, #tpu.memory_space<vmem>>, vector<16xf32>,
    tpu.vector_store %arg21[%swap3A_239], %div3A_238 {strides = array<i32>} : memref<640xf32, #tpu.memory_space<vmem>>, vector<16xf32>,
    %get3A_241 = arith.constant 320 : index
    %get3A_242 = tpu.vector_load %arg21[%get3A_241] {strides = array<i32>} : memref<640xf32, #tpu.memory_space<vmem>>, vector<16xf32>,
    %max3A_243 = arith.maximumf %get3A_242, %broadcast_in_dim3A_12 : vector<16xf32>
    %div3A_244 = arith.divf %broadcast_in_dim3A_12, %max3A_243 : vector<16xf32>
    %swap3A_245 = arith.constant 320 : index
    %swap3A_246 = tpu.vector_load %arg21[%swap3A_245] {strides = array<i32>} : memref<640xf32, #tpu.memory_space<vmem>>, vector<16xf32>,
    tpu.vector_store %arg21[%swap3A_245], %div3A_244 {strides = array<i32>} : memref<640xf32, #tpu.memory_space<vmem>>, vector<16xf32>,
    %get3A_247 = arith.constant 336 : index
    %get3A_248 = tpu.vector_load %arg21[%get3A_247] {strides = array<i32>} : memref<640xf32, #tpu.memory_space<vmem>>, vector<16xf32>,
    %max3A_249 = arith.maximumf %get3A_248, %broadcast_in_dim3A_12 : vector<16xf32>
    %div3A_250 = arith.divf %broadcast_in_dim3A_12, %max3A_249 : vector<16xf32>
    %swap3A_251 = arith.constant 336 : index
    %swap3A_252 = tpu.vector_load %arg21[%swap3A_251] {strides = array<i32>} : memref<640xf32, #tpu.memory_space<vmem>>, vector<16xf32>,
    tpu.vector_store %arg21[%swap3A_251], %div3A_250 {strides = array<i32>} : memref<640xf32, #tpu.memory_space<vmem>>, vector<16xf32>,
    %get3A_253 = arith.constant 352 : index
    %get3A_254 = tpu.vector_load %arg21[%get3A_253] {strides = array<i32>} : memref<640xf32, #tpu.memory_space<vmem>>, vector<16xf32>,
    %max3A_255 = arith.maximumf %get3A_254, %broadcast_in_dim3A_12 : vector<16xf32>
    %div3A_256 = arith.divf %broadcast_in_dim3A_12, %max3A_255 : vector<16xf32>
    %swap3A_257 = arith.constant 352 : index
    %swap3A_258 = tpu.vector_load %arg21[%swap3A_257] {strides = array<i32>} : memref<640xf32, #tpu.memory_space<vmem>>, vector<16xf32>,
    tpu.vector_store %arg21[%swap3A_257], %div3A_256 {strides = array<i32>} : memref<640xf32, #tpu.memory_space<vmem>>, vector<16xf32>,
    %get3A_259 = arith.constant 368 : index
    %get3A_260 = tpu.vector_load %arg21[%get3A_259] {strides = array<i32>} : memref<640xf32, #tpu.memory_space<vmem>>, vector<16xf32>,
    %max3A_261 = arith.maximumf %get3A_260, %broadcast_in_dim3A_12 : vector<16xf32>
    %div3A_262 = arith.divf %broadcast_in_dim3A_12, %max3A_261 : vector<16xf32>
    %swap3A_263 = arith.constant 368 : index
    %swap3A_264 = tpu.vector_load %arg21[%swap3A_263] {strides = array<i32>} : memref<640xf32, #tpu.memory_space<vmem>>, vector<16xf32>,
    tpu.vector_store %arg21[%swap3A_263], %div3A_262 {strides = array<i32>} : memref<640xf32, #tpu.memory_space<vmem>>, vector<16xf32>,
    %get3A_265 = arith.constant 384 : index
    %get3A_266 = tpu.vector_load %arg21[%get3A_265] {strides = array<i32>} : memref<640xf32, #tpu.memory_space<vmem>>, vector<16xf32>,
    %max3A_267 = arith.maximumf %get3A_266, %broadcast_in_dim3A_12 : vector<16xf32>
    %div3A_268 = arith.divf %broadcast_in_dim3A_12, %max3A_267 : vector<16xf32>
    %swap3A_269 = arith.constant 384 : index
    %swap3A_270 = tpu.vector_load %arg21[%swap3A_269] {strides = array<i32>} : memref<640xf32, #tpu.memory_space<vmem>>, vector<16xf32>,
    tpu.vector_store %arg21[%swap3A_269], %div3A_268 {strides = array<i32>} : memref<640xf32, #tpu.memory_space<vmem>>, vector<16xf32>,
    %get3A_271 = arith.constant 400 : index
    %get3A_272 = tpu.vector_load %arg21[%get3A_271] {strides = array<i32>} : memref<640xf32, #tpu.memory_space<vmem>>, vector<16xf32>,
    %max3A_273 = arith.maximumf %get3A_272, %broadcast_in_dim3A_12 : vector<16xf32>
    %div3A_274 = arith.divf %broadcast_in_dim3A_12, %max3A_273 : vector<16xf32>
    %swap3A_275 = arith.constant 400 : index
    %swap3A_276 = tpu.vector_load %arg21[%swap3A_275] {strides = array<i32>} : memref<640xf32, #tpu.memory_space<vmem>>, vector<16xf32>,
    tpu.vector_store %arg21[%swap3A_275], %div3A_274 {strides = array<i32>} : memref<640xf32, #tpu.memory_space<vmem>>, vector<16xf32>,
    %get3A_277 = arith.constant 416 : index
    %get3A_278 = tpu.vector_load %arg21[%get3A_277] {strides = array<i32>} : memref<640xf32, #tpu.memory_space<vmem>>, vector<16xf32>,
    %max3A_279 = arith.maximumf %get3A_278, %broadcast_in_dim3A_12 : vector<16xf32>
    %div3A_280 = arith.divf %broadcast_in_dim3A_12, %max3A_279 : vector<16xf32>
    %swap3A_281 = arith.constant 416 : index
    %swap3A_282 = tpu.vector_load %arg21[%swap3A_281] {strides = array<i32>} : memref<640xf32, #tpu.memory_space<vmem>>, vector<16xf32>,
    tpu.vector_store %arg21[%swap3A_281], %div3A_280 {strides = array<i32>} : memref<640xf32, #tpu.memory_space<vmem>>, vector<16xf32>,
    %get3A_283 = arith.constant 432 : index
    %get3A_284 = tpu.vector_load %arg21[%get3A_283] {strides = array<i32>} : memref<640xf32, #tpu.memory_space<vmem>>, vector<16xf32>,
    %max3A_285 = arith.maximumf %get3A_284, %broadcast_in_dim3A_12 : vector<16xf32>
    %div3A_286 = arith.divf %broadcast_in_dim3A_12, %max3A_285 : vector<16xf32>
    %swap3A_287 = arith.constant 432 : index
    %swap3A_288 = tpu.vector_load %arg21[%swap3A_287] {strides = array<i32>} : memref<640xf32, #tpu.memory_space<vmem>>, vector<16xf32>,
    tpu.vector_store %arg21[%swap3A_287], %div3A_286 {strides = array<i32>} : memref<640xf32, #tpu.memory_space<vmem>>, vector<16xf32>,
    %get3A_289 = arith.constant 448 : index
    %get3A_290 = tpu.vector_load %arg21[%get3A_289] {strides = array<i32>} : memref<640xf32, #tpu.memory_space<vmem>>, vector<16xf32>,
    %max3A_291 = arith.maximumf %get3A_290, %broadcast_in_dim3A_12 : vector<16xf32>
    %div3A_292 = arith.divf %broadcast_in_dim3A_12, %max3A_291 : vector<16xf32>
    %swap3A_293 = arith.constant 448 : index
    %swap3A_294 = tpu.vector_load %arg21[%swap3A_293] {strides = array<i32>} : memref<640xf32, #tpu.memory_space<vmem>>, vector<16xf32>,
    tpu.vector_store %arg21[%swap3A_293], %div3A_292 {strides = array<i32>} : memref<640xf32, #tpu.memory_space<vmem>>, vector<16xf32>,
    %get3A_295 = arith.constant 464 : index
    %get3A_296 = tpu.vector_load %arg21[%get3A_295] {strides = array<i32>} : memref<640xf32, #tpu.memory_space<vmem>>, vector<16xf32>,
    %max3A_297 = arith.maximumf %get3A_296, %broadcast_in_dim3A_12 : vector<16xf32>
    %div3A_298 = arith.divf %broadcast_in_dim3A_12, %max3A_297 : vector<16xf32>
    %swap3A_299 = arith.constant 464 : index
    %swap3A_300 = tpu.vector_load %arg21[%swap3A_299] {strides = array<i32>} : memref<640xf32, #tpu.memory_space<vmem>>, vector<16xf32>,
    tpu.vector_store %arg21[%swap3A_299], %div3A_298 {strides = array<i32>} : memref<640xf32, #tpu.memory_space<vmem>>, vector<16xf32>,
    %get3A_301 = arith.constant 480 : index
    %get3A_302 = tpu.vector_load %arg21[%get3A_301] {strides = array<i32>} : memref<640xf32, #tpu.memory_space<vmem>>, vector<16xf32>,
    %max3A_303 = arith.maximumf %get3A_302, %broadcast_in_dim3A_12 : vector<16xf32>
    %div3A_304 = arith.divf %broadcast_in_dim3A_12, %max3A_303 : vector<16xf32>
    %swap3A_305 = arith.constant 480 : index
    %swap3A_306 = tpu.vector_load %arg21[%swap3A_305] {strides = array<i32>} : memref<640xf32, #tpu.memory_space<vmem>>, vector<16xf32>,
    tpu.vector_store %arg21[%swap3A_305], %div3A_304 {strides = array<i32>} : memref<640xf32, #tpu.memory_space<vmem>>, vector<16xf32>,
    %get3A_307 = arith.constant 496 : index
    %get3A_308 = tpu.vector_load %arg21[%get3A_307] {strides = array<i32>} : memref<640xf32, #tpu.memory_space<vmem>>, vector<16xf32>,
    %max3A_309 = arith.maximumf %get3A_308, %broadcast_in_dim3A_12 : vector<16xf32>
    %div3A_310 = arith.divf %broadcast_in_dim3A_12, %max3A_309 : vector<16xf32>
    %swap3A_311 = arith.constant 496 : index
    %swap3A_312 = tpu.vector_load %arg21[%swap3A_311] {strides = array<i32>} : memref<640xf32, #tpu.memory_space<vmem>>, vector<16xf32>,
    tpu.vector_store %arg21[%swap3A_311], %div3A_310 {strides = array<i32>} : memref<640xf32, #tpu.memory_space<vmem>>, vector<16xf32>,
    %get3A_313 = arith.constant 512 : index
    %get3A_314 = tpu.vector_load %arg21[%get3A_313] {strides = array<i32>} : memref<640xf32, #tpu.memory_space<vmem>>, vector<16xf32>,
    %max3A_315 = arith.maximumf %get3A_314, %broadcast_in_dim3A_12 : vector<16xf32>
    %div3A_316 = arith.divf %broadcast_in_dim3A_12, %max3A_315 : vector<16xf32>
    %swap3A_317 = arith.constant 512 : index
    %swap3A_318 = tpu.vector_load %arg21[%swap3A_317] {strides = array<i32>} : memref<640xf32, #tpu.memory_space<vmem>>, vector<16xf32>,
    tpu.vector_store %arg21[%swap3A_317], %div3A_316 {strides = array<i32>} : memref<640xf32, #tpu.memory_space<vmem>>, vector<16xf32>,
    %get3A_319 = arith.constant 528 : index
    %get3A_320 = tpu.vector_load %arg21[%get3A_319] {strides = array<i32>} : memref<640xf32, #tpu.memory_space<vmem>>, vector<16xf32>,
    %max3A_321 = arith.maximumf %get3A_320, %broadcast_in_dim3A_12 : vector<16xf32>
    %div3A_322 = arith.divf %broadcast_in_dim3A_12, %max3A_321 : vector<16xf32>
    %swap3A_323 = arith.constant 528 : index
    %swap3A_324 = tpu.vector_load %arg21[%swap3A_323] {strides = array<i32>} : memref<640xf32, #tpu.memory_space<vmem>>, vector<16xf32>,
    tpu.vector_store %arg21[%swap3A_323], %div3A_322 {strides = array<i32>} : memref<640xf32, #tpu.memory_space<vmem>>, vector<16xf32>,
    %get3A_325 = arith.constant 544 : index
    %get3A_326 = tpu.vector_load %arg21[%get3A_325] {strides = array<i32>} : memref<640xf32, #tpu.memory_space<vmem>>, vector<16xf32>,
    %max3A_327 = arith.maximumf %get3A_326, %broadcast_in_dim3A_12 : vector<16xf32>
    %div3A_328 = arith.divf %broadcast_in_dim3A_12, %max3A_327 : vector<16xf32>
    %swap3A_329 = arith.constant 544 : index
    %swap3A_330 = tpu.vector_load %arg21[%swap3A_329] {strides = array<i32>} : memref<640xf32, #tpu.memory_space<vmem>>, vector<16xf32>,
    tpu.vector_store %arg21[%swap3A_329], %div3A_328 {strides = array<i32>} : memref<640xf32, #tpu.memory_space<vmem>>, vector<16xf32>,
    %get3A_331 = arith.constant 560 : index
    %get3A_332 = tpu.vector_load %arg21[%get3A_331] {strides = array<i32>} : memref<640xf32, #tpu.memory_space<vmem>>, vector<16xf32>,
    %max3A_333 = arith.maximumf %get3A_332, %broadcast_in_dim3A_12 : vector<16xf32>
    %div3A_334 = arith.divf %broadcast_in_dim3A_12, %max3A_333 : vector<16xf32>
    %swap3A_335 = arith.constant 560 : index
    %swap3A_336 = tpu.vector_load %arg21[%swap3A_335] {strides = array<i32>} : memref<640xf32, #tpu.memory_space<vmem>>, vector<16xf32>,
    tpu.vector_store %arg21[%swap3A_335], %div3A_334 {strides = array<i32>} : memref<640xf32, #tpu.memory_space<vmem>>, vector<16xf32>,
    %get3A_337 = arith.constant 576 : index
    %get3A_338 = tpu.vector_load %arg21[%get3A_337] {strides = array<i32>} : memref<640xf32, #tpu.memory_space<vmem>>, vector<16xf32>,
    %max3A_339 = arith.maximumf %get3A_338, %broadcast_in_dim3A_12 : vector<16xf32>
    %div3A_340 = arith.divf %broadcast_in_dim3A_12, %max3A_339 : vector<16xf32>
    %swap3A_341 = arith.constant 576 : index
    %swap3A_342 = tpu.vector_load %arg21[%swap3A_341] {strides = array<i32>} : memref<640xf32, #tpu.memory_space<vmem>>, vector<16xf32>,
    tpu.vector_store %arg21[%swap3A_341], %div3A_340 {strides = array<i32>} : memref<640xf32, #tpu.memory_space<vmem>>, vector<16xf32>,
    %get3A_343 = arith.constant 592 : index
    %get3A_344 = tpu.vector_load %arg21[%get3A_343] {strides = array<i32>} : memref<640xf32, #tpu.memory_space<vmem>>, vector<16xf32>,
    %max3A_345 = arith.maximumf %get3A_344, %broadcast_in_dim3A_12 : vector<16xf32>
    %div3A_346 = arith.divf %broadcast_in_dim3A_12, %max3A_345 : vector<16xf32>
    %swap3A_347 = arith.constant 592 : index
    %swap3A_348 = tpu.vector_load %arg21[%swap3A_347] {strides = array<i32>} : memref<640xf32, #tpu.memory_space<vmem>>, vector<16xf32>,
    tpu.vector_store %arg21[%swap3A_347], %div3A_346 {strides = array<i32>} : memref<640xf32, #tpu.memory_space<vmem>>, vector<16xf32>,
    %get3A_349 = arith.constant 608 : index
    %get3A_350 = tpu.vector_load %arg21[%get3A_349] {strides = array<i32>} : memref<640xf32, #tpu.memory_space<vmem>>, vector<16xf32>,
    %max3A_351 = arith.maximumf %get3A_350, %broadcast_in_dim3A_12 : vector<16xf32>
    %div3A_352 = arith.divf %broadcast_in_dim3A_12, %max3A_351 : vector<16xf32>
    %swap3A_353 = arith.constant 608 : index
    %swap3A_354 = tpu.vector_load %arg21[%swap3A_353] {strides = array<i32>} : memref<640xf32, #tpu.memory_space<vmem>>, vector<16xf32>,
    tpu.vector_store %arg21[%swap3A_353], %div3A_352 {strides = array<i32>} : memref<640xf32, #tpu.memory_space<vmem>>, vector<16xf32>,
    %get3A_355 = arith.constant 624 : index
    %get3A_356 = tpu.vector_load %arg21[%get3A_355] {strides = array<i32>} : memref<640xf32, #tpu.memory_space<vmem>>, vector<16xf32>,
    %max3A_357 = arith.maximumf %get3A_356, %broadcast_in_dim3A_12 : vector<16xf32>
    %div3A_358 = arith.divf %broadcast_in_dim3A_12, %max3A_357 : vector<16xf32>
    %swap3A_359 = arith.constant 624 : index
    %swap3A_360 = tpu.vector_load %arg21[%swap3A_359] {strides = array<i32>} : memref<640xf32, #tpu.memory_space<vmem>>, vector<16xf32>,
    tpu.vector_store %arg21[%swap3A_359], %div3A_358 {strides = array<i32>} : memref<640xf32, #tpu.memory_space<vmem>>, vector<16xf32>,
    "tpu.region"() ({
      %run_scoped3A = tpu.sem_alloc : memref<!tpu.dma_semaphore, #tpu.memory_space<semaphore_mem>>
      %dma_start3A_1233 = tpu.memref_slice %arg23[%mul3A_99] : memref<10240xf32, #tpu.memory_space<vmem_shared>> -> memref<640xf32, #tpu.memory_space<vmem_shared>>
      %dma_start3A_1234 = tpu.memref_slice %arg23[%mul3A_99] : memref<10240xf32, #tpu.memory_space<vmem_shared>> -> memref<640xf32, #tpu.memory_space<vmem_shared>>
      tpu.enqueue_dma source(%dma_start3A_1234 : memref<640xf32, #tpu.memory_space<vmem_shared>>) target(%arg22 : memref<640xf32, #tpu.memory_space<vmem>>) target_semaphore(%run_scoped3A : memref<!tpu.dma_semaphore, #tpu.memory_space<semaphore_mem>>)
      %dma_wait3A_1235 = tpu.memref_slice %arg23[%mul3A_99] : memref<10240xf32, #tpu.memory_space<vmem_shared>> -> memref<640xf32, #tpu.memory_space<vmem_shared>>
      %dma_wait3A_1236 = tpu.memref_slice %arg23[%mul3A_99] : memref<10240xf32, #tpu.memory_space<vmem_shared>> -> memref<640xf32, #tpu.memory_space<vmem_shared>>
      tpu.wait_dma2 semaphore(%run_scoped3A : memref<!tpu.dma_semaphore, #tpu.memory_space<semaphore_mem>>) src(%dma_wait3A_1236 : memref<640xf32, #tpu.memory_space<vmem_shared>>) dst(%arg22 : memref<640xf32, #tpu.memory_space<vmem>>)
      tpu.yield
    }) : () -> ()
    %get3A_361 = arith.constant 0 : index
    %get3A_362 = tpu.vector_load %arg22[%get3A_361] {strides = array<i32>} : memref<640xf32, #tpu.memory_space<vmem>>, vector<16xf32>,
    %get3A_363 = arith.constant 0 : index
    %get3A_364 = tpu.vector_load %arg21[%get3A_363] {strides = array<i32>} : memref<640xf32, #tpu.memory_space<vmem>>, vector<16xf32>,
    %mul3A_365 = arith.mulf %get3A_362, %get3A_364 : vector<16xf32>
    %swap3A_366 = arith.constant 0 : index
    %swap3A_367 = tpu.vector_load %arg22[%swap3A_366] {strides = array<i32>} : memref<640xf32, #tpu.memory_space<vmem>>, vector<16xf32>,
    tpu.vector_store %arg22[%swap3A_366], %mul3A_365 {strides = array<i32>} : memref<640xf32, #tpu.memory_space<vmem>>, vector<16xf32>,
    %get3A_368 = arith.constant 16 : index
    %get3A_369 = tpu.vector_load %arg22[%get3A_368] {strides = array<i32>} : memref<640xf32, #tpu.memory_space<vmem>>, vector<16xf32>,
    %get3A_370 = arith.constant 16 : index
    %get3A_371 = tpu.vector_load %arg21[%get3A_370] {strides = array<i32>} : memref<640xf32, #tpu.memory_space<vmem>>, vector<16xf32>,
    %mul3A_372 = arith.mulf %get3A_369, %get3A_371 : vector<16xf32>
    %swap3A_373 = arith.constant 16 : index
    %swap3A_374 = tpu.vector_load %arg22[%swap3A_373] {strides = array<i32>} : memref<640xf32, #tpu.memory_space<vmem>>, vector<16xf32>,
    tpu.vector_store %arg22[%swap3A_373], %mul3A_372 {strides = array<i32>} : memref<640xf32, #tpu.memory_space<vmem>>, vector<16xf32>,
    %get3A_375 = arith.constant 32 : index
    %get3A_376 = tpu.vector_load %arg22[%get3A_375] {strides = array<i32>} : memref<640xf32, #tpu.memory_space<vmem>>, vector<16xf32>,
    %get3A_377 = arith.constant 32 : index
    %get3A_378 = tpu.vector_load %arg21[%get3A_377] {strides = array<i32>} : memref<640xf32, #tpu.memory_space<vmem>>, vector<16xf32>,
    %mul3A_379 = arith.mulf %get3A_376, %get3A_378 : vector<16xf32>
    %swap3A_380 = arith.constant 32 : index
    %swap3A_381 = tpu.vector_load %arg22[%swap3A_380] {strides = array<i32>} : memref<640xf32, #tpu.memory_space<vmem>>, vector<16xf32>,
    tpu.vector_store %arg22[%swap3A_380], %mul3A_379 {strides = array<i32>} : memref<640xf32, #tpu.memory_space<vmem>>, vector<16xf32>,
    %get3A_382 = arith.constant 48 : index
    %get3A_383 = tpu.vector_load %arg22[%get3A_382] {strides = array<i32>} : memref<640xf32, #tpu.memory_space<vmem>>, vector<16xf32>,
    %get3A_384 = arith.constant 48 : index
    %get3A_385 = tpu.vector_load %arg21[%get3A_384] {strides = array<i32>} : memref<640xf32, #tpu.memory_space<vmem>>, vector<16xf32>,
    %mul3A_386 = arith.mulf %get3A_383, %get3A_385 : vector<16xf32>
    %swap3A_387 = arith.constant 48 : index
    %swap3A_388 = tpu.vector_load %arg22[%swap3A_387] {strides = array<i32>} : memref<640xf32, #tpu.memory_space<vmem>>, vector<16xf32>,
    tpu.vector_store %arg22[%swap3A_387], %mul3A_386 {strides = array<i32>} : memref<640xf32, #tpu.memory_space<vmem>>, vector<16xf32>,
    %get3A_389 = arith.constant 64 : index
    %get3A_390 = tpu.vector_load %arg22[%get3A_389] {strides = array<i32>} : memref<640xf32, #tpu.memory_space<vmem>>, vector<16xf32>,
    %get3A_391 = arith.constant 64 : index
    %get3A_392 = tpu.vector_load %arg21[%get3A_391] {strides = array<i32>} : memref<640xf32, #tpu.memory_space<vmem>>, vector<16xf32>,
    %mul3A_393 = arith.mulf %get3A_390, %get3A_392 : vector<16xf32>
    %swap3A_394 = arith.constant 64 : index
    %swap3A_395 = tpu.vector_load %arg22[%swap3A_394] {strides = array<i32>} : memref<640xf32, #tpu.memory_space<vmem>>, vector<16xf32>,
    tpu.vector_store %arg22[%swap3A_394], %mul3A_393 {strides = array<i32>} : memref<640xf32, #tpu.memory_space<vmem>>, vector<16xf32>,
    %get3A_396 = arith.constant 80 : index
    %get3A_397 = tpu.vector_load %arg22[%get3A_396] {strides = array<i32>} : memref<640xf32, #tpu.memory_space<vmem>>, vector<16xf32>,
    %get3A_398 = arith.constant 80 : index
    %get3A_399 = tpu.vector_load %arg21[%get3A_398] {strides = array<i32>} : memref<640xf32, #tpu.memory_space<vmem>>, vector<16xf32>,
    %mul3A_400 = arith.mulf %get3A_397, %get3A_399 : vector<16xf32>
    %swap3A_401 = arith.constant 80 : index
    %swap3A_402 = tpu.vector_load %arg22[%swap3A_401] {strides = array<i32>} : memref<640xf32, #tpu.memory_space<vmem>>, vector<16xf32>,
    tpu.vector_store %arg22[%swap3A_401], %mul3A_400 {strides = array<i32>} : memref<640xf32, #tpu.memory_space<vmem>>, vector<16xf32>,
    %get3A_403 = arith.constant 96 : index
    %get3A_404 = tpu.vector_load %arg22[%get3A_403] {strides = array<i32>} : memref<640xf32, #tpu.memory_space<vmem>>, vector<16xf32>,
    %get3A_405 = arith.constant 96 : index
    %get3A_406 = tpu.vector_load %arg21[%get3A_405] {strides = array<i32>} : memref<640xf32, #tpu.memory_space<vmem>>, vector<16xf32>,
    %mul3A_407 = arith.mulf %get3A_404, %get3A_406 : vector<16xf32>
    %swap3A_408 = arith.constant 96 : index
    %swap3A_409 = tpu.vector_load %arg22[%swap3A_408] {strides = array<i32>} : memref<640xf32, #tpu.memory_space<vmem>>, vector<16xf32>,
    tpu.vector_store %arg22[%swap3A_408], %mul3A_407 {strides = array<i32>} : memref<640xf32, #tpu.memory_space<vmem>>, vector<16xf32>,
    %get3A_410 = arith.constant 112 : index
    %get3A_411 = tpu.vector_load %arg22[%get3A_410] {strides = array<i32>} : memref<640xf32, #tpu.memory_space<vmem>>, vector<16xf32>,
    %get3A_412 = arith.constant 112 : index
    %get3A_413 = tpu.vector_load %arg21[%get3A_412] {strides = array<i32>} : memref<640xf32, #tpu.memory_space<vmem>>, vector<16xf32>,
    %mul3A_414 = arith.mulf %get3A_411, %get3A_413 : vector<16xf32>
    %swap3A_415 = arith.constant 112 : index
    %swap3A_416 = tpu.vector_load %arg22[%swap3A_415] {strides = array<i32>} : memref<640xf32, #tpu.memory_space<vmem>>, vector<16xf32>,
    tpu.vector_store %arg22[%swap3A_415], %mul3A_414 {strides = array<i32>} : memref<640xf32, #tpu.memory_space<vmem>>, vector<16xf32>,
    %get3A_417 = arith.constant 128 : index
    %get3A_418 = tpu.vector_load %arg22[%get3A_417] {strides = array<i32>} : memref<640xf32, #tpu.memory_space<vmem>>, vector<16xf32>,
    %get3A_419 = arith.constant 128 : index
    %get3A_420 = tpu.vector_load %arg21[%get3A_419] {strides = array<i32>} : memref<640xf32, #tpu.memory_space<vmem>>, vector<16xf32>,
    %mul3A_421 = arith.mulf %get3A_418, %get3A_420 : vector<16xf32>
    %swap3A_422 = arith.constant 128 : index
    %swap3A_423 = tpu.vector_load %arg22[%swap3A_422] {strides = array<i32>} : memref<640xf32, #tpu.memory_space<vmem>>, vector<16xf32>,
    tpu.vector_store %arg22[%swap3A_422], %mul3A_421 {strides = array<i32>} : memref<640xf32, #tpu.memory_space<vmem>>, vector<16xf32>,
    %get3A_424 = arith.constant 144 : index
    %get3A_425 = tpu.vector_load %arg22[%get3A_424] {strides = array<i32>} : memref<640xf32, #tpu.memory_space<vmem>>, vector<16xf32>,
    %get3A_426 = arith.constant 144 : index
    %get3A_427 = tpu.vector_load %arg21[%get3A_426] {strides = array<i32>} : memref<640xf32, #tpu.memory_space<vmem>>, vector<16xf32>,
    %mul3A_428 = arith.mulf %get3A_425, %get3A_427 : vector<16xf32>
    %swap3A_429 = arith.constant 144 : index
    %swap3A_430 = tpu.vector_load %arg22[%swap3A_429] {strides = array<i32>} : memref<640xf32, #tpu.memory_space<vmem>>, vector<16xf32>,
    tpu.vector_store %arg22[%swap3A_429], %mul3A_428 {strides = array<i32>} : memref<640xf32, #tpu.memory_space<vmem>>, vector<16xf32>,
    %get3A_431 = arith.constant 160 : index
    %get3A_432 = tpu.vector_load %arg22[%get3A_431] {strides = array<i32>} : memref<640xf32, #tpu.memory_space<vmem>>, vector<16xf32>,
    %get3A_433 = arith.constant 160 : index
    %get3A_434 = tpu.vector_load %arg21[%get3A_433] {strides = array<i32>} : memref<640xf32, #tpu.memory_space<vmem>>, vector<16xf32>,
    %mul3A_435 = arith.mulf %get3A_432, %get3A_434 : vector<16xf32>
    %swap3A_436 = arith.constant 160 : index
    %swap3A_437 = tpu.vector_load %arg22[%swap3A_436] {strides = array<i32>} : memref<640xf32, #tpu.memory_space<vmem>>, vector<16xf32>,
    tpu.vector_store %arg22[%swap3A_436], %mul3A_435 {strides = array<i32>} : memref<640xf32, #tpu.memory_space<vmem>>, vector<16xf32>,
    %get3A_438 = arith.constant 176 : index
    %get3A_439 = tpu.vector_load %arg22[%get3A_438] {strides = array<i32>} : memref<640xf32, #tpu.memory_space<vmem>>, vector<16xf32>,
    %get3A_440 = arith.constant 176 : index
    %get3A_441 = tpu.vector_load %arg21[%get3A_440] {strides = array<i32>} : memref<640xf32, #tpu.memory_space<vmem>>, vector<16xf32>,
    %mul3A_442 = arith.mulf %get3A_439, %get3A_441 : vector<16xf32>
    %swap3A_443 = arith.constant 176 : index
    %swap3A_444 = tpu.vector_load %arg22[%swap3A_443] {strides = array<i32>} : memref<640xf32, #tpu.memory_space<vmem>>, vector<16xf32>,
    tpu.vector_store %arg22[%swap3A_443], %mul3A_442 {strides = array<i32>} : memref<640xf32, #tpu.memory_space<vmem>>, vector<16xf32>,
    %get3A_445 = arith.constant 192 : index
    %get3A_446 = tpu.vector_load %arg22[%get3A_445] {strides = array<i32>} : memref<640xf32, #tpu.memory_space<vmem>>, vector<16xf32>,
    %get3A_447 = arith.constant 192 : index
    %get3A_448 = tpu.vector_load %arg21[%get3A_447] {strides = array<i32>} : memref<640xf32, #tpu.memory_space<vmem>>, vector<16xf32>,
    %mul3A_449 = arith.mulf %get3A_446, %get3A_448 : vector<16xf32>
    %swap3A_450 = arith.constant 192 : index
    %swap3A_451 = tpu.vector_load %arg22[%swap3A_450] {strides = array<i32>} : memref<640xf32, #tpu.memory_space<vmem>>, vector<16xf32>,
    tpu.vector_store %arg22[%swap3A_450], %mul3A_449 {strides = array<i32>} : memref<640xf32, #tpu.memory_space<vmem>>, vector<16xf32>,
    %get3A_452 = arith.constant 208 : index
    %get3A_453 = tpu.vector_load %arg22[%get3A_452] {strides = array<i32>} : memref<640xf32, #tpu.memory_space<vmem>>, vector<16xf32>,
    %get3A_454 = arith.constant 208 : index
    %get3A_455 = tpu.vector_load %arg21[%get3A_454] {strides = array<i32>} : memref<640xf32, #tpu.memory_space<vmem>>, vector<16xf32>,
    %mul3A_456 = arith.mulf %get3A_453, %get3A_455 : vector<16xf32>
    %swap3A_457 = arith.constant 208 : index
    %swap3A_458 = tpu.vector_load %arg22[%swap3A_457] {strides = array<i32>} : memref<640xf32, #tpu.memory_space<vmem>>, vector<16xf32>,
    tpu.vector_store %arg22[%swap3A_457], %mul3A_456 {strides = array<i32>} : memref<640xf32, #tpu.memory_space<vmem>>, vector<16xf32>,
    %get3A_459 = arith.constant 224 : index
    %get3A_460 = tpu.vector_load %arg22[%get3A_459] {strides = array<i32>} : memref<640xf32, #tpu.memory_space<vmem>>, vector<16xf32>,
    %get3A_461 = arith.constant 224 : index
    %get3A_462 = tpu.vector_load %arg21[%get3A_461] {strides = array<i32>} : memref<640xf32, #tpu.memory_space<vmem>>, vector<16xf32>,
    %mul3A_463 = arith.mulf %get3A_460, %get3A_462 : vector<16xf32>
    %swap3A_464 = arith.constant 224 : index
    %swap3A_465 = tpu.vector_load %arg22[%swap3A_464] {strides = array<i32>} : memref<640xf32, #tpu.memory_space<vmem>>, vector<16xf32>,
    tpu.vector_store %arg22[%swap3A_464], %mul3A_463 {strides = array<i32>} : memref<640xf32, #tpu.memory_space<vmem>>, vector<16xf32>,
    %get3A_466 = arith.constant 240 : index
    %get3A_467 = tpu.vector_load %arg22[%get3A_466] {strides = array<i32>} : memref<640xf32, #tpu.memory_space<vmem>>, vector<16xf32>,
    %get3A_468 = arith.constant 240 : index
    %get3A_469 = tpu.vector_load %arg21[%get3A_468] {strides = array<i32>} : memref<640xf32, #tpu.memory_space<vmem>>, vector<16xf32>,
    %mul3A_470 = arith.mulf %get3A_467, %get3A_469 : vector<16xf32>
    %swap3A_471 = arith.constant 240 : index
    %swap3A_472 = tpu.vector_load %arg22[%swap3A_471] {strides = array<i32>} : memref<640xf32, #tpu.memory_space<vmem>>, vector<16xf32>,
    tpu.vector_store %arg22[%swap3A_471], %mul3A_470 {strides = array<i32>} : memref<640xf32, #tpu.memory_space<vmem>>, vector<16xf32>,
    %get3A_473 = arith.constant 256 : index
    %get3A_474 = tpu.vector_load %arg22[%get3A_473] {strides = array<i32>} : memref<640xf32, #tpu.memory_space<vmem>>, vector<16xf32>,
    %get3A_475 = arith.constant 256 : index
    %get3A_476 = tpu.vector_load %arg21[%get3A_475] {strides = array<i32>} : memref<640xf32, #tpu.memory_space<vmem>>, vector<16xf32>,
    %mul3A_477 = arith.mulf %get3A_474, %get3A_476 : vector<16xf32>
    %swap3A_478 = arith.constant 256 : index
    %swap3A_479 = tpu.vector_load %arg22[%swap3A_478] {strides = array<i32>} : memref<640xf32, #tpu.memory_space<vmem>>, vector<16xf32>,
    tpu.vector_store %arg22[%swap3A_478], %mul3A_477 {strides = array<i32>} : memref<640xf32, #tpu.memory_space<vmem>>, vector<16xf32>,
    %get3A_480 = arith.constant 272 : index
    %get3A_481 = tpu.vector_load %arg22[%get3A_480] {strides = array<i32>} : memref<640xf32, #tpu.memory_space<vmem>>, vector<16xf32>,
    %get3A_482 = arith.constant 272 : index
    %get3A_483 = tpu.vector_load %arg21[%get3A_482] {strides = array<i32>} : memref<640xf32, #tpu.memory_space<vmem>>, vector<16xf32>,
    %mul3A_484 = arith.mulf %get3A_481, %get3A_483 : vector<16xf32>
    %swap3A_485 = arith.constant 272 : index
    %swap3A_486 = tpu.vector_load %arg22[%swap3A_485] {strides = array<i32>} : memref<640xf32, #tpu.memory_space<vmem>>, vector<16xf32>,
    tpu.vector_store %arg22[%swap3A_485], %mul3A_484 {strides = array<i32>} : memref<640xf32, #tpu.memory_space<vmem>>, vector<16xf32>,
    %get3A_487 = arith.constant 288 : index
    %get3A_488 = tpu.vector_load %arg22[%get3A_487] {strides = array<i32>} : memref<640xf32, #tpu.memory_space<vmem>>, vector<16xf32>,
    %get3A_489 = arith.constant 288 : index
    %get3A_490 = tpu.vector_load %arg21[%get3A_489] {strides = array<i32>} : memref<640xf32, #tpu.memory_space<vmem>>, vector<16xf32>,
    %mul3A_491 = arith.mulf %get3A_488, %get3A_490 : vector<16xf32>
    %swap3A_492 = arith.constant 288 : index
    %swap3A_493 = tpu.vector_load %arg22[%swap3A_492] {strides = array<i32>} : memref<640xf32, #tpu.memory_space<vmem>>, vector<16xf32>,
    tpu.vector_store %arg22[%swap3A_492], %mul3A_491 {strides = array<i32>} : memref<640xf32, #tpu.memory_space<vmem>>, vector<16xf32>,
    %get3A_494 = arith.constant 304 : index
    %get3A_495 = tpu.vector_load %arg22[%get3A_494] {strides = array<i32>} : memref<640xf32, #tpu.memory_space<vmem>>, vector<16xf32>,
    %get3A_496 = arith.constant 304 : index
    %get3A_497 = tpu.vector_load %arg21[%get3A_496] {strides = array<i32>} : memref<640xf32, #tpu.memory_space<vmem>>, vector<16xf32>,
    %mul3A_498 = arith.mulf %get3A_495, %get3A_497 : vector<16xf32>
    %swap3A_499 = arith.constant 304 : index
    %swap3A_500 = tpu.vector_load %arg22[%swap3A_499] {strides = array<i32>} : memref<640xf32, #tpu.memory_space<vmem>>, vector<16xf32>,
    tpu.vector_store %arg22[%swap3A_499], %mul3A_498 {strides = array<i32>} : memref<640xf32, #tpu.memory_space<vmem>>, vector<16xf32>,
    %get3A_501 = arith.constant 320 : index
    %get3A_502 = tpu.vector_load %arg22[%get3A_501] {strides = array<i32>} : memref<640xf32, #tpu.memory_space<vmem>>, vector<16xf32>,
    %get3A_503 = arith.constant 320 : index
    %get3A_504 = tpu.vector_load %arg21[%get3A_503] {strides = array<i32>} : memref<640xf32, #tpu.memory_space<vmem>>, vector<16xf32>,
    %mul3A_505 = arith.mulf %get3A_502, %get3A_504 : vector<16xf32>
    %swap3A_506 = arith.constant 320 : index
    %swap3A_507 = tpu.vector_load %arg22[%swap3A_506] {strides = array<i32>} : memref<640xf32, #tpu.memory_space<vmem>>, vector<16xf32>,
    tpu.vector_store %arg22[%swap3A_506], %mul3A_505 {strides = array<i32>} : memref<640xf32, #tpu.memory_space<vmem>>, vector<16xf32>,
    %get3A_508 = arith.constant 336 : index
    %get3A_509 = tpu.vector_load %arg22[%get3A_508] {strides = array<i32>} : memref<640xf32, #tpu.memory_space<vmem>>, vector<16xf32>,
    %get3A_510 = arith.constant 336 : index
    %get3A_511 = tpu.vector_load %arg21[%get3A_510] {strides = array<i32>} : memref<640xf32, #tpu.memory_space<vmem>>, vector<16xf32>,
    %mul3A_512 = arith.mulf %get3A_509, %get3A_511 : vector<16xf32>
    %swap3A_513 = arith.constant 336 : index
    %swap3A_514 = tpu.vector_load %arg22[%swap3A_513] {strides = array<i32>} : memref<640xf32, #tpu.memory_space<vmem>>, vector<16xf32>,
    tpu.vector_store %arg22[%swap3A_513], %mul3A_512 {strides = array<i32>} : memref<640xf32, #tpu.memory_space<vmem>>, vector<16xf32>,
    %get3A_515 = arith.constant 352 : index
    %get3A_516 = tpu.vector_load %arg22[%get3A_515] {strides = array<i32>} : memref<640xf32, #tpu.memory_space<vmem>>, vector<16xf32>,
    %get3A_517 = arith.constant 352 : index
    %get3A_518 = tpu.vector_load %arg21[%get3A_517] {strides = array<i32>} : memref<640xf32, #tpu.memory_space<vmem>>, vector<16xf32>,
    %mul3A_519 = arith.mulf %get3A_516, %get3A_518 : vector<16xf32>
    %swap3A_520 = arith.constant 352 : index
    %swap3A_521 = tpu.vector_load %arg22[%swap3A_520] {strides = array<i32>} : memref<640xf32, #tpu.memory_space<vmem>>, vector<16xf32>,
    tpu.vector_store %arg22[%swap3A_520], %mul3A_519 {strides = array<i32>} : memref<640xf32, #tpu.memory_space<vmem>>, vector<16xf32>,
    %get3A_522 = arith.constant 368 : index
    %get3A_523 = tpu.vector_load %arg22[%get3A_522] {strides = array<i32>} : memref<640xf32, #tpu.memory_space<vmem>>, vector<16xf32>,
    %get3A_524 = arith.constant 368 : index
    %get3A_525 = tpu.vector_load %arg21[%get3A_524] {strides = array<i32>} : memref<640xf32, #tpu.memory_space<vmem>>, vector<16xf32>,
    %mul3A_526 = arith.mulf %get3A_523, %get3A_525 : vector<16xf32>
    %swap3A_527 = arith.constant 368 : index
    %swap3A_528 = tpu.vector_load %arg22[%swap3A_527] {strides = array<i32>} : memref<640xf32, #tpu.memory_space<vmem>>, vector<16xf32>,
    tpu.vector_store %arg22[%swap3A_527], %mul3A_526 {strides = array<i32>} : memref<640xf32, #tpu.memory_space<vmem>>, vector<16xf32>,
    %get3A_529 = arith.constant 384 : index
    %get3A_530 = tpu.vector_load %arg22[%get3A_529] {strides = array<i32>} : memref<640xf32, #tpu.memory_space<vmem>>, vector<16xf32>,
    %get3A_531 = arith.constant 384 : index
    %get3A_532 = tpu.vector_load %arg21[%get3A_531] {strides = array<i32>} : memref<640xf32, #tpu.memory_space<vmem>>, vector<16xf32>,
    %mul3A_533 = arith.mulf %get3A_530, %get3A_532 : vector<16xf32>
    %swap3A_534 = arith.constant 384 : index
    %swap3A_535 = tpu.vector_load %arg22[%swap3A_534] {strides = array<i32>} : memref<640xf32, #tpu.memory_space<vmem>>, vector<16xf32>,
    tpu.vector_store %arg22[%swap3A_534], %mul3A_533 {strides = array<i32>} : memref<640xf32, #tpu.memory_space<vmem>>, vector<16xf32>,
    %get3A_536 = arith.constant 400 : index
    %get3A_537 = tpu.vector_load %arg22[%get3A_536] {strides = array<i32>} : memref<640xf32, #tpu.memory_space<vmem>>, vector<16xf32>,
    %get3A_538 = arith.constant 400 : index
    %get3A_539 = tpu.vector_load %arg21[%get3A_538] {strides = array<i32>} : memref<640xf32, #tpu.memory_space<vmem>>, vector<16xf32>,
    %mul3A_540 = arith.mulf %get3A_537, %get3A_539 : vector<16xf32>
    %swap3A_541 = arith.constant 400 : index
    %swap3A_542 = tpu.vector_load %arg22[%swap3A_541] {strides = array<i32>} : memref<640xf32, #tpu.memory_space<vmem>>, vector<16xf32>,
    tpu.vector_store %arg22[%swap3A_541], %mul3A_540 {strides = array<i32>} : memref<640xf32, #tpu.memory_space<vmem>>, vector<16xf32>,
    %get3A_543 = arith.constant 416 : index
    %get3A_544 = tpu.vector_load %arg22[%get3A_543] {strides = array<i32>} : memref<640xf32, #tpu.memory_space<vmem>>, vector<16xf32>,
    %get3A_545 = arith.constant 416 : index
    %get3A_546 = tpu.vector_load %arg21[%get3A_545] {strides = array<i32>} : memref<640xf32, #tpu.memory_space<vmem>>, vector<16xf32>,
    %mul3A_547 = arith.mulf %get3A_544, %get3A_546 : vector<16xf32>
    %swap3A_548 = arith.constant 416 : index
    %swap3A_549 = tpu.vector_load %arg22[%swap3A_548] {strides = array<i32>} : memref<640xf32, #tpu.memory_space<vmem>>, vector<16xf32>,
    tpu.vector_store %arg22[%swap3A_548], %mul3A_547 {strides = array<i32>} : memref<640xf32, #tpu.memory_space<vmem>>, vector<16xf32>,
    %get3A_550 = arith.constant 432 : index
    %get3A_551 = tpu.vector_load %arg22[%get3A_550] {strides = array<i32>} : memref<640xf32, #tpu.memory_space<vmem>>, vector<16xf32>,
    %get3A_552 = arith.constant 432 : index
    %get3A_553 = tpu.vector_load %arg21[%get3A_552] {strides = array<i32>} : memref<640xf32, #tpu.memory_space<vmem>>, vector<16xf32>,
    %mul3A_554 = arith.mulf %get3A_551, %get3A_553 : vector<16xf32>
    %swap3A_555 = arith.constant 432 : index
    %swap3A_556 = tpu.vector_load %arg22[%swap3A_555] {strides = array<i32>} : memref<640xf32, #tpu.memory_space<vmem>>, vector<16xf32>,
    tpu.vector_store %arg22[%swap3A_555], %mul3A_554 {strides = array<i32>} : memref<640xf32, #tpu.memory_space<vmem>>, vector<16xf32>,
    %get3A_557 = arith.constant 448 : index
    %get3A_558 = tpu.vector_load %arg22[%get3A_557] {strides = array<i32>} : memref<640xf32, #tpu.memory_space<vmem>>, vector<16xf32>,
    %get3A_559 = arith.constant 448 : index
    %get3A_560 = tpu.vector_load %arg21[%get3A_559] {strides = array<i32>} : memref<640xf32, #tpu.memory_space<vmem>>, vector<16xf32>,
    %mul3A_561 = arith.mulf %get3A_558, %get3A_560 : vector<16xf32>
    %swap3A_562 = arith.constant 448 : index
    %swap3A_563 = tpu.vector_load %arg22[%swap3A_562] {strides = array<i32>} : memref<640xf32, #tpu.memory_space<vmem>>, vector<16xf32>,
    tpu.vector_store %arg22[%swap3A_562], %mul3A_561 {strides = array<i32>} : memref<640xf32, #tpu.memory_space<vmem>>, vector<16xf32>,
    %get3A_564 = arith.constant 464 : index
    %get3A_565 = tpu.vector_load %arg22[%get3A_564] {strides = array<i32>} : memref<640xf32, #tpu.memory_space<vmem>>, vector<16xf32>,
    %get3A_566 = arith.constant 464 : index
    %get3A_567 = tpu.vector_load %arg21[%get3A_566] {strides = array<i32>} : memref<640xf32, #tpu.memory_space<vmem>>, vector<16xf32>,
    %mul3A_568 = arith.mulf %get3A_565, %get3A_567 : vector<16xf32>
    %swap3A_569 = arith.constant 464 : index
    %swap3A_570 = tpu.vector_load %arg22[%swap3A_569] {strides = array<i32>} : memref<640xf32, #tpu.memory_space<vmem>>, vector<16xf32>,
    tpu.vector_store %arg22[%swap3A_569], %mul3A_568 {strides = array<i32>} : memref<640xf32, #tpu.memory_space<vmem>>, vector<16xf32>,
    %get3A_571 = arith.constant 480 : index
    %get3A_572 = tpu.vector_load %arg22[%get3A_571] {strides = array<i32>} : memref<640xf32, #tpu.memory_space<vmem>>, vector<16xf32>,
    %get3A_573 = arith.constant 480 : index
    %get3A_574 = tpu.vector_load %arg21[%get3A_573] {strides = array<i32>} : memref<640xf32, #tpu.memory_space<vmem>>, vector<16xf32>,
    %mul3A_575 = arith.mulf %get3A_572, %get3A_574 : vector<16xf32>
    %swap3A_576 = arith.constant 480 : index
    %swap3A_577 = tpu.vector_load %arg22[%swap3A_576] {strides = array<i32>} : memref<640xf32, #tpu.memory_space<vmem>>, vector<16xf32>,
    tpu.vector_store %arg22[%swap3A_576], %mul3A_575 {strides = array<i32>} : memref<640xf32, #tpu.memory_space<vmem>>, vector<16xf32>,
    %get3A_578 = arith.constant 496 : index
    %get3A_579 = tpu.vector_load %arg22[%get3A_578] {strides = array<i32>} : memref<640xf32, #tpu.memory_space<vmem>>, vector<16xf32>,
    %get3A_580 = arith.constant 496 : index
    %get3A_581 = tpu.vector_load %arg21[%get3A_580] {strides = array<i32>} : memref<640xf32, #tpu.memory_space<vmem>>, vector<16xf32>,
    %mul3A_582 = arith.mulf %get3A_579, %get3A_581 : vector<16xf32>
    %swap3A_583 = arith.constant 496 : index
    %swap3A_584 = tpu.vector_load %arg22[%swap3A_583] {strides = array<i32>} : memref<640xf32, #tpu.memory_space<vmem>>, vector<16xf32>,
    tpu.vector_store %arg22[%swap3A_583], %mul3A_582 {strides = array<i32>} : memref<640xf32, #tpu.memory_space<vmem>>, vector<16xf32>,
    %get3A_585 = arith.constant 512 : index
    %get3A_586 = tpu.vector_load %arg22[%get3A_585] {strides = array<i32>} : memref<640xf32, #tpu.memory_space<vmem>>, vector<16xf32>,
    %get3A_587 = arith.constant 512 : index
    %get3A_588 = tpu.vector_load %arg21[%get3A_587] {strides = array<i32>} : memref<640xf32, #tpu.memory_space<vmem>>, vector<16xf32>,
    %mul3A_589 = arith.mulf %get3A_586, %get3A_588 : vector<16xf32>
    %swap3A_590 = arith.constant 512 : index
    %swap3A_591 = tpu.vector_load %arg22[%swap3A_590] {strides = array<i32>} : memref<640xf32, #tpu.memory_space<vmem>>, vector<16xf32>,
    tpu.vector_store %arg22[%swap3A_590], %mul3A_589 {strides = array<i32>} : memref<640xf32, #tpu.memory_space<vmem>>, vector<16xf32>,
    %get3A_592 = arith.constant 528 : index
    %get3A_593 = tpu.vector_load %arg22[%get3A_592] {strides = array<i32>} : memref<640xf32, #tpu.memory_space<vmem>>, vector<16xf32>,
    %get3A_594 = arith.constant 528 : index
    %get3A_595 = tpu.vector_load %arg21[%get3A_594] {strides = array<i32>} : memref<640xf32, #tpu.memory_space<vmem>>, vector<16xf32>,
    %mul3A_596 = arith.mulf %get3A_593, %get3A_595 : vector<16xf32>
    %swap3A_597 = arith.constant 528 : index
    %swap3A_598 = tpu.vector_load %arg22[%swap3A_597] {strides = array<i32>} : memref<640xf32, #tpu.memory_space<vmem>>, vector<16xf32>,
    tpu.vector_store %arg22[%swap3A_597], %mul3A_596 {strides = array<i32>} : memref<640xf32, #tpu.memory_space<vmem>>, vector<16xf32>,
    %get3A_599 = arith.constant 544 : index
    %get3A_600 = tpu.vector_load %arg22[%get3A_599] {strides = array<i32>} : memref<640xf32, #tpu.memory_space<vmem>>, vector<16xf32>,
    %get3A_601 = arith.constant 544 : index
    %get3A_602 = tpu.vector_load %arg21[%get3A_601] {strides = array<i32>} : memref<640xf32, #tpu.memory_space<vmem>>, vector<16xf32>,
    %mul3A_603 = arith.mulf %get3A_600, %get3A_602 : vector<16xf32>
    %swap3A_604 = arith.constant 544 : index
    %swap3A_605 = tpu.vector_load %arg22[%swap3A_604] {strides = array<i32>} : memref<640xf32, #tpu.memory_space<vmem>>, vector<16xf32>,
    tpu.vector_store %arg22[%swap3A_604], %mul3A_603 {strides = array<i32>} : memref<640xf32, #tpu.memory_space<vmem>>, vector<16xf32>,
    %get3A_606 = arith.constant 560 : index
    %get3A_607 = tpu.vector_load %arg22[%get3A_606] {strides = array<i32>} : memref<640xf32, #tpu.memory_space<vmem>>, vector<16xf32>,
    %get3A_608 = arith.constant 560 : index
    %get3A_609 = tpu.vector_load %arg21[%get3A_608] {strides = array<i32>} : memref<640xf32, #tpu.memory_space<vmem>>, vector<16xf32>,
    %mul3A_610 = arith.mulf %get3A_607, %get3A_609 : vector<16xf32>
    %swap3A_611 = arith.constant 560 : index
    %swap3A_612 = tpu.vector_load %arg22[%swap3A_611] {strides = array<i32>} : memref<640xf32, #tpu.memory_space<vmem>>, vector<16xf32>,
    tpu.vector_store %arg22[%swap3A_611], %mul3A_610 {strides = array<i32>} : memref<640xf32, #tpu.memory_space<vmem>>, vector<16xf32>,
    %get3A_613 = arith.constant 576 : index
    %get3A_614 = tpu.vector_load %arg22[%get3A_613] {strides = array<i32>} : memref<640xf32, #tpu.memory_space<vmem>>, vector<16xf32>,
    %get3A_615 = arith.constant 576 : index
    %get3A_616 = tpu.vector_load %arg21[%get3A_615] {strides = array<i32>} : memref<640xf32, #tpu.memory_space<vmem>>, vector<16xf32>,
    %mul3A_617 = arith.mulf %get3A_614, %get3A_616 : vector<16xf32>
    %swap3A_618 = arith.constant 576 : index
    %swap3A_619 = tpu.vector_load %arg22[%swap3A_618] {strides = array<i32>} : memref<640xf32, #tpu.memory_space<vmem>>, vector<16xf32>,
    tpu.vector_store %arg22[%swap3A_618], %mul3A_617 {strides = array<i32>} : memref<640xf32, #tpu.memory_space<vmem>>, vector<16xf32>,
    %get3A_620 = arith.constant 592 : index
    %get3A_621 = tpu.vector_load %arg22[%get3A_620] {strides = array<i32>} : memref<640xf32, #tpu.memory_space<vmem>>, vector<16xf32>,
    %get3A_622 = arith.constant 592 : index
    %get3A_623 = tpu.vector_load %arg21[%get3A_622] {strides = array<i32>} : memref<640xf32, #tpu.memory_space<vmem>>, vector<16xf32>,
    %mul3A_624 = arith.mulf %get3A_621, %get3A_623 : vector<16xf32>
    %swap3A_625 = arith.constant 592 : index
    %swap3A_626 = tpu.vector_load %arg22[%swap3A_625] {strides = array<i32>} : memref<640xf32, #tpu.memory_space<vmem>>, vector<16xf32>,
    tpu.vector_store %arg22[%swap3A_625], %mul3A_624 {strides = array<i32>} : memref<640xf32, #tpu.memory_space<vmem>>, vector<16xf32>,
    %get3A_627 = arith.constant 608 : index
    %get3A_628 = tpu.vector_load %arg22[%get3A_627] {strides = array<i32>} : memref<640xf32, #tpu.memory_space<vmem>>, vector<16xf32>,
    %get3A_629 = arith.constant 608 : index
    %get3A_630 = tpu.vector_load %arg21[%get3A_629] {strides = array<i32>} : memref<640xf32, #tpu.memory_space<vmem>>, vector<16xf32>,
    %mul3A_631 = arith.mulf %get3A_628, %get3A_630 : vector<16xf32>
    %swap3A_632 = arith.constant 608 : index
    %swap3A_633 = tpu.vector_load %arg22[%swap3A_632] {strides = array<i32>} : memref<640xf32, #tpu.memory_space<vmem>>, vector<16xf32>,
    tpu.vector_store %arg22[%swap3A_632], %mul3A_631 {strides = array<i32>} : memref<640xf32, #tpu.memory_space<vmem>>, vector<16xf32>,
    %get3A_634 = arith.constant 624 : index
    %get3A_635 = tpu.vector_load %arg22[%get3A_634] {strides = array<i32>} : memref<640xf32, #tpu.memory_space<vmem>>, vector<16xf32>,
    %get3A_636 = arith.constant 624 : index
    %get3A_637 = tpu.vector_load %arg21[%get3A_636] {strides = array<i32>} : memref<640xf32, #tpu.memory_space<vmem>>, vector<16xf32>,
    %mul3A_638 = arith.mulf %get3A_635, %get3A_637 : vector<16xf32>
    %swap3A_639 = arith.constant 624 : index
    %swap3A_640 = tpu.vector_load %arg22[%swap3A_639] {strides = array<i32>} : memref<640xf32, #tpu.memory_space<vmem>>, vector<16xf32>,
    tpu.vector_store %arg22[%swap3A_639], %mul3A_638 {strides = array<i32>} : memref<640xf32, #tpu.memory_space<vmem>>, vector<16xf32>,
    "tpu.region"() ({
      %run_scoped3A = tpu.sem_alloc : memref<!tpu.dma_semaphore, #tpu.memory_space<semaphore_mem>>
      %dma_start3A_1233 = tpu.memref_slice %arg23[%mul3A_99] : memref<10240xf32, #tpu.memory_space<vmem_shared>> -> memref<640xf32, #tpu.memory_space<vmem_shared>>
      %dma_start3A_1234 = tpu.memref_slice %arg23[%mul3A_99] : memref<10240xf32, #tpu.memory_space<vmem_shared>> -> memref<640xf32, #tpu.memory_space<vmem_shared>>
      tpu.enqueue_dma source(%arg22 : memref<640xf32, #tpu.memory_space<vmem>>) target(%dma_start3A_1234 : memref<640xf32, #tpu.memory_space<vmem_shared>>) target_semaphore(%run_scoped3A : memref<!tpu.dma_semaphore, #tpu.memory_space<semaphore_mem>>)
      %dma_wait3A_1235 = tpu.memref_slice %arg23[%mul3A_99] : memref<10240xf32, #tpu.memory_space<vmem_shared>> -> memref<640xf32, #tpu.memory_space<vmem_shared>>
      %dma_wait3A_1236 = tpu.memref_slice %arg23[%mul3A_99] : memref<10240xf32, #tpu.memory_space<vmem_shared>> -> memref<640xf32, #tpu.memory_space<vmem_shared>>
      tpu.wait_dma2 semaphore(%run_scoped3A : memref<!tpu.dma_semaphore, #tpu.memory_space<semaphore_mem>>) src(%arg22 : memref<640xf32, #tpu.memory_space<vmem>>) dst(%dma_wait3A_1236 : memref<640xf32, #tpu.memory_space<vmem_shared>>)
      tpu.yield
    }) : () -> ()
    "tpu.region"() ({
      %run_scoped3A = tpu.sem_alloc : memref<!tpu.dma_semaphore, #tpu.memory_space<semaphore_mem>>
      %dma_start3A_1233 = tpu.memref_slice %arg24[%mul3A_99] : memref<10240xf32, #tpu.memory_space<vmem_shared>> -> memref<640xf32, #tpu.memory_space<vmem_shared>>
      %dma_start3A_1234 = tpu.memref_slice %arg24[%mul3A_99] : memref<10240xf32, #tpu.memory_space<vmem_shared>> -> memref<640xf32, #tpu.memory_space<vmem_shared>>
      tpu.enqueue_dma source(%dma_start3A_1234 : memref<640xf32, #tpu.memory_space<vmem_shared>>) target(%arg22 : memref<640xf32, #tpu.memory_space<vmem>>) target_semaphore(%run_scoped3A : memref<!tpu.dma_semaphore, #tpu.memory_space<semaphore_mem>>)
      %dma_wait3A_1235 = tpu.memref_slice %arg24[%mul3A_99] : memref<10240xf32, #tpu.memory_space<vmem_shared>> -> memref<640xf32, #tpu.memory_space<vmem_shared>>
      %dma_wait3A_1236 = tpu.memref_slice %arg24[%mul3A_99] : memref<10240xf32, #tpu.memory_space<vmem_shared>> -> memref<640xf32, #tpu.memory_space<vmem_shared>>
      tpu.wait_dma2 semaphore(%run_scoped3A : memref<!tpu.dma_semaphore, #tpu.memory_space<semaphore_mem>>) src(%dma_wait3A_1236 : memref<640xf32, #tpu.memory_space<vmem_shared>>) dst(%arg22 : memref<640xf32, #tpu.memory_space<vmem>>)
      tpu.yield
    }) : () -> ()
    %get3A_641 = arith.constant 0 : index
    %get3A_642 = tpu.vector_load %arg22[%get3A_641] {strides = array<i32>} : memref<640xf32, #tpu.memory_space<vmem>>, vector<16xf32>,
    %get3A_643 = arith.constant 0 : index
    %get3A_644 = tpu.vector_load %arg21[%get3A_643] {strides = array<i32>} : memref<640xf32, #tpu.memory_space<vmem>>, vector<16xf32>,
    %mul3A_645 = arith.mulf %get3A_642, %get3A_644 : vector<16xf32>
    %swap3A_646 = arith.constant 0 : index
    %swap3A_647 = tpu.vector_load %arg22[%swap3A_646] {strides = array<i32>} : memref<640xf32, #tpu.memory_space<vmem>>, vector<16xf32>,
    tpu.vector_store %arg22[%swap3A_646], %mul3A_645 {strides = array<i32>} : memref<640xf32, #tpu.memory_space<vmem>>, vector<16xf32>,
    %get3A_648 = arith.constant 16 : index
    %get3A_649 = tpu.vector_load %arg22[%get3A_648] {strides = array<i32>} : memref<640xf32, #tpu.memory_space<vmem>>, vector<16xf32>,
    %get3A_650 = arith.constant 16 : index
    %get3A_651 = tpu.vector_load %arg21[%get3A_650] {strides = array<i32>} : memref<640xf32, #tpu.memory_space<vmem>>, vector<16xf32>,
    %mul3A_652 = arith.mulf %get3A_649, %get3A_651 : vector<16xf32>
    %swap3A_653 = arith.constant 16 : index
    %swap3A_654 = tpu.vector_load %arg22[%swap3A_653] {strides = array<i32>} : memref<640xf32, #tpu.memory_space<vmem>>, vector<16xf32>,
    tpu.vector_store %arg22[%swap3A_653], %mul3A_652 {strides = array<i32>} : memref<640xf32, #tpu.memory_space<vmem>>, vector<16xf32>,
    %get3A_655 = arith.constant 32 : index
    %get3A_656 = tpu.vector_load %arg22[%get3A_655] {strides = array<i32>} : memref<640xf32, #tpu.memory_space<vmem>>, vector<16xf32>,
    %get3A_657 = arith.constant 32 : index
    %get3A_658 = tpu.vector_load %arg21[%get3A_657] {strides = array<i32>} : memref<640xf32, #tpu.memory_space<vmem>>, vector<16xf32>,
    %mul3A_659 = arith.mulf %get3A_656, %get3A_658 : vector<16xf32>
    %swap3A_660 = arith.constant 32 : index
    %swap3A_661 = tpu.vector_load %arg22[%swap3A_660] {strides = array<i32>} : memref<640xf32, #tpu.memory_space<vmem>>, vector<16xf32>,
    tpu.vector_store %arg22[%swap3A_660], %mul3A_659 {strides = array<i32>} : memref<640xf32, #tpu.memory_space<vmem>>, vector<16xf32>,
    %get3A_662 = arith.constant 48 : index
    %get3A_663 = tpu.vector_load %arg22[%get3A_662] {strides = array<i32>} : memref<640xf32, #tpu.memory_space<vmem>>, vector<16xf32>,
    %get3A_664 = arith.constant 48 : index
    %get3A_665 = tpu.vector_load %arg21[%get3A_664] {strides = array<i32>} : memref<640xf32, #tpu.memory_space<vmem>>, vector<16xf32>,
    %mul3A_666 = arith.mulf %get3A_663, %get3A_665 : vector<16xf32>
    %swap3A_667 = arith.constant 48 : index
    %swap3A_668 = tpu.vector_load %arg22[%swap3A_667] {strides = array<i32>} : memref<640xf32, #tpu.memory_space<vmem>>, vector<16xf32>,
    tpu.vector_store %arg22[%swap3A_667], %mul3A_666 {strides = array<i32>} : memref<640xf32, #tpu.memory_space<vmem>>, vector<16xf32>,
    %get3A_669 = arith.constant 64 : index
    %get3A_670 = tpu.vector_load %arg22[%get3A_669] {strides = array<i32>} : memref<640xf32, #tpu.memory_space<vmem>>, vector<16xf32>,
    %get3A_671 = arith.constant 64 : index
    %get3A_672 = tpu.vector_load %arg21[%get3A_671] {strides = array<i32>} : memref<640xf32, #tpu.memory_space<vmem>>, vector<16xf32>,
    %mul3A_673 = arith.mulf %get3A_670, %get3A_672 : vector<16xf32>
    %swap3A_674 = arith.constant 64 : index
    %swap3A_675 = tpu.vector_load %arg22[%swap3A_674] {strides = array<i32>} : memref<640xf32, #tpu.memory_space<vmem>>, vector<16xf32>,
    tpu.vector_store %arg22[%swap3A_674], %mul3A_673 {strides = array<i32>} : memref<640xf32, #tpu.memory_space<vmem>>, vector<16xf32>,
    %get3A_676 = arith.constant 80 : index
    %get3A_677 = tpu.vector_load %arg22[%get3A_676] {strides = array<i32>} : memref<640xf32, #tpu.memory_space<vmem>>, vector<16xf32>,
    %get3A_678 = arith.constant 80 : index
    %get3A_679 = tpu.vector_load %arg21[%get3A_678] {strides = array<i32>} : memref<640xf32, #tpu.memory_space<vmem>>, vector<16xf32>,
    %mul3A_680 = arith.mulf %get3A_677, %get3A_679 : vector<16xf32>
    %swap3A_681 = arith.constant 80 : index
    %swap3A_682 = tpu.vector_load %arg22[%swap3A_681] {strides = array<i32>} : memref<640xf32, #tpu.memory_space<vmem>>, vector<16xf32>,
    tpu.vector_store %arg22[%swap3A_681], %mul3A_680 {strides = array<i32>} : memref<640xf32, #tpu.memory_space<vmem>>, vector<16xf32>,
    %get3A_683 = arith.constant 96 : index
    %get3A_684 = tpu.vector_load %arg22[%get3A_683] {strides = array<i32>} : memref<640xf32, #tpu.memory_space<vmem>>, vector<16xf32>,
    %get3A_685 = arith.constant 96 : index
    %get3A_686 = tpu.vector_load %arg21[%get3A_685] {strides = array<i32>} : memref<640xf32, #tpu.memory_space<vmem>>, vector<16xf32>,
    %mul3A_687 = arith.mulf %get3A_684, %get3A_686 : vector<16xf32>
    %swap3A_688 = arith.constant 96 : index
    %swap3A_689 = tpu.vector_load %arg22[%swap3A_688] {strides = array<i32>} : memref<640xf32, #tpu.memory_space<vmem>>, vector<16xf32>,
    tpu.vector_store %arg22[%swap3A_688], %mul3A_687 {strides = array<i32>} : memref<640xf32, #tpu.memory_space<vmem>>, vector<16xf32>,
    %get3A_690 = arith.constant 112 : index
    %get3A_691 = tpu.vector_load %arg22[%get3A_690] {strides = array<i32>} : memref<640xf32, #tpu.memory_space<vmem>>, vector<16xf32>,
    %get3A_692 = arith.constant 112 : index
    %get3A_693 = tpu.vector_load %arg21[%get3A_692] {strides = array<i32>} : memref<640xf32, #tpu.memory_space<vmem>>, vector<16xf32>,
    %mul3A_694 = arith.mulf %get3A_691, %get3A_693 : vector<16xf32>
    %swap3A_695 = arith.constant 112 : index
    %swap3A_696 = tpu.vector_load %arg22[%swap3A_695] {strides = array<i32>} : memref<640xf32, #tpu.memory_space<vmem>>, vector<16xf32>,
    tpu.vector_store %arg22[%swap3A_695], %mul3A_694 {strides = array<i32>} : memref<640xf32, #tpu.memory_space<vmem>>, vector<16xf32>,
    %get3A_697 = arith.constant 128 : index
    %get3A_698 = tpu.vector_load %arg22[%get3A_697] {strides = array<i32>} : memref<640xf32, #tpu.memory_space<vmem>>, vector<16xf32>,
    %get3A_699 = arith.constant 128 : index
    %get3A_700 = tpu.vector_load %arg21[%get3A_699] {strides = array<i32>} : memref<640xf32, #tpu.memory_space<vmem>>, vector<16xf32>,
    %mul3A_701 = arith.mulf %get3A_698, %get3A_700 : vector<16xf32>
    %swap3A_702 = arith.constant 128 : index
    %swap3A_703 = tpu.vector_load %arg22[%swap3A_702] {strides = array<i32>} : memref<640xf32, #tpu.memory_space<vmem>>, vector<16xf32>,
    tpu.vector_store %arg22[%swap3A_702], %mul3A_701 {strides = array<i32>} : memref<640xf32, #tpu.memory_space<vmem>>, vector<16xf32>,
    %get3A_704 = arith.constant 144 : index
    %get3A_705 = tpu.vector_load %arg22[%get3A_704] {strides = array<i32>} : memref<640xf32, #tpu.memory_space<vmem>>, vector<16xf32>,
    %get3A_706 = arith.constant 144 : index
    %get3A_707 = tpu.vector_load %arg21[%get3A_706] {strides = array<i32>} : memref<640xf32, #tpu.memory_space<vmem>>, vector<16xf32>,
    %mul3A_708 = arith.mulf %get3A_705, %get3A_707 : vector<16xf32>
    %swap3A_709 = arith.constant 144 : index
    %swap3A_710 = tpu.vector_load %arg22[%swap3A_709] {strides = array<i32>} : memref<640xf32, #tpu.memory_space<vmem>>, vector<16xf32>,
    tpu.vector_store %arg22[%swap3A_709], %mul3A_708 {strides = array<i32>} : memref<640xf32, #tpu.memory_space<vmem>>, vector<16xf32>,
    %get3A_711 = arith.constant 160 : index
    %get3A_712 = tpu.vector_load %arg22[%get3A_711] {strides = array<i32>} : memref<640xf32, #tpu.memory_space<vmem>>, vector<16xf32>,
    %get3A_713 = arith.constant 160 : index
    %get3A_714 = tpu.vector_load %arg21[%get3A_713] {strides = array<i32>} : memref<640xf32, #tpu.memory_space<vmem>>, vector<16xf32>,
    %mul3A_715 = arith.mulf %get3A_712, %get3A_714 : vector<16xf32>
    %swap3A_716 = arith.constant 160 : index
    %swap3A_717 = tpu.vector_load %arg22[%swap3A_716] {strides = array<i32>} : memref<640xf32, #tpu.memory_space<vmem>>, vector<16xf32>,
    tpu.vector_store %arg22[%swap3A_716], %mul3A_715 {strides = array<i32>} : memref<640xf32, #tpu.memory_space<vmem>>, vector<16xf32>,
    %get3A_718 = arith.constant 176 : index
    %get3A_719 = tpu.vector_load %arg22[%get3A_718] {strides = array<i32>} : memref<640xf32, #tpu.memory_space<vmem>>, vector<16xf32>,
    %get3A_720 = arith.constant 176 : index
    %get3A_721 = tpu.vector_load %arg21[%get3A_720] {strides = array<i32>} : memref<640xf32, #tpu.memory_space<vmem>>, vector<16xf32>,
    %mul3A_722 = arith.mulf %get3A_719, %get3A_721 : vector<16xf32>
    %swap3A_723 = arith.constant 176 : index
    %swap3A_724 = tpu.vector_load %arg22[%swap3A_723] {strides = array<i32>} : memref<640xf32, #tpu.memory_space<vmem>>, vector<16xf32>,
    tpu.vector_store %arg22[%swap3A_723], %mul3A_722 {strides = array<i32>} : memref<640xf32, #tpu.memory_space<vmem>>, vector<16xf32>,
    %get3A_725 = arith.constant 192 : index
    %get3A_726 = tpu.vector_load %arg22[%get3A_725] {strides = array<i32>} : memref<640xf32, #tpu.memory_space<vmem>>, vector<16xf32>,
    %get3A_727 = arith.constant 192 : index
    %get3A_728 = tpu.vector_load %arg21[%get3A_727] {strides = array<i32>} : memref<640xf32, #tpu.memory_space<vmem>>, vector<16xf32>,
    %mul3A_729 = arith.mulf %get3A_726, %get3A_728 : vector<16xf32>
    %swap3A_730 = arith.constant 192 : index
    %swap3A_731 = tpu.vector_load %arg22[%swap3A_730] {strides = array<i32>} : memref<640xf32, #tpu.memory_space<vmem>>, vector<16xf32>,
    tpu.vector_store %arg22[%swap3A_730], %mul3A_729 {strides = array<i32>} : memref<640xf32, #tpu.memory_space<vmem>>, vector<16xf32>,
    %get3A_732 = arith.constant 208 : index
    %get3A_733 = tpu.vector_load %arg22[%get3A_732] {strides = array<i32>} : memref<640xf32, #tpu.memory_space<vmem>>, vector<16xf32>,
    %get3A_734 = arith.constant 208 : index
    %get3A_735 = tpu.vector_load %arg21[%get3A_734] {strides = array<i32>} : memref<640xf32, #tpu.memory_space<vmem>>, vector<16xf32>,
    %mul3A_736 = arith.mulf %get3A_733, %get3A_735 : vector<16xf32>
    %swap3A_737 = arith.constant 208 : index
    %swap3A_738 = tpu.vector_load %arg22[%swap3A_737] {strides = array<i32>} : memref<640xf32, #tpu.memory_space<vmem>>, vector<16xf32>,
    tpu.vector_store %arg22[%swap3A_737], %mul3A_736 {strides = array<i32>} : memref<640xf32, #tpu.memory_space<vmem>>, vector<16xf32>,
    %get3A_739 = arith.constant 224 : index
    %get3A_740 = tpu.vector_load %arg22[%get3A_739] {strides = array<i32>} : memref<640xf32, #tpu.memory_space<vmem>>, vector<16xf32>,
    %get3A_741 = arith.constant 224 : index
    %get3A_742 = tpu.vector_load %arg21[%get3A_741] {strides = array<i32>} : memref<640xf32, #tpu.memory_space<vmem>>, vector<16xf32>,
    %mul3A_743 = arith.mulf %get3A_740, %get3A_742 : vector<16xf32>
    %swap3A_744 = arith.constant 224 : index
    %swap3A_745 = tpu.vector_load %arg22[%swap3A_744] {strides = array<i32>} : memref<640xf32, #tpu.memory_space<vmem>>, vector<16xf32>,
    tpu.vector_store %arg22[%swap3A_744], %mul3A_743 {strides = array<i32>} : memref<640xf32, #tpu.memory_space<vmem>>, vector<16xf32>,
    %get3A_746 = arith.constant 240 : index
    %get3A_747 = tpu.vector_load %arg22[%get3A_746] {strides = array<i32>} : memref<640xf32, #tpu.memory_space<vmem>>, vector<16xf32>,
    %get3A_748 = arith.constant 240 : index
    %get3A_749 = tpu.vector_load %arg21[%get3A_748] {strides = array<i32>} : memref<640xf32, #tpu.memory_space<vmem>>, vector<16xf32>,
    %mul3A_750 = arith.mulf %get3A_747, %get3A_749 : vector<16xf32>
    %swap3A_751 = arith.constant 240 : index
    %swap3A_752 = tpu.vector_load %arg22[%swap3A_751] {strides = array<i32>} : memref<640xf32, #tpu.memory_space<vmem>>, vector<16xf32>,
    tpu.vector_store %arg22[%swap3A_751], %mul3A_750 {strides = array<i32>} : memref<640xf32, #tpu.memory_space<vmem>>, vector<16xf32>,
    %get3A_753 = arith.constant 256 : index
    %get3A_754 = tpu.vector_load %arg22[%get3A_753] {strides = array<i32>} : memref<640xf32, #tpu.memory_space<vmem>>, vector<16xf32>,
    %get3A_755 = arith.constant 256 : index
    %get3A_756 = tpu.vector_load %arg21[%get3A_755] {strides = array<i32>} : memref<640xf32, #tpu.memory_space<vmem>>, vector<16xf32>,
    %mul3A_757 = arith.mulf %get3A_754, %get3A_756 : vector<16xf32>
    %swap3A_758 = arith.constant 256 : index
    %swap3A_759 = tpu.vector_load %arg22[%swap3A_758] {strides = array<i32>} : memref<640xf32, #tpu.memory_space<vmem>>, vector<16xf32>,
    tpu.vector_store %arg22[%swap3A_758], %mul3A_757 {strides = array<i32>} : memref<640xf32, #tpu.memory_space<vmem>>, vector<16xf32>,
    %get3A_760 = arith.constant 272 : index
    %get3A_761 = tpu.vector_load %arg22[%get3A_760] {strides = array<i32>} : memref<640xf32, #tpu.memory_space<vmem>>, vector<16xf32>,
    %get3A_762 = arith.constant 272 : index
    %get3A_763 = tpu.vector_load %arg21[%get3A_762] {strides = array<i32>} : memref<640xf32, #tpu.memory_space<vmem>>, vector<16xf32>,
    %mul3A_764 = arith.mulf %get3A_761, %get3A_763 : vector<16xf32>
    %swap3A_765 = arith.constant 272 : index
    %swap3A_766 = tpu.vector_load %arg22[%swap3A_765] {strides = array<i32>} : memref<640xf32, #tpu.memory_space<vmem>>, vector<16xf32>,
    tpu.vector_store %arg22[%swap3A_765], %mul3A_764 {strides = array<i32>} : memref<640xf32, #tpu.memory_space<vmem>>, vector<16xf32>,
    %get3A_767 = arith.constant 288 : index
    %get3A_768 = tpu.vector_load %arg22[%get3A_767] {strides = array<i32>} : memref<640xf32, #tpu.memory_space<vmem>>, vector<16xf32>,
    %get3A_769 = arith.constant 288 : index
    %get3A_770 = tpu.vector_load %arg21[%get3A_769] {strides = array<i32>} : memref<640xf32, #tpu.memory_space<vmem>>, vector<16xf32>,
    %mul3A_771 = arith.mulf %get3A_768, %get3A_770 : vector<16xf32>
    %swap3A_772 = arith.constant 288 : index
    %swap3A_773 = tpu.vector_load %arg22[%swap3A_772] {strides = array<i32>} : memref<640xf32, #tpu.memory_space<vmem>>, vector<16xf32>,
    tpu.vector_store %arg22[%swap3A_772], %mul3A_771 {strides = array<i32>} : memref<640xf32, #tpu.memory_space<vmem>>, vector<16xf32>,
    %get3A_774 = arith.constant 304 : index
    %get3A_775 = tpu.vector_load %arg22[%get3A_774] {strides = array<i32>} : memref<640xf32, #tpu.memory_space<vmem>>, vector<16xf32>,
    %get3A_776 = arith.constant 304 : index
    %get3A_777 = tpu.vector_load %arg21[%get3A_776] {strides = array<i32>} : memref<640xf32, #tpu.memory_space<vmem>>, vector<16xf32>,
    %mul3A_778 = arith.mulf %get3A_775, %get3A_777 : vector<16xf32>
    %swap3A_779 = arith.constant 304 : index
    %swap3A_780 = tpu.vector_load %arg22[%swap3A_779] {strides = array<i32>} : memref<640xf32, #tpu.memory_space<vmem>>, vector<16xf32>,
    tpu.vector_store %arg22[%swap3A_779], %mul3A_778 {strides = array<i32>} : memref<640xf32, #tpu.memory_space<vmem>>, vector<16xf32>,
    %get3A_781 = arith.constant 320 : index
    %get3A_782 = tpu.vector_load %arg22[%get3A_781] {strides = array<i32>} : memref<640xf32, #tpu.memory_space<vmem>>, vector<16xf32>,
    %get3A_783 = arith.constant 320 : index
    %get3A_784 = tpu.vector_load %arg21[%get3A_783] {strides = array<i32>} : memref<640xf32, #tpu.memory_space<vmem>>, vector<16xf32>,
    %mul3A_785 = arith.mulf %get3A_782, %get3A_784 : vector<16xf32>
    %swap3A_786 = arith.constant 320 : index
    %swap3A_787 = tpu.vector_load %arg22[%swap3A_786] {strides = array<i32>} : memref<640xf32, #tpu.memory_space<vmem>>, vector<16xf32>,
    tpu.vector_store %arg22[%swap3A_786], %mul3A_785 {strides = array<i32>} : memref<640xf32, #tpu.memory_space<vmem>>, vector<16xf32>,
    %get3A_788 = arith.constant 336 : index
    %get3A_789 = tpu.vector_load %arg22[%get3A_788] {strides = array<i32>} : memref<640xf32, #tpu.memory_space<vmem>>, vector<16xf32>,
    %get3A_790 = arith.constant 336 : index
    %get3A_791 = tpu.vector_load %arg21[%get3A_790] {strides = array<i32>} : memref<640xf32, #tpu.memory_space<vmem>>, vector<16xf32>,
    %mul3A_792 = arith.mulf %get3A_789, %get3A_791 : vector<16xf32>
    %swap3A_793 = arith.constant 336 : index
    %swap3A_794 = tpu.vector_load %arg22[%swap3A_793] {strides = array<i32>} : memref<640xf32, #tpu.memory_space<vmem>>, vector<16xf32>,
    tpu.vector_store %arg22[%swap3A_793], %mul3A_792 {strides = array<i32>} : memref<640xf32, #tpu.memory_space<vmem>>, vector<16xf32>,
    %get3A_795 = arith.constant 352 : index
    %get3A_796 = tpu.vector_load %arg22[%get3A_795] {strides = array<i32>} : memref<640xf32, #tpu.memory_space<vmem>>, vector<16xf32>,
    %get3A_797 = arith.constant 352 : index
    %get3A_798 = tpu.vector_load %arg21[%get3A_797] {strides = array<i32>} : memref<640xf32, #tpu.memory_space<vmem>>, vector<16xf32>,
    %mul3A_799 = arith.mulf %get3A_796, %get3A_798 : vector<16xf32>
    %swap3A_800 = arith.constant 352 : index
    %swap3A_801 = tpu.vector_load %arg22[%swap3A_800] {strides = array<i32>} : memref<640xf32, #tpu.memory_space<vmem>>, vector<16xf32>,
    tpu.vector_store %arg22[%swap3A_800], %mul3A_799 {strides = array<i32>} : memref<640xf32, #tpu.memory_space<vmem>>, vector<16xf32>,
    %get3A_802 = arith.constant 368 : index
    %get3A_803 = tpu.vector_load %arg22[%get3A_802] {strides = array<i32>} : memref<640xf32, #tpu.memory_space<vmem>>, vector<16xf32>,
    %get3A_804 = arith.constant 368 : index
    %get3A_805 = tpu.vector_load %arg21[%get3A_804] {strides = array<i32>} : memref<640xf32, #tpu.memory_space<vmem>>, vector<16xf32>,
    %mul3A_806 = arith.mulf %get3A_803, %get3A_805 : vector<16xf32>
    %swap3A_807 = arith.constant 368 : index
    %swap3A_808 = tpu.vector_load %arg22[%swap3A_807] {strides = array<i32>} : memref<640xf32, #tpu.memory_space<vmem>>, vector<16xf32>,
    tpu.vector_store %arg22[%swap3A_807], %mul3A_806 {strides = array<i32>} : memref<640xf32, #tpu.memory_space<vmem>>, vector<16xf32>,
    %get3A_809 = arith.constant 384 : index
    %get3A_810 = tpu.vector_load %arg22[%get3A_809] {strides = array<i32>} : memref<640xf32, #tpu.memory_space<vmem>>, vector<16xf32>,
    %get3A_811 = arith.constant 384 : index
    %get3A_812 = tpu.vector_load %arg21[%get3A_811] {strides = array<i32>} : memref<640xf32, #tpu.memory_space<vmem>>, vector<16xf32>,
    %mul3A_813 = arith.mulf %get3A_810, %get3A_812 : vector<16xf32>
    %swap3A_814 = arith.constant 384 : index
    %swap3A_815 = tpu.vector_load %arg22[%swap3A_814] {strides = array<i32>} : memref<640xf32, #tpu.memory_space<vmem>>, vector<16xf32>,
    tpu.vector_store %arg22[%swap3A_814], %mul3A_813 {strides = array<i32>} : memref<640xf32, #tpu.memory_space<vmem>>, vector<16xf32>,
    %get3A_816 = arith.constant 400 : index
    %get3A_817 = tpu.vector_load %arg22[%get3A_816] {strides = array<i32>} : memref<640xf32, #tpu.memory_space<vmem>>, vector<16xf32>,
    %get3A_818 = arith.constant 400 : index
    %get3A_819 = tpu.vector_load %arg21[%get3A_818] {strides = array<i32>} : memref<640xf32, #tpu.memory_space<vmem>>, vector<16xf32>,
    %mul3A_820 = arith.mulf %get3A_817, %get3A_819 : vector<16xf32>
    %swap3A_821 = arith.constant 400 : index
    %swap3A_822 = tpu.vector_load %arg22[%swap3A_821] {strides = array<i32>} : memref<640xf32, #tpu.memory_space<vmem>>, vector<16xf32>,
    tpu.vector_store %arg22[%swap3A_821], %mul3A_820 {strides = array<i32>} : memref<640xf32, #tpu.memory_space<vmem>>, vector<16xf32>,
    %get3A_823 = arith.constant 416 : index
    %get3A_824 = tpu.vector_load %arg22[%get3A_823] {strides = array<i32>} : memref<640xf32, #tpu.memory_space<vmem>>, vector<16xf32>,
    %get3A_825 = arith.constant 416 : index
    %get3A_826 = tpu.vector_load %arg21[%get3A_825] {strides = array<i32>} : memref<640xf32, #tpu.memory_space<vmem>>, vector<16xf32>,
    %mul3A_827 = arith.mulf %get3A_824, %get3A_826 : vector<16xf32>
    %swap3A_828 = arith.constant 416 : index
    %swap3A_829 = tpu.vector_load %arg22[%swap3A_828] {strides = array<i32>} : memref<640xf32, #tpu.memory_space<vmem>>, vector<16xf32>,
    tpu.vector_store %arg22[%swap3A_828], %mul3A_827 {strides = array<i32>} : memref<640xf32, #tpu.memory_space<vmem>>, vector<16xf32>,
    %get3A_830 = arith.constant 432 : index
    %get3A_831 = tpu.vector_load %arg22[%get3A_830] {strides = array<i32>} : memref<640xf32, #tpu.memory_space<vmem>>, vector<16xf32>,
    %get3A_832 = arith.constant 432 : index
    %get3A_833 = tpu.vector_load %arg21[%get3A_832] {strides = array<i32>} : memref<640xf32, #tpu.memory_space<vmem>>, vector<16xf32>,
    %mul3A_834 = arith.mulf %get3A_831, %get3A_833 : vector<16xf32>
    %swap3A_835 = arith.constant 432 : index
    %swap3A_836 = tpu.vector_load %arg22[%swap3A_835] {strides = array<i32>} : memref<640xf32, #tpu.memory_space<vmem>>, vector<16xf32>,
    tpu.vector_store %arg22[%swap3A_835], %mul3A_834 {strides = array<i32>} : memref<640xf32, #tpu.memory_space<vmem>>, vector<16xf32>,
    %get3A_837 = arith.constant 448 : index
    %get3A_838 = tpu.vector_load %arg22[%get3A_837] {strides = array<i32>} : memref<640xf32, #tpu.memory_space<vmem>>, vector<16xf32>,
    %get3A_839 = arith.constant 448 : index
    %get3A_840 = tpu.vector_load %arg21[%get3A_839] {strides = array<i32>} : memref<640xf32, #tpu.memory_space<vmem>>, vector<16xf32>,
    %mul3A_841 = arith.mulf %get3A_838, %get3A_840 : vector<16xf32>
    %swap3A_842 = arith.constant 448 : index
    %swap3A_843 = tpu.vector_load %arg22[%swap3A_842] {strides = array<i32>} : memref<640xf32, #tpu.memory_space<vmem>>, vector<16xf32>,
    tpu.vector_store %arg22[%swap3A_842], %mul3A_841 {strides = array<i32>} : memref<640xf32, #tpu.memory_space<vmem>>, vector<16xf32>,
    %get3A_844 = arith.constant 464 : index
    %get3A_845 = tpu.vector_load %arg22[%get3A_844] {strides = array<i32>} : memref<640xf32, #tpu.memory_space<vmem>>, vector<16xf32>,
    %get3A_846 = arith.constant 464 : index
    %get3A_847 = tpu.vector_load %arg21[%get3A_846] {strides = array<i32>} : memref<640xf32, #tpu.memory_space<vmem>>, vector<16xf32>,
    %mul3A_848 = arith.mulf %get3A_845, %get3A_847 : vector<16xf32>
    %swap3A_849 = arith.constant 464 : index
    %swap3A_850 = tpu.vector_load %arg22[%swap3A_849] {strides = array<i32>} : memref<640xf32, #tpu.memory_space<vmem>>, vector<16xf32>,
    tpu.vector_store %arg22[%swap3A_849], %mul3A_848 {strides = array<i32>} : memref<640xf32, #tpu.memory_space<vmem>>, vector<16xf32>,
    %get3A_851 = arith.constant 480 : index
    %get3A_852 = tpu.vector_load %arg22[%get3A_851] {strides = array<i32>} : memref<640xf32, #tpu.memory_space<vmem>>, vector<16xf32>,
    %get3A_853 = arith.constant 480 : index
    %get3A_854 = tpu.vector_load %arg21[%get3A_853] {strides = array<i32>} : memref<640xf32, #tpu.memory_space<vmem>>, vector<16xf32>,
    %mul3A_855 = arith.mulf %get3A_852, %get3A_854 : vector<16xf32>
    %swap3A_856 = arith.constant 480 : index
    %swap3A_857 = tpu.vector_load %arg22[%swap3A_856] {strides = array<i32>} : memref<640xf32, #tpu.memory_space<vmem>>, vector<16xf32>,
    tpu.vector_store %arg22[%swap3A_856], %mul3A_855 {strides = array<i32>} : memref<640xf32, #tpu.memory_space<vmem>>, vector<16xf32>,
    %get3A_858 = arith.constant 496 : index
    %get3A_859 = tpu.vector_load %arg22[%get3A_858] {strides = array<i32>} : memref<640xf32, #tpu.memory_space<vmem>>, vector<16xf32>,
    %get3A_860 = arith.constant 496 : index
    %get3A_861 = tpu.vector_load %arg21[%get3A_860] {strides = array<i32>} : memref<640xf32, #tpu.memory_space<vmem>>, vector<16xf32>,
    %mul3A_862 = arith.mulf %get3A_859, %get3A_861 : vector<16xf32>
    %swap3A_863 = arith.constant 496 : index
    %swap3A_864 = tpu.vector_load %arg22[%swap3A_863] {strides = array<i32>} : memref<640xf32, #tpu.memory_space<vmem>>, vector<16xf32>,
    tpu.vector_store %arg22[%swap3A_863], %mul3A_862 {strides = array<i32>} : memref<640xf32, #tpu.memory_space<vmem>>, vector<16xf32>,
    %get3A_865 = arith.constant 512 : index
    %get3A_866 = tpu.vector_load %arg22[%get3A_865] {strides = array<i32>} : memref<640xf32, #tpu.memory_space<vmem>>, vector<16xf32>,
    %get3A_867 = arith.constant 512 : index
    %get3A_868 = tpu.vector_load %arg21[%get3A_867] {strides = array<i32>} : memref<640xf32, #tpu.memory_space<vmem>>, vector<16xf32>,
    %mul3A_869 = arith.mulf %get3A_866, %get3A_868 : vector<16xf32>
    %swap3A_870 = arith.constant 512 : index
    %swap3A_871 = tpu.vector_load %arg22[%swap3A_870] {strides = array<i32>} : memref<640xf32, #tpu.memory_space<vmem>>, vector<16xf32>,
    tpu.vector_store %arg22[%swap3A_870], %mul3A_869 {strides = array<i32>} : memref<640xf32, #tpu.memory_space<vmem>>, vector<16xf32>,
    %get3A_872 = arith.constant 528 : index
    %get3A_873 = tpu.vector_load %arg22[%get3A_872] {strides = array<i32>} : memref<640xf32, #tpu.memory_space<vmem>>, vector<16xf32>,
    %get3A_874 = arith.constant 528 : index
    %get3A_875 = tpu.vector_load %arg21[%get3A_874] {strides = array<i32>} : memref<640xf32, #tpu.memory_space<vmem>>, vector<16xf32>,
    %mul3A_876 = arith.mulf %get3A_873, %get3A_875 : vector<16xf32>
    %swap3A_877 = arith.constant 528 : index
    %swap3A_878 = tpu.vector_load %arg22[%swap3A_877] {strides = array<i32>} : memref<640xf32, #tpu.memory_space<vmem>>, vector<16xf32>,
    tpu.vector_store %arg22[%swap3A_877], %mul3A_876 {strides = array<i32>} : memref<640xf32, #tpu.memory_space<vmem>>, vector<16xf32>,
    %get3A_879 = arith.constant 544 : index
    %get3A_880 = tpu.vector_load %arg22[%get3A_879] {strides = array<i32>} : memref<640xf32, #tpu.memory_space<vmem>>, vector<16xf32>,
    %get3A_881 = arith.constant 544 : index
    %get3A_882 = tpu.vector_load %arg21[%get3A_881] {strides = array<i32>} : memref<640xf32, #tpu.memory_space<vmem>>, vector<16xf32>,
    %mul3A_883 = arith.mulf %get3A_880, %get3A_882 : vector<16xf32>
    %swap3A_884 = arith.constant 544 : index
    %swap3A_885 = tpu.vector_load %arg22[%swap3A_884] {strides = array<i32>} : memref<640xf32, #tpu.memory_space<vmem>>, vector<16xf32>,
    tpu.vector_store %arg22[%swap3A_884], %mul3A_883 {strides = array<i32>} : memref<640xf32, #tpu.memory_space<vmem>>, vector<16xf32>,
    %get3A_886 = arith.constant 560 : index
    %get3A_887 = tpu.vector_load %arg22[%get3A_886] {strides = array<i32>} : memref<640xf32, #tpu.memory_space<vmem>>, vector<16xf32>,
    %get3A_888 = arith.constant 560 : index
    %get3A_889 = tpu.vector_load %arg21[%get3A_888] {strides = array<i32>} : memref<640xf32, #tpu.memory_space<vmem>>, vector<16xf32>,
    %mul3A_890 = arith.mulf %get3A_887, %get3A_889 : vector<16xf32>
    %swap3A_891 = arith.constant 560 : index
    %swap3A_892 = tpu.vector_load %arg22[%swap3A_891] {strides = array<i32>} : memref<640xf32, #tpu.memory_space<vmem>>, vector<16xf32>,
    tpu.vector_store %arg22[%swap3A_891], %mul3A_890 {strides = array<i32>} : memref<640xf32, #tpu.memory_space<vmem>>, vector<16xf32>,
    %get3A_893 = arith.constant 576 : index
    %get3A_894 = tpu.vector_load %arg22[%get3A_893] {strides = array<i32>} : memref<640xf32, #tpu.memory_space<vmem>>, vector<16xf32>,
    %get3A_895 = arith.constant 576 : index
    %get3A_896 = tpu.vector_load %arg21[%get3A_895] {strides = array<i32>} : memref<640xf32, #tpu.memory_space<vmem>>, vector<16xf32>,
    %mul3A_897 = arith.mulf %get3A_894, %get3A_896 : vector<16xf32>
    %swap3A_898 = arith.constant 576 : index
    %swap3A_899 = tpu.vector_load %arg22[%swap3A_898] {strides = array<i32>} : memref<640xf32, #tpu.memory_space<vmem>>, vector<16xf32>,
    tpu.vector_store %arg22[%swap3A_898], %mul3A_897 {strides = array<i32>} : memref<640xf32, #tpu.memory_space<vmem>>, vector<16xf32>,
    %get3A_900 = arith.constant 592 : index
    %get3A_901 = tpu.vector_load %arg22[%get3A_900] {strides = array<i32>} : memref<640xf32, #tpu.memory_space<vmem>>, vector<16xf32>,
    %get3A_902 = arith.constant 592 : index
    %get3A_903 = tpu.vector_load %arg21[%get3A_902] {strides = array<i32>} : memref<640xf32, #tpu.memory_space<vmem>>, vector<16xf32>,
    %mul3A_904 = arith.mulf %get3A_901, %get3A_903 : vector<16xf32>
    %swap3A_905 = arith.constant 592 : index
    %swap3A_906 = tpu.vector_load %arg22[%swap3A_905] {strides = array<i32>} : memref<640xf32, #tpu.memory_space<vmem>>, vector<16xf32>,
    tpu.vector_store %arg22[%swap3A_905], %mul3A_904 {strides = array<i32>} : memref<640xf32, #tpu.memory_space<vmem>>, vector<16xf32>,
    %get3A_907 = arith.constant 608 : index
    %get3A_908 = tpu.vector_load %arg22[%get3A_907] {strides = array<i32>} : memref<640xf32, #tpu.memory_space<vmem>>, vector<16xf32>,
    %get3A_909 = arith.constant 608 : index
    %get3A_910 = tpu.vector_load %arg21[%get3A_909] {strides = array<i32>} : memref<640xf32, #tpu.memory_space<vmem>>, vector<16xf32>,
    %mul3A_911 = arith.mulf %get3A_908, %get3A_910 : vector<16xf32>
    %swap3A_912 = arith.constant 608 : index
    %swap3A_913 = tpu.vector_load %arg22[%swap3A_912] {strides = array<i32>} : memref<640xf32, #tpu.memory_space<vmem>>, vector<16xf32>,
    tpu.vector_store %arg22[%swap3A_912], %mul3A_911 {strides = array<i32>} : memref<640xf32, #tpu.memory_space<vmem>>, vector<16xf32>,
    %get3A_914 = arith.constant 624 : index
    %get3A_915 = tpu.vector_load %arg22[%get3A_914] {strides = array<i32>} : memref<640xf32, #tpu.memory_space<vmem>>, vector<16xf32>,
    %get3A_916 = arith.constant 624 : index
    %get3A_917 = tpu.vector_load %arg21[%get3A_916] {strides = array<i32>} : memref<640xf32, #tpu.memory_space<vmem>>, vector<16xf32>,
    %mul3A_918 = arith.mulf %get3A_915, %get3A_917 : vector<16xf32>
    %swap3A_919 = arith.constant 624 : index
    %swap3A_920 = tpu.vector_load %arg22[%swap3A_919] {strides = array<i32>} : memref<640xf32, #tpu.memory_space<vmem>>, vector<16xf32>,
    tpu.vector_store %arg22[%swap3A_919], %mul3A_918 {strides = array<i32>} : memref<640xf32, #tpu.memory_space<vmem>>, vector<16xf32>,
    "tpu.region"() ({
      %run_scoped3A = tpu.sem_alloc : memref<!tpu.dma_semaphore, #tpu.memory_space<semaphore_mem>>
      %dma_start3A_1233 = tpu.memref_slice %arg24[%mul3A_99] : memref<10240xf32, #tpu.memory_space<vmem_shared>> -> memref<640xf32, #tpu.memory_space<vmem_shared>>
      %dma_start3A_1234 = tpu.memref_slice %arg24[%mul3A_99] : memref<10240xf32, #tpu.memory_space<vmem_shared>> -> memref<640xf32, #tpu.memory_space<vmem_shared>>
      tpu.enqueue_dma source(%arg22 : memref<640xf32, #tpu.memory_space<vmem>>) target(%dma_start3A_1234 : memref<640xf32, #tpu.memory_space<vmem_shared>>) target_semaphore(%run_scoped3A : memref<!tpu.dma_semaphore, #tpu.memory_space<semaphore_mem>>)
      %dma_wait3A_1235 = tpu.memref_slice %arg24[%mul3A_99] : memref<10240xf32, #tpu.memory_space<vmem_shared>> -> memref<640xf32, #tpu.memory_space<vmem_shared>>
      %dma_wait3A_1236 = tpu.memref_slice %arg24[%mul3A_99] : memref<10240xf32, #tpu.memory_space<vmem_shared>> -> memref<640xf32, #tpu.memory_space<vmem_shared>>
      tpu.wait_dma2 semaphore(%run_scoped3A : memref<!tpu.dma_semaphore, #tpu.memory_space<semaphore_mem>>) src(%arg22 : memref<640xf32, #tpu.memory_space<vmem>>) dst(%dma_wait3A_1236 : memref<640xf32, #tpu.memory_space<vmem_shared>>)
      tpu.yield
    }) : () -> ()
    "tpu.region"() ({
      %run_scoped3A = tpu.sem_alloc : memref<!tpu.dma_semaphore, #tpu.memory_space<semaphore_mem>>
      %dma_start3A_1233 = tpu.memref_slice %arg25[%mul3A_99] : memref<10240xf32, #tpu.memory_space<vmem_shared>> -> memref<640xf32, #tpu.memory_space<vmem_shared>>
      %dma_start3A_1234 = tpu.memref_slice %arg25[%mul3A_99] : memref<10240xf32, #tpu.memory_space<vmem_shared>> -> memref<640xf32, #tpu.memory_space<vmem_shared>>
      tpu.enqueue_dma source(%dma_start3A_1234 : memref<640xf32, #tpu.memory_space<vmem_shared>>) target(%arg22 : memref<640xf32, #tpu.memory_space<vmem>>) target_semaphore(%run_scoped3A : memref<!tpu.dma_semaphore, #tpu.memory_space<semaphore_mem>>)
      %dma_wait3A_1235 = tpu.memref_slice %arg25[%mul3A_99] : memref<10240xf32, #tpu.memory_space<vmem_shared>> -> memref<640xf32, #tpu.memory_space<vmem_shared>>
      %dma_wait3A_1236 = tpu.memref_slice %arg25[%mul3A_99] : memref<10240xf32, #tpu.memory_space<vmem_shared>> -> memref<640xf32, #tpu.memory_space<vmem_shared>>
      tpu.wait_dma2 semaphore(%run_scoped3A : memref<!tpu.dma_semaphore, #tpu.memory_space<semaphore_mem>>) src(%dma_wait3A_1236 : memref<640xf32, #tpu.memory_space<vmem_shared>>) dst(%arg22 : memref<640xf32, #tpu.memory_space<vmem>>)
      tpu.yield
    }) : () -> ()
    %get3A_921 = arith.constant 0 : index
    %get3A_922 = tpu.vector_load %arg22[%get3A_921] {strides = array<i32>} : memref<640xf32, #tpu.memory_space<vmem>>, vector<16xf32>,
    %get3A_923 = arith.constant 0 : index
    %get3A_924 = tpu.vector_load %arg21[%get3A_923] {strides = array<i32>} : memref<640xf32, #tpu.memory_space<vmem>>, vector<16xf32>,
    %mul3A_925 = arith.mulf %get3A_922, %get3A_924 : vector<16xf32>
    %swap3A_926 = arith.constant 0 : index
    %swap3A_927 = tpu.vector_load %arg22[%swap3A_926] {strides = array<i32>} : memref<640xf32, #tpu.memory_space<vmem>>, vector<16xf32>,
    tpu.vector_store %arg22[%swap3A_926], %mul3A_925 {strides = array<i32>} : memref<640xf32, #tpu.memory_space<vmem>>, vector<16xf32>,
    %get3A_928 = arith.constant 16 : index
    %get3A_929 = tpu.vector_load %arg22[%get3A_928] {strides = array<i32>} : memref<640xf32, #tpu.memory_space<vmem>>, vector<16xf32>,
    %get3A_930 = arith.constant 16 : index
    %get3A_931 = tpu.vector_load %arg21[%get3A_930] {strides = array<i32>} : memref<640xf32, #tpu.memory_space<vmem>>, vector<16xf32>,
    %mul3A_932 = arith.mulf %get3A_929, %get3A_931 : vector<16xf32>
    %swap3A_933 = arith.constant 16 : index
    %swap3A_934 = tpu.vector_load %arg22[%swap3A_933] {strides = array<i32>} : memref<640xf32, #tpu.memory_space<vmem>>, vector<16xf32>,
    tpu.vector_store %arg22[%swap3A_933], %mul3A_932 {strides = array<i32>} : memref<640xf32, #tpu.memory_space<vmem>>, vector<16xf32>,
    %get3A_935 = arith.constant 32 : index
    %get3A_936 = tpu.vector_load %arg22[%get3A_935] {strides = array<i32>} : memref<640xf32, #tpu.memory_space<vmem>>, vector<16xf32>,
    %get3A_937 = arith.constant 32 : index
    %get3A_938 = tpu.vector_load %arg21[%get3A_937] {strides = array<i32>} : memref<640xf32, #tpu.memory_space<vmem>>, vector<16xf32>,
    %mul3A_939 = arith.mulf %get3A_936, %get3A_938 : vector<16xf32>
    %swap3A_940 = arith.constant 32 : index
    %swap3A_941 = tpu.vector_load %arg22[%swap3A_940] {strides = array<i32>} : memref<640xf32, #tpu.memory_space<vmem>>, vector<16xf32>,
    tpu.vector_store %arg22[%swap3A_940], %mul3A_939 {strides = array<i32>} : memref<640xf32, #tpu.memory_space<vmem>>, vector<16xf32>,
    %get3A_942 = arith.constant 48 : index
    %get3A_943 = tpu.vector_load %arg22[%get3A_942] {strides = array<i32>} : memref<640xf32, #tpu.memory_space<vmem>>, vector<16xf32>,
    %get3A_944 = arith.constant 48 : index
    %get3A_945 = tpu.vector_load %arg21[%get3A_944] {strides = array<i32>} : memref<640xf32, #tpu.memory_space<vmem>>, vector<16xf32>,
    %mul3A_946 = arith.mulf %get3A_943, %get3A_945 : vector<16xf32>
    %swap3A_947 = arith.constant 48 : index
    %swap3A_948 = tpu.vector_load %arg22[%swap3A_947] {strides = array<i32>} : memref<640xf32, #tpu.memory_space<vmem>>, vector<16xf32>,
    tpu.vector_store %arg22[%swap3A_947], %mul3A_946 {strides = array<i32>} : memref<640xf32, #tpu.memory_space<vmem>>, vector<16xf32>,
    %get3A_949 = arith.constant 64 : index
    %get3A_950 = tpu.vector_load %arg22[%get3A_949] {strides = array<i32>} : memref<640xf32, #tpu.memory_space<vmem>>, vector<16xf32>,
    %get3A_951 = arith.constant 64 : index
    %get3A_952 = tpu.vector_load %arg21[%get3A_951] {strides = array<i32>} : memref<640xf32, #tpu.memory_space<vmem>>, vector<16xf32>,
    %mul3A_953 = arith.mulf %get3A_950, %get3A_952 : vector<16xf32>
    %swap3A_954 = arith.constant 64 : index
    %swap3A_955 = tpu.vector_load %arg22[%swap3A_954] {strides = array<i32>} : memref<640xf32, #tpu.memory_space<vmem>>, vector<16xf32>,
    tpu.vector_store %arg22[%swap3A_954], %mul3A_953 {strides = array<i32>} : memref<640xf32, #tpu.memory_space<vmem>>, vector<16xf32>,
    %get3A_956 = arith.constant 80 : index
    %get3A_957 = tpu.vector_load %arg22[%get3A_956] {strides = array<i32>} : memref<640xf32, #tpu.memory_space<vmem>>, vector<16xf32>,
    %get3A_958 = arith.constant 80 : index
    %get3A_959 = tpu.vector_load %arg21[%get3A_958] {strides = array<i32>} : memref<640xf32, #tpu.memory_space<vmem>>, vector<16xf32>,
    %mul3A_960 = arith.mulf %get3A_957, %get3A_959 : vector<16xf32>
    %swap3A_961 = arith.constant 80 : index
    %swap3A_962 = tpu.vector_load %arg22[%swap3A_961] {strides = array<i32>} : memref<640xf32, #tpu.memory_space<vmem>>, vector<16xf32>,
    tpu.vector_store %arg22[%swap3A_961], %mul3A_960 {strides = array<i32>} : memref<640xf32, #tpu.memory_space<vmem>>, vector<16xf32>,
    %get3A_963 = arith.constant 96 : index
    %get3A_964 = tpu.vector_load %arg22[%get3A_963] {strides = array<i32>} : memref<640xf32, #tpu.memory_space<vmem>>, vector<16xf32>,
    %get3A_965 = arith.constant 96 : index
    %get3A_966 = tpu.vector_load %arg21[%get3A_965] {strides = array<i32>} : memref<640xf32, #tpu.memory_space<vmem>>, vector<16xf32>,
    %mul3A_967 = arith.mulf %get3A_964, %get3A_966 : vector<16xf32>
    %swap3A_968 = arith.constant 96 : index
    %swap3A_969 = tpu.vector_load %arg22[%swap3A_968] {strides = array<i32>} : memref<640xf32, #tpu.memory_space<vmem>>, vector<16xf32>,
    tpu.vector_store %arg22[%swap3A_968], %mul3A_967 {strides = array<i32>} : memref<640xf32, #tpu.memory_space<vmem>>, vector<16xf32>,
    %get3A_970 = arith.constant 112 : index
    %get3A_971 = tpu.vector_load %arg22[%get3A_970] {strides = array<i32>} : memref<640xf32, #tpu.memory_space<vmem>>, vector<16xf32>,
    %get3A_972 = arith.constant 112 : index
    %get3A_973 = tpu.vector_load %arg21[%get3A_972] {strides = array<i32>} : memref<640xf32, #tpu.memory_space<vmem>>, vector<16xf32>,
    %mul3A_974 = arith.mulf %get3A_971, %get3A_973 : vector<16xf32>
    %swap3A_975 = arith.constant 112 : index
    %swap3A_976 = tpu.vector_load %arg22[%swap3A_975] {strides = array<i32>} : memref<640xf32, #tpu.memory_space<vmem>>, vector<16xf32>,
    tpu.vector_store %arg22[%swap3A_975], %mul3A_974 {strides = array<i32>} : memref<640xf32, #tpu.memory_space<vmem>>, vector<16xf32>,
    %get3A_977 = arith.constant 128 : index
    %get3A_978 = tpu.vector_load %arg22[%get3A_977] {strides = array<i32>} : memref<640xf32, #tpu.memory_space<vmem>>, vector<16xf32>,
    %get3A_979 = arith.constant 128 : index
    %get3A_980 = tpu.vector_load %arg21[%get3A_979] {strides = array<i32>} : memref<640xf32, #tpu.memory_space<vmem>>, vector<16xf32>,
    %mul3A_981 = arith.mulf %get3A_978, %get3A_980 : vector<16xf32>
    %swap3A_982 = arith.constant 128 : index
    %swap3A_983 = tpu.vector_load %arg22[%swap3A_982] {strides = array<i32>} : memref<640xf32, #tpu.memory_space<vmem>>, vector<16xf32>,
    tpu.vector_store %arg22[%swap3A_982], %mul3A_981 {strides = array<i32>} : memref<640xf32, #tpu.memory_space<vmem>>, vector<16xf32>,
    %get3A_984 = arith.constant 144 : index
    %get3A_985 = tpu.vector_load %arg22[%get3A_984] {strides = array<i32>} : memref<640xf32, #tpu.memory_space<vmem>>, vector<16xf32>,
    %get3A_986 = arith.constant 144 : index
    %get3A_987 = tpu.vector_load %arg21[%get3A_986] {strides = array<i32>} : memref<640xf32, #tpu.memory_space<vmem>>, vector<16xf32>,
    %mul3A_988 = arith.mulf %get3A_985, %get3A_987 : vector<16xf32>
    %swap3A_989 = arith.constant 144 : index
    %swap3A_990 = tpu.vector_load %arg22[%swap3A_989] {strides = array<i32>} : memref<640xf32, #tpu.memory_space<vmem>>, vector<16xf32>,
    tpu.vector_store %arg22[%swap3A_989], %mul3A_988 {strides = array<i32>} : memref<640xf32, #tpu.memory_space<vmem>>, vector<16xf32>,
    %get3A_991 = arith.constant 160 : index
    %get3A_992 = tpu.vector_load %arg22[%get3A_991] {strides = array<i32>} : memref<640xf32, #tpu.memory_space<vmem>>, vector<16xf32>,
    %get3A_993 = arith.constant 160 : index
    %get3A_994 = tpu.vector_load %arg21[%get3A_993] {strides = array<i32>} : memref<640xf32, #tpu.memory_space<vmem>>, vector<16xf32>,
    %mul3A_995 = arith.mulf %get3A_992, %get3A_994 : vector<16xf32>
    %swap3A_996 = arith.constant 160 : index
    %swap3A_997 = tpu.vector_load %arg22[%swap3A_996] {strides = array<i32>} : memref<640xf32, #tpu.memory_space<vmem>>, vector<16xf32>,
    tpu.vector_store %arg22[%swap3A_996], %mul3A_995 {strides = array<i32>} : memref<640xf32, #tpu.memory_space<vmem>>, vector<16xf32>,
    %get3A_998 = arith.constant 176 : index
    %get3A_999 = tpu.vector_load %arg22[%get3A_998] {strides = array<i32>} : memref<640xf32, #tpu.memory_space<vmem>>, vector<16xf32>,
    %get3A_1000 = arith.constant 176 : index
    %get3A_1001 = tpu.vector_load %arg21[%get3A_1000] {strides = array<i32>} : memref<640xf32, #tpu.memory_space<vmem>>, vector<16xf32>,
    %mul3A_1002 = arith.mulf %get3A_999, %get3A_1001 : vector<16xf32>
    %swap3A_1003 = arith.constant 176 : index
    %swap3A_1004 = tpu.vector_load %arg22[%swap3A_1003] {strides = array<i32>} : memref<640xf32, #tpu.memory_space<vmem>>, vector<16xf32>,
    tpu.vector_store %arg22[%swap3A_1003], %mul3A_1002 {strides = array<i32>} : memref<640xf32, #tpu.memory_space<vmem>>, vector<16xf32>,
    %get3A_1005 = arith.constant 192 : index
    %get3A_1006 = tpu.vector_load %arg22[%get3A_1005] {strides = array<i32>} : memref<640xf32, #tpu.memory_space<vmem>>, vector<16xf32>,
    %get3A_1007 = arith.constant 192 : index
    %get3A_1008 = tpu.vector_load %arg21[%get3A_1007] {strides = array<i32>} : memref<640xf32, #tpu.memory_space<vmem>>, vector<16xf32>,
    %mul3A_1009 = arith.mulf %get3A_1006, %get3A_1008 : vector<16xf32>
    %swap3A_1010 = arith.constant 192 : index
    %swap3A_1011 = tpu.vector_load %arg22[%swap3A_1010] {strides = array<i32>} : memref<640xf32, #tpu.memory_space<vmem>>, vector<16xf32>,
    tpu.vector_store %arg22[%swap3A_1010], %mul3A_1009 {strides = array<i32>} : memref<640xf32, #tpu.memory_space<vmem>>, vector<16xf32>,
    %get3A_1012 = arith.constant 208 : index
    %get3A_1013 = tpu.vector_load %arg22[%get3A_1012] {strides = array<i32>} : memref<640xf32, #tpu.memory_space<vmem>>, vector<16xf32>,
    %get3A_1014 = arith.constant 208 : index
    %get3A_1015 = tpu.vector_load %arg21[%get3A_1014] {strides = array<i32>} : memref<640xf32, #tpu.memory_space<vmem>>, vector<16xf32>,
    %mul3A_1016 = arith.mulf %get3A_1013, %get3A_1015 : vector<16xf32>
    %swap3A_1017 = arith.constant 208 : index
    %swap3A_1018 = tpu.vector_load %arg22[%swap3A_1017] {strides = array<i32>} : memref<640xf32, #tpu.memory_space<vmem>>, vector<16xf32>,
    tpu.vector_store %arg22[%swap3A_1017], %mul3A_1016 {strides = array<i32>} : memref<640xf32, #tpu.memory_space<vmem>>, vector<16xf32>,
    %get3A_1019 = arith.constant 224 : index
    %get3A_1020 = tpu.vector_load %arg22[%get3A_1019] {strides = array<i32>} : memref<640xf32, #tpu.memory_space<vmem>>, vector<16xf32>,
    %get3A_1021 = arith.constant 224 : index
    %get3A_1022 = tpu.vector_load %arg21[%get3A_1021] {strides = array<i32>} : memref<640xf32, #tpu.memory_space<vmem>>, vector<16xf32>,
    %mul3A_1023 = arith.mulf %get3A_1020, %get3A_1022 : vector<16xf32>
    %swap3A_1024 = arith.constant 224 : index
    %swap3A_1025 = tpu.vector_load %arg22[%swap3A_1024] {strides = array<i32>} : memref<640xf32, #tpu.memory_space<vmem>>, vector<16xf32>,
    tpu.vector_store %arg22[%swap3A_1024], %mul3A_1023 {strides = array<i32>} : memref<640xf32, #tpu.memory_space<vmem>>, vector<16xf32>,
    %get3A_1026 = arith.constant 240 : index
    %get3A_1027 = tpu.vector_load %arg22[%get3A_1026] {strides = array<i32>} : memref<640xf32, #tpu.memory_space<vmem>>, vector<16xf32>,
    %get3A_1028 = arith.constant 240 : index
    %get3A_1029 = tpu.vector_load %arg21[%get3A_1028] {strides = array<i32>} : memref<640xf32, #tpu.memory_space<vmem>>, vector<16xf32>,
    %mul3A_1030 = arith.mulf %get3A_1027, %get3A_1029 : vector<16xf32>
    %swap3A_1031 = arith.constant 240 : index
    %swap3A_1032 = tpu.vector_load %arg22[%swap3A_1031] {strides = array<i32>} : memref<640xf32, #tpu.memory_space<vmem>>, vector<16xf32>,
    tpu.vector_store %arg22[%swap3A_1031], %mul3A_1030 {strides = array<i32>} : memref<640xf32, #tpu.memory_space<vmem>>, vector<16xf32>,
    %get3A_1033 = arith.constant 256 : index
    %get3A_1034 = tpu.vector_load %arg22[%get3A_1033] {strides = array<i32>} : memref<640xf32, #tpu.memory_space<vmem>>, vector<16xf32>,
    %get3A_1035 = arith.constant 256 : index
    %get3A_1036 = tpu.vector_load %arg21[%get3A_1035] {strides = array<i32>} : memref<640xf32, #tpu.memory_space<vmem>>, vector<16xf32>,
    %mul3A_1037 = arith.mulf %get3A_1034, %get3A_1036 : vector<16xf32>
    %swap3A_1038 = arith.constant 256 : index
    %swap3A_1039 = tpu.vector_load %arg22[%swap3A_1038] {strides = array<i32>} : memref<640xf32, #tpu.memory_space<vmem>>, vector<16xf32>,
    tpu.vector_store %arg22[%swap3A_1038], %mul3A_1037 {strides = array<i32>} : memref<640xf32, #tpu.memory_space<vmem>>, vector<16xf32>,
    %get3A_1040 = arith.constant 272 : index
    %get3A_1041 = tpu.vector_load %arg22[%get3A_1040] {strides = array<i32>} : memref<640xf32, #tpu.memory_space<vmem>>, vector<16xf32>,
    %get3A_1042 = arith.constant 272 : index
    %get3A_1043 = tpu.vector_load %arg21[%get3A_1042] {strides = array<i32>} : memref<640xf32, #tpu.memory_space<vmem>>, vector<16xf32>,
    %mul3A_1044 = arith.mulf %get3A_1041, %get3A_1043 : vector<16xf32>
    %swap3A_1045 = arith.constant 272 : index
    %swap3A_1046 = tpu.vector_load %arg22[%swap3A_1045] {strides = array<i32>} : memref<640xf32, #tpu.memory_space<vmem>>, vector<16xf32>,
    tpu.vector_store %arg22[%swap3A_1045], %mul3A_1044 {strides = array<i32>} : memref<640xf32, #tpu.memory_space<vmem>>, vector<16xf32>,
    %get3A_1047 = arith.constant 288 : index
    %get3A_1048 = tpu.vector_load %arg22[%get3A_1047] {strides = array<i32>} : memref<640xf32, #tpu.memory_space<vmem>>, vector<16xf32>,
    %get3A_1049 = arith.constant 288 : index
    %get3A_1050 = tpu.vector_load %arg21[%get3A_1049] {strides = array<i32>} : memref<640xf32, #tpu.memory_space<vmem>>, vector<16xf32>,
    %mul3A_1051 = arith.mulf %get3A_1048, %get3A_1050 : vector<16xf32>
    %swap3A_1052 = arith.constant 288 : index
    %swap3A_1053 = tpu.vector_load %arg22[%swap3A_1052] {strides = array<i32>} : memref<640xf32, #tpu.memory_space<vmem>>, vector<16xf32>,
    tpu.vector_store %arg22[%swap3A_1052], %mul3A_1051 {strides = array<i32>} : memref<640xf32, #tpu.memory_space<vmem>>, vector<16xf32>,
    %get3A_1054 = arith.constant 304 : index
    %get3A_1055 = tpu.vector_load %arg22[%get3A_1054] {strides = array<i32>} : memref<640xf32, #tpu.memory_space<vmem>>, vector<16xf32>,
    %get3A_1056 = arith.constant 304 : index
    %get3A_1057 = tpu.vector_load %arg21[%get3A_1056] {strides = array<i32>} : memref<640xf32, #tpu.memory_space<vmem>>, vector<16xf32>,
    %mul3A_1058 = arith.mulf %get3A_1055, %get3A_1057 : vector<16xf32>
    %swap3A_1059 = arith.constant 304 : index
    %swap3A_1060 = tpu.vector_load %arg22[%swap3A_1059] {strides = array<i32>} : memref<640xf32, #tpu.memory_space<vmem>>, vector<16xf32>,
    tpu.vector_store %arg22[%swap3A_1059], %mul3A_1058 {strides = array<i32>} : memref<640xf32, #tpu.memory_space<vmem>>, vector<16xf32>,
    %get3A_1061 = arith.constant 320 : index
    %get3A_1062 = tpu.vector_load %arg22[%get3A_1061] {strides = array<i32>} : memref<640xf32, #tpu.memory_space<vmem>>, vector<16xf32>,
    %get3A_1063 = arith.constant 320 : index
    %get3A_1064 = tpu.vector_load %arg21[%get3A_1063] {strides = array<i32>} : memref<640xf32, #tpu.memory_space<vmem>>, vector<16xf32>,
    %mul3A_1065 = arith.mulf %get3A_1062, %get3A_1064 : vector<16xf32>
    %swap3A_1066 = arith.constant 320 : index
    %swap3A_1067 = tpu.vector_load %arg22[%swap3A_1066] {strides = array<i32>} : memref<640xf32, #tpu.memory_space<vmem>>, vector<16xf32>,
    tpu.vector_store %arg22[%swap3A_1066], %mul3A_1065 {strides = array<i32>} : memref<640xf32, #tpu.memory_space<vmem>>, vector<16xf32>,
    %get3A_1068 = arith.constant 336 : index
    %get3A_1069 = tpu.vector_load %arg22[%get3A_1068] {strides = array<i32>} : memref<640xf32, #tpu.memory_space<vmem>>, vector<16xf32>,
    %get3A_1070 = arith.constant 336 : index
    %get3A_1071 = tpu.vector_load %arg21[%get3A_1070] {strides = array<i32>} : memref<640xf32, #tpu.memory_space<vmem>>, vector<16xf32>,
    %mul3A_1072 = arith.mulf %get3A_1069, %get3A_1071 : vector<16xf32>
    %swap3A_1073 = arith.constant 336 : index
    %swap3A_1074 = tpu.vector_load %arg22[%swap3A_1073] {strides = array<i32>} : memref<640xf32, #tpu.memory_space<vmem>>, vector<16xf32>,
    tpu.vector_store %arg22[%swap3A_1073], %mul3A_1072 {strides = array<i32>} : memref<640xf32, #tpu.memory_space<vmem>>, vector<16xf32>,
    %get3A_1075 = arith.constant 352 : index
    %get3A_1076 = tpu.vector_load %arg22[%get3A_1075] {strides = array<i32>} : memref<640xf32, #tpu.memory_space<vmem>>, vector<16xf32>,
    %get3A_1077 = arith.constant 352 : index
    %get3A_1078 = tpu.vector_load %arg21[%get3A_1077] {strides = array<i32>} : memref<640xf32, #tpu.memory_space<vmem>>, vector<16xf32>,
    %mul3A_1079 = arith.mulf %get3A_1076, %get3A_1078 : vector<16xf32>
    %swap3A_1080 = arith.constant 352 : index
    %swap3A_1081 = tpu.vector_load %arg22[%swap3A_1080] {strides = array<i32>} : memref<640xf32, #tpu.memory_space<vmem>>, vector<16xf32>,
    tpu.vector_store %arg22[%swap3A_1080], %mul3A_1079 {strides = array<i32>} : memref<640xf32, #tpu.memory_space<vmem>>, vector<16xf32>,
    %get3A_1082 = arith.constant 368 : index
    %get3A_1083 = tpu.vector_load %arg22[%get3A_1082] {strides = array<i32>} : memref<640xf32, #tpu.memory_space<vmem>>, vector<16xf32>,
    %get3A_1084 = arith.constant 368 : index
    %get3A_1085 = tpu.vector_load %arg21[%get3A_1084] {strides = array<i32>} : memref<640xf32, #tpu.memory_space<vmem>>, vector<16xf32>,
    %mul3A_1086 = arith.mulf %get3A_1083, %get3A_1085 : vector<16xf32>
    %swap3A_1087 = arith.constant 368 : index
    %swap3A_1088 = tpu.vector_load %arg22[%swap3A_1087] {strides = array<i32>} : memref<640xf32, #tpu.memory_space<vmem>>, vector<16xf32>,
    tpu.vector_store %arg22[%swap3A_1087], %mul3A_1086 {strides = array<i32>} : memref<640xf32, #tpu.memory_space<vmem>>, vector<16xf32>,
    %get3A_1089 = arith.constant 384 : index
    %get3A_1090 = tpu.vector_load %arg22[%get3A_1089] {strides = array<i32>} : memref<640xf32, #tpu.memory_space<vmem>>, vector<16xf32>,
    %get3A_1091 = arith.constant 384 : index
    %get3A_1092 = tpu.vector_load %arg21[%get3A_1091] {strides = array<i32>} : memref<640xf32, #tpu.memory_space<vmem>>, vector<16xf32>,
    %mul3A_1093 = arith.mulf %get3A_1090, %get3A_1092 : vector<16xf32>
    %swap3A_1094 = arith.constant 384 : index
    %swap3A_1095 = tpu.vector_load %arg22[%swap3A_1094] {strides = array<i32>} : memref<640xf32, #tpu.memory_space<vmem>>, vector<16xf32>,
    tpu.vector_store %arg22[%swap3A_1094], %mul3A_1093 {strides = array<i32>} : memref<640xf32, #tpu.memory_space<vmem>>, vector<16xf32>,
    %get3A_1096 = arith.constant 400 : index
    %get3A_1097 = tpu.vector_load %arg22[%get3A_1096] {strides = array<i32>} : memref<640xf32, #tpu.memory_space<vmem>>, vector<16xf32>,
    %get3A_1098 = arith.constant 400 : index
    %get3A_1099 = tpu.vector_load %arg21[%get3A_1098] {strides = array<i32>} : memref<640xf32, #tpu.memory_space<vmem>>, vector<16xf32>,
    %mul3A_1100 = arith.mulf %get3A_1097, %get3A_1099 : vector<16xf32>
    %swap3A_1101 = arith.constant 400 : index
    %swap3A_1102 = tpu.vector_load %arg22[%swap3A_1101] {strides = array<i32>} : memref<640xf32, #tpu.memory_space<vmem>>, vector<16xf32>,
    tpu.vector_store %arg22[%swap3A_1101], %mul3A_1100 {strides = array<i32>} : memref<640xf32, #tpu.memory_space<vmem>>, vector<16xf32>,
    %get3A_1103 = arith.constant 416 : index
    %get3A_1104 = tpu.vector_load %arg22[%get3A_1103] {strides = array<i32>} : memref<640xf32, #tpu.memory_space<vmem>>, vector<16xf32>,
    %get3A_1105 = arith.constant 416 : index
    %get3A_1106 = tpu.vector_load %arg21[%get3A_1105] {strides = array<i32>} : memref<640xf32, #tpu.memory_space<vmem>>, vector<16xf32>,
    %mul3A_1107 = arith.mulf %get3A_1104, %get3A_1106 : vector<16xf32>
    %swap3A_1108 = arith.constant 416 : index
    %swap3A_1109 = tpu.vector_load %arg22[%swap3A_1108] {strides = array<i32>} : memref<640xf32, #tpu.memory_space<vmem>>, vector<16xf32>,
    tpu.vector_store %arg22[%swap3A_1108], %mul3A_1107 {strides = array<i32>} : memref<640xf32, #tpu.memory_space<vmem>>, vector<16xf32>,
    %get3A_1110 = arith.constant 432 : index
    %get3A_1111 = tpu.vector_load %arg22[%get3A_1110] {strides = array<i32>} : memref<640xf32, #tpu.memory_space<vmem>>, vector<16xf32>,
    %get3A_1112 = arith.constant 432 : index
    %get3A_1113 = tpu.vector_load %arg21[%get3A_1112] {strides = array<i32>} : memref<640xf32, #tpu.memory_space<vmem>>, vector<16xf32>,
    %mul3A_1114 = arith.mulf %get3A_1111, %get3A_1113 : vector<16xf32>
    %swap3A_1115 = arith.constant 432 : index
    %swap3A_1116 = tpu.vector_load %arg22[%swap3A_1115] {strides = array<i32>} : memref<640xf32, #tpu.memory_space<vmem>>, vector<16xf32>,
    tpu.vector_store %arg22[%swap3A_1115], %mul3A_1114 {strides = array<i32>} : memref<640xf32, #tpu.memory_space<vmem>>, vector<16xf32>,
    %get3A_1117 = arith.constant 448 : index
    %get3A_1118 = tpu.vector_load %arg22[%get3A_1117] {strides = array<i32>} : memref<640xf32, #tpu.memory_space<vmem>>, vector<16xf32>,
    %get3A_1119 = arith.constant 448 : index
    %get3A_1120 = tpu.vector_load %arg21[%get3A_1119] {strides = array<i32>} : memref<640xf32, #tpu.memory_space<vmem>>, vector<16xf32>,
    %mul3A_1121 = arith.mulf %get3A_1118, %get3A_1120 : vector<16xf32>
    %swap3A_1122 = arith.constant 448 : index
    %swap3A_1123 = tpu.vector_load %arg22[%swap3A_1122] {strides = array<i32>} : memref<640xf32, #tpu.memory_space<vmem>>, vector<16xf32>,
    tpu.vector_store %arg22[%swap3A_1122], %mul3A_1121 {strides = array<i32>} : memref<640xf32, #tpu.memory_space<vmem>>, vector<16xf32>,
    %get3A_1124 = arith.constant 464 : index
    %get3A_1125 = tpu.vector_load %arg22[%get3A_1124] {strides = array<i32>} : memref<640xf32, #tpu.memory_space<vmem>>, vector<16xf32>,
    %get3A_1126 = arith.constant 464 : index
    %get3A_1127 = tpu.vector_load %arg21[%get3A_1126] {strides = array<i32>} : memref<640xf32, #tpu.memory_space<vmem>>, vector<16xf32>,
    %mul3A_1128 = arith.mulf %get3A_1125, %get3A_1127 : vector<16xf32>
    %swap3A_1129 = arith.constant 464 : index
    %swap3A_1130 = tpu.vector_load %arg22[%swap3A_1129] {strides = array<i32>} : memref<640xf32, #tpu.memory_space<vmem>>, vector<16xf32>,
    tpu.vector_store %arg22[%swap3A_1129], %mul3A_1128 {strides = array<i32>} : memref<640xf32, #tpu.memory_space<vmem>>, vector<16xf32>,
    %get3A_1131 = arith.constant 480 : index
    %get3A_1132 = tpu.vector_load %arg22[%get3A_1131] {strides = array<i32>} : memref<640xf32, #tpu.memory_space<vmem>>, vector<16xf32>,
    %get3A_1133 = arith.constant 480 : index
    %get3A_1134 = tpu.vector_load %arg21[%get3A_1133] {strides = array<i32>} : memref<640xf32, #tpu.memory_space<vmem>>, vector<16xf32>,
    %mul3A_1135 = arith.mulf %get3A_1132, %get3A_1134 : vector<16xf32>
    %swap3A_1136 = arith.constant 480 : index
    %swap3A_1137 = tpu.vector_load %arg22[%swap3A_1136] {strides = array<i32>} : memref<640xf32, #tpu.memory_space<vmem>>, vector<16xf32>,
    tpu.vector_store %arg22[%swap3A_1136], %mul3A_1135 {strides = array<i32>} : memref<640xf32, #tpu.memory_space<vmem>>, vector<16xf32>,
    %get3A_1138 = arith.constant 496 : index
    %get3A_1139 = tpu.vector_load %arg22[%get3A_1138] {strides = array<i32>} : memref<640xf32, #tpu.memory_space<vmem>>, vector<16xf32>,
    %get3A_1140 = arith.constant 496 : index
    %get3A_1141 = tpu.vector_load %arg21[%get3A_1140] {strides = array<i32>} : memref<640xf32, #tpu.memory_space<vmem>>, vector<16xf32>,
    %mul3A_1142 = arith.mulf %get3A_1139, %get3A_1141 : vector<16xf32>
    %swap3A_1143 = arith.constant 496 : index
    %swap3A_1144 = tpu.vector_load %arg22[%swap3A_1143] {strides = array<i32>} : memref<640xf32, #tpu.memory_space<vmem>>, vector<16xf32>,
    tpu.vector_store %arg22[%swap3A_1143], %mul3A_1142 {strides = array<i32>} : memref<640xf32, #tpu.memory_space<vmem>>, vector<16xf32>,
    %get3A_1145 = arith.constant 512 : index
    %get3A_1146 = tpu.vector_load %arg22[%get3A_1145] {strides = array<i32>} : memref<640xf32, #tpu.memory_space<vmem>>, vector<16xf32>,
    %get3A_1147 = arith.constant 512 : index
    %get3A_1148 = tpu.vector_load %arg21[%get3A_1147] {strides = array<i32>} : memref<640xf32, #tpu.memory_space<vmem>>, vector<16xf32>,
    %mul3A_1149 = arith.mulf %get3A_1146, %get3A_1148 : vector<16xf32>
    %swap3A_1150 = arith.constant 512 : index
    %swap3A_1151 = tpu.vector_load %arg22[%swap3A_1150] {strides = array<i32>} : memref<640xf32, #tpu.memory_space<vmem>>, vector<16xf32>,
    tpu.vector_store %arg22[%swap3A_1150], %mul3A_1149 {strides = array<i32>} : memref<640xf32, #tpu.memory_space<vmem>>, vector<16xf32>,
    %get3A_1152 = arith.constant 528 : index
    %get3A_1153 = tpu.vector_load %arg22[%get3A_1152] {strides = array<i32>} : memref<640xf32, #tpu.memory_space<vmem>>, vector<16xf32>,
    %get3A_1154 = arith.constant 528 : index
    %get3A_1155 = tpu.vector_load %arg21[%get3A_1154] {strides = array<i32>} : memref<640xf32, #tpu.memory_space<vmem>>, vector<16xf32>,
    %mul3A_1156 = arith.mulf %get3A_1153, %get3A_1155 : vector<16xf32>
    %swap3A_1157 = arith.constant 528 : index
    %swap3A_1158 = tpu.vector_load %arg22[%swap3A_1157] {strides = array<i32>} : memref<640xf32, #tpu.memory_space<vmem>>, vector<16xf32>,
    tpu.vector_store %arg22[%swap3A_1157], %mul3A_1156 {strides = array<i32>} : memref<640xf32, #tpu.memory_space<vmem>>, vector<16xf32>,
    %get3A_1159 = arith.constant 544 : index
    %get3A_1160 = tpu.vector_load %arg22[%get3A_1159] {strides = array<i32>} : memref<640xf32, #tpu.memory_space<vmem>>, vector<16xf32>,
    %get3A_1161 = arith.constant 544 : index
    %get3A_1162 = tpu.vector_load %arg21[%get3A_1161] {strides = array<i32>} : memref<640xf32, #tpu.memory_space<vmem>>, vector<16xf32>,
    %mul3A_1163 = arith.mulf %get3A_1160, %get3A_1162 : vector<16xf32>
    %swap3A_1164 = arith.constant 544 : index
    %swap3A_1165 = tpu.vector_load %arg22[%swap3A_1164] {strides = array<i32>} : memref<640xf32, #tpu.memory_space<vmem>>, vector<16xf32>,
    tpu.vector_store %arg22[%swap3A_1164], %mul3A_1163 {strides = array<i32>} : memref<640xf32, #tpu.memory_space<vmem>>, vector<16xf32>,
    %get3A_1166 = arith.constant 560 : index
    %get3A_1167 = tpu.vector_load %arg22[%get3A_1166] {strides = array<i32>} : memref<640xf32, #tpu.memory_space<vmem>>, vector<16xf32>,
    %get3A_1168 = arith.constant 560 : index
    %get3A_1169 = tpu.vector_load %arg21[%get3A_1168] {strides = array<i32>} : memref<640xf32, #tpu.memory_space<vmem>>, vector<16xf32>,
    %mul3A_1170 = arith.mulf %get3A_1167, %get3A_1169 : vector<16xf32>
    %swap3A_1171 = arith.constant 560 : index
    %swap3A_1172 = tpu.vector_load %arg22[%swap3A_1171] {strides = array<i32>} : memref<640xf32, #tpu.memory_space<vmem>>, vector<16xf32>,
    tpu.vector_store %arg22[%swap3A_1171], %mul3A_1170 {strides = array<i32>} : memref<640xf32, #tpu.memory_space<vmem>>, vector<16xf32>,
    %get3A_1173 = arith.constant 576 : index
    %get3A_1174 = tpu.vector_load %arg22[%get3A_1173] {strides = array<i32>} : memref<640xf32, #tpu.memory_space<vmem>>, vector<16xf32>,
    %get3A_1175 = arith.constant 576 : index
    %get3A_1176 = tpu.vector_load %arg21[%get3A_1175] {strides = array<i32>} : memref<640xf32, #tpu.memory_space<vmem>>, vector<16xf32>,
    %mul3A_1177 = arith.mulf %get3A_1174, %get3A_1176 : vector<16xf32>
    %swap3A_1178 = arith.constant 576 : index
    %swap3A_1179 = tpu.vector_load %arg22[%swap3A_1178] {strides = array<i32>} : memref<640xf32, #tpu.memory_space<vmem>>, vector<16xf32>,
    tpu.vector_store %arg22[%swap3A_1178], %mul3A_1177 {strides = array<i32>} : memref<640xf32, #tpu.memory_space<vmem>>, vector<16xf32>,
    %get3A_1180 = arith.constant 592 : index
    %get3A_1181 = tpu.vector_load %arg22[%get3A_1180] {strides = array<i32>} : memref<640xf32, #tpu.memory_space<vmem>>, vector<16xf32>,
    %get3A_1182 = arith.constant 592 : index
    %get3A_1183 = tpu.vector_load %arg21[%get3A_1182] {strides = array<i32>} : memref<640xf32, #tpu.memory_space<vmem>>, vector<16xf32>,
    %mul3A_1184 = arith.mulf %get3A_1181, %get3A_1183 : vector<16xf32>
    %swap3A_1185 = arith.constant 592 : index
    %swap3A_1186 = tpu.vector_load %arg22[%swap3A_1185] {strides = array<i32>} : memref<640xf32, #tpu.memory_space<vmem>>, vector<16xf32>,
    tpu.vector_store %arg22[%swap3A_1185], %mul3A_1184 {strides = array<i32>} : memref<640xf32, #tpu.memory_space<vmem>>, vector<16xf32>,
    %get3A_1187 = arith.constant 608 : index
    %get3A_1188 = tpu.vector_load %arg22[%get3A_1187] {strides = array<i32>} : memref<640xf32, #tpu.memory_space<vmem>>, vector<16xf32>,
    %get3A_1189 = arith.constant 608 : index
    %get3A_1190 = tpu.vector_load %arg21[%get3A_1189] {strides = array<i32>} : memref<640xf32, #tpu.memory_space<vmem>>, vector<16xf32>,
    %mul3A_1191 = arith.mulf %get3A_1188, %get3A_1190 : vector<16xf32>
    %swap3A_1192 = arith.constant 608 : index
    %swap3A_1193 = tpu.vector_load %arg22[%swap3A_1192] {strides = array<i32>} : memref<640xf32, #tpu.memory_space<vmem>>, vector<16xf32>,
    tpu.vector_store %arg22[%swap3A_1192], %mul3A_1191 {strides = array<i32>} : memref<640xf32, #tpu.memory_space<vmem>>, vector<16xf32>,
    %get3A_1194 = arith.constant 624 : index
    %get3A_1195 = tpu.vector_load %arg22[%get3A_1194] {strides = array<i32>} : memref<640xf32, #tpu.memory_space<vmem>>, vector<16xf32>,
    %get3A_1196 = arith.constant 624 : index
    %get3A_1197 = tpu.vector_load %arg21[%get3A_1196] {strides = array<i32>} : memref<640xf32, #tpu.memory_space<vmem>>, vector<16xf32>,
    %mul3A_1198 = arith.mulf %get3A_1195, %get3A_1197 : vector<16xf32>
    %swap3A_1199 = arith.constant 624 : index
    %swap3A_1200 = tpu.vector_load %arg22[%swap3A_1199] {strides = array<i32>} : memref<640xf32, #tpu.memory_space<vmem>>, vector<16xf32>,
    tpu.vector_store %arg22[%swap3A_1199], %mul3A_1198 {strides = array<i32>} : memref<640xf32, #tpu.memory_space<vmem>>, vector<16xf32>,
    "tpu.region"() ({
      %run_scoped3A = tpu.sem_alloc : memref<!tpu.dma_semaphore, #tpu.memory_space<semaphore_mem>>
      %dma_start3A_1233 = tpu.memref_slice %arg25[%mul3A_99] : memref<10240xf32, #tpu.memory_space<vmem_shared>> -> memref<640xf32, #tpu.memory_space<vmem_shared>>
      %dma_start3A_1234 = tpu.memref_slice %arg25[%mul3A_99] : memref<10240xf32, #tpu.memory_space<vmem_shared>> -> memref<640xf32, #tpu.memory_space<vmem_shared>>
      tpu.enqueue_dma source(%arg22 : memref<640xf32, #tpu.memory_space<vmem>>) target(%dma_start3A_1234 : memref<640xf32, #tpu.memory_space<vmem_shared>>) target_semaphore(%run_scoped3A : memref<!tpu.dma_semaphore, #tpu.memory_space<semaphore_mem>>)
      %dma_wait3A_1235 = tpu.memref_slice %arg25[%mul3A_99] : memref<10240xf32, #tpu.memory_space<vmem_shared>> -> memref<640xf32, #tpu.memory_space<vmem_shared>>
      %dma_wait3A_1236 = tpu.memref_slice %arg25[%mul3A_99] : memref<10240xf32, #tpu.memory_space<vmem_shared>> -> memref<640xf32, #tpu.memory_space<vmem_shared>>
      tpu.wait_dma2 semaphore(%run_scoped3A : memref<!tpu.dma_semaphore, #tpu.memory_space<semaphore_mem>>) src(%arg22 : memref<640xf32, #tpu.memory_space<vmem>>) dst(%dma_wait3A_1236 : memref<640xf32, #tpu.memory_space<vmem_shared>>)
      tpu.yield
    }) : () -> ()
    %barrier3A_1201 = arith.constant 0 : index
    tpu.barrier barrier_id(%barrier3A_1201)
    %mul3A_1202 = arith.constant 5120 : i32
    %mul3A_1203 = arith.muli %add3A, %mul3A_1202 : i32
    %dma_start3A_1204 = tpu.memref_slice %arg3[%mul3A_1203] : memref<163840xf32, #tpu.memory_space<hbm>> -> memref<5120xf32, #tpu.memory_space<hbm>>
    %dma_start3A_1205 = tpu.memref_slice %arg3[%mul3A_1203] : memref<163840xf32, #tpu.memory_space<hbm>> -> memref<5120xf32, #tpu.memory_space<hbm>>
    tpu.enqueue_dma source(%dma_start3A_1205 : memref<5120xf32, #tpu.memory_space<hbm>>) target(%arg17 : memref<5120xf32, #tpu.memory_space<vmem>>) target_semaphore(%arg28 : memref<!tpu.dma_semaphore, #tpu.memory_space<semaphore_mem>>)
    %dma_start3A_1206 = tpu.memref_slice %arg4[%mul3A_1203] : memref<163840xf32, #tpu.memory_space<hbm>> -> memref<5120xf32, #tpu.memory_space<hbm>>
    %dma_start3A_1207 = tpu.memref_slice %arg4[%mul3A_1203] : memref<163840xf32, #tpu.memory_space<hbm>> -> memref<5120xf32, #tpu.memory_space<hbm>>
    tpu.enqueue_dma source(%dma_start3A_1207 : memref<5120xf32, #tpu.memory_space<hbm>>) target(%arg18 : memref<5120xf32, #tpu.memory_space<vmem>>) target_semaphore(%arg28 : memref<!tpu.dma_semaphore, #tpu.memory_space<semaphore_mem>>)
    %dma_start3A_1208 = tpu.memref_slice %arg5[%mul3A_1203] : memref<163840xf32, #tpu.memory_space<hbm>> -> memref<5120xf32, #tpu.memory_space<hbm>>
    %dma_start3A_1209 = tpu.memref_slice %arg5[%mul3A_1203] : memref<163840xf32, #tpu.memory_space<hbm>> -> memref<5120xf32, #tpu.memory_space<hbm>>
    tpu.enqueue_dma source(%dma_start3A_1209 : memref<5120xf32, #tpu.memory_space<hbm>>) target(%arg19 : memref<5120xf32, #tpu.memory_space<vmem>>) target_semaphore(%arg28 : memref<!tpu.dma_semaphore, #tpu.memory_space<semaphore_mem>>)
    "tpu.region"() ({
      %run_scoped3A = tpu.sem_alloc : memref<!tpu.dma_semaphore, #tpu.memory_space<semaphore_mem>>
      %dma_start3A_1233 = tpu.memref_slice %arg2[%mul3A_1203] : memref<163840xi32, #tpu.memory_space<hbm>> -> memref<5120xi32, #tpu.memory_space<hbm>>
      %dma_start3A_1234 = tpu.memref_slice %arg2[%mul3A_1203] : memref<163840xi32, #tpu.memory_space<hbm>> -> memref<5120xi32, #tpu.memory_space<hbm>>
      tpu.enqueue_dma source(%dma_start3A_1234 : memref<5120xi32, #tpu.memory_space<hbm>>) target(%arg13 : memref<5120xi32, #tpu.memory_space<vmem>>) target_semaphore(%run_scoped3A : memref<!tpu.dma_semaphore, #tpu.memory_space<semaphore_mem>>)
      %dma_wait3A_1235 = tpu.memref_slice %arg2[%mul3A_1203] : memref<163840xi32, #tpu.memory_space<hbm>> -> memref<5120xi32, #tpu.memory_space<hbm>>
      %dma_wait3A_1236 = tpu.memref_slice %arg2[%mul3A_1203] : memref<163840xi32, #tpu.memory_space<hbm>> -> memref<5120xi32, #tpu.memory_space<hbm>>
      tpu.wait_dma2 semaphore(%run_scoped3A : memref<!tpu.dma_semaphore, #tpu.memory_space<semaphore_mem>>) src(%dma_wait3A_1236 : memref<5120xi32, #tpu.memory_space<hbm>>) dst(%arg13 : memref<5120xi32, #tpu.memory_space<vmem>>)
      tpu.yield
    }) : () -> ()
    %dma_start3A_1210 = arith.constant 0 : i32
    %dma_start3A_1211 = tpu.memref_slice %arg23[%dma_start3A_1210] : memref<10240xf32, #tpu.memory_space<vmem_shared>> -> memref<10240xf32, #tpu.memory_space<vmem_shared>>
    tpu.enqueue_indirect_dma source(%dma_start3A_1211 : memref<10240xf32, #tpu.memory_space<vmem_shared>>) target(%arg14 : memref<5120xf32, #tpu.memory_space<vmem>>) offsets(%arg13 : memref<5120xi32, #tpu.memory_space<vmem>>) semaphore(%arg27 : memref<!tpu.dma_semaphore, #tpu.memory_space<semaphore_mem>>)
    %dma_start3A_1212 = arith.constant 0 : i32
    %dma_start3A_1213 = tpu.memref_slice %arg24[%dma_start3A_1212] : memref<10240xf32, #tpu.memory_space<vmem_shared>> -> memref<10240xf32, #tpu.memory_space<vmem_shared>>
    tpu.enqueue_indirect_dma source(%dma_start3A_1213 : memref<10240xf32, #tpu.memory_space<vmem_shared>>) target(%arg15 : memref<5120xf32, #tpu.memory_space<vmem>>) offsets(%arg13 : memref<5120xi32, #tpu.memory_space<vmem>>) semaphore(%arg27 : memref<!tpu.dma_semaphore, #tpu.memory_space<semaphore_mem>>)
    %dma_start3A_1214 = arith.constant 0 : i32
    %dma_start3A_1215 = tpu.memref_slice %arg25[%dma_start3A_1214] : memref<10240xf32, #tpu.memory_space<vmem_shared>> -> memref<10240xf32, #tpu.memory_space<vmem_shared>>
    tpu.enqueue_indirect_dma source(%dma_start3A_1215 : memref<10240xf32, #tpu.memory_space<vmem_shared>>) target(%arg16 : memref<5120xf32, #tpu.memory_space<vmem>>) offsets(%arg13 : memref<5120xi32, #tpu.memory_space<vmem>>) semaphore(%arg27 : memref<!tpu.dma_semaphore, #tpu.memory_space<semaphore_mem>>)
    %dma_wait3A_1216 = tpu.memref_slice %arg3[%mul3A_1203] : memref<163840xf32, #tpu.memory_space<hbm>> -> memref<5120xf32, #tpu.memory_space<hbm>>
    %dma_wait3A_1217 = tpu.memref_slice %arg3[%mul3A_1203] : memref<163840xf32, #tpu.memory_space<hbm>> -> memref<5120xf32, #tpu.memory_space<hbm>>
    tpu.wait_dma2 semaphore(%arg27 : memref<!tpu.dma_semaphore, #tpu.memory_space<semaphore_mem>>) src(%dma_wait3A_1217 : memref<5120xf32, #tpu.memory_space<hbm>>) dst(%arg14 : memref<5120xf32, #tpu.memory_space<vmem>>)
    %dma_wait3A_1218 = tpu.memref_slice %arg3[%mul3A_1203] : memref<163840xf32, #tpu.memory_space<hbm>> -> memref<5120xf32, #tpu.memory_space<hbm>>
    %dma_wait3A_1219 = tpu.memref_slice %arg3[%mul3A_1203] : memref<163840xf32, #tpu.memory_space<hbm>> -> memref<5120xf32, #tpu.memory_space<hbm>>
    tpu.wait_dma2 semaphore(%arg27 : memref<!tpu.dma_semaphore, #tpu.memory_space<semaphore_mem>>) src(%dma_wait3A_1219 : memref<5120xf32, #tpu.memory_space<hbm>>) dst(%arg15 : memref<5120xf32, #tpu.memory_space<vmem>>)
    %dma_wait3A_1220 = tpu.memref_slice %arg3[%mul3A_1203] : memref<163840xf32, #tpu.memory_space<hbm>> -> memref<5120xf32, #tpu.memory_space<hbm>>
    %dma_wait3A_1221 = tpu.memref_slice %arg3[%mul3A_1203] : memref<163840xf32, #tpu.memory_space<hbm>> -> memref<5120xf32, #tpu.memory_space<hbm>>
    tpu.wait_dma2 semaphore(%arg27 : memref<!tpu.dma_semaphore, #tpu.memory_space<semaphore_mem>>) src(%dma_wait3A_1221 : memref<5120xf32, #tpu.memory_space<hbm>>) dst(%arg16 : memref<5120xf32, #tpu.memory_space<vmem>>)
    %dma_wait3A_1222 = tpu.memref_slice %arg3[%mul3A_1203] : memref<163840xf32, #tpu.memory_space<hbm>> -> memref<5120xf32, #tpu.memory_space<hbm>>
    %dma_wait3A_1223 = tpu.memref_slice %arg3[%mul3A_1203] : memref<163840xf32, #tpu.memory_space<hbm>> -> memref<5120xf32, #tpu.memory_space<hbm>>
    tpu.wait_dma2 semaphore(%arg28 : memref<!tpu.dma_semaphore, #tpu.memory_space<semaphore_mem>>) src(%dma_wait3A_1223 : memref<5120xf32, #tpu.memory_space<hbm>>) dst(%arg17 : memref<5120xf32, #tpu.memory_space<vmem>>)
    %dma_wait3A_1224 = tpu.memref_slice %arg3[%mul3A_1203] : memref<163840xf32, #tpu.memory_space<hbm>> -> memref<5120xf32, #tpu.memory_space<hbm>>
    %dma_wait3A_1225 = tpu.memref_slice %arg3[%mul3A_1203] : memref<163840xf32, #tpu.memory_space<hbm>> -> memref<5120xf32, #tpu.memory_space<hbm>>
    tpu.wait_dma2 semaphore(%arg28 : memref<!tpu.dma_semaphore, #tpu.memory_space<semaphore_mem>>) src(%dma_wait3A_1225 : memref<5120xf32, #tpu.memory_space<hbm>>) dst(%arg18 : memref<5120xf32, #tpu.memory_space<vmem>>)
    %dma_wait3A_1226 = tpu.memref_slice %arg3[%mul3A_1203] : memref<163840xf32, #tpu.memory_space<hbm>> -> memref<5120xf32, #tpu.memory_space<hbm>>
    %dma_wait3A_1227 = tpu.memref_slice %arg3[%mul3A_1203] : memref<163840xf32, #tpu.memory_space<hbm>> -> memref<5120xf32, #tpu.memory_space<hbm>>
    tpu.wait_dma2 semaphore(%arg28 : memref<!tpu.dma_semaphore, #tpu.memory_space<semaphore_mem>>) src(%dma_wait3A_1227 : memref<5120xf32, #tpu.memory_space<hbm>>) dst(%arg19 : memref<5120xf32, #tpu.memory_space<vmem>>)
    %scan3A_1228 = arith.constant 0 : i32
    %scan3A_1229 = arith.constant 320 : i32
    %scan3A_1230 = arith.addi %scan3A_1228, %scan3A_1229 : i32
    %scan3A_1231 = arith.constant 1 : i32
    scf.for %scan3A_1233 = %scan3A_1228 to %scan3A_1230 step %scan3A_1231  : i32 {
      %mul3A_1234 = arith.constant 1 : i32
      %mul3A_1235 = arith.muli %scan3A_1233, %mul3A_1234 : i32
      %add3A_1236 = arith.constant 0 : i32
      %add3A_1237 = arith.addi %add3A_1236, %mul3A_1235 : i32
      %mul3A_1238 = arith.constant 16 : i32
      %mul3A_1239 = arith.muli %add3A_1237, %mul3A_1238 : i32
      %get3A_1240 = arith.index_cast %mul3A_1239 : i32 to index
      %get3A_1241 = tpu.vector_load %arg17[%get3A_1240] {strides = array<i32>} : memref<5120xf32, #tpu.memory_space<vmem>>, vector<16xf32>,
      %get3A_1242 = arith.index_cast %mul3A_1239 : i32 to index
      %get3A_1243 = tpu.vector_load %arg14[%get3A_1242] {strides = array<i32>} : memref<5120xf32, #tpu.memory_space<vmem>>, vector<16xf32>,
      %sub3A = arith.subf %get3A_1241, %get3A_1243 : vector<16xf32>
      %swap3A_1244 = arith.index_cast %mul3A_1239 : i32 to index
      %swap3A_1245 = tpu.vector_load %arg17[%swap3A_1244] {strides = array<i32>} : memref<5120xf32, #tpu.memory_space<vmem>>, vector<16xf32>,
      tpu.vector_store %arg17[%swap3A_1244], %sub3A {strides = array<i32>} : memref<5120xf32, #tpu.memory_space<vmem>>, vector<16xf32>,
      %get3A_1246 = arith.index_cast %mul3A_1239 : i32 to index
      %get3A_1247 = tpu.vector_load %arg18[%get3A_1246] {strides = array<i32>} : memref<5120xf32, #tpu.memory_space<vmem>>, vector<16xf32>,
      %get3A_1248 = arith.index_cast %mul3A_1239 : i32 to index
      %get3A_1249 = tpu.vector_load %arg15[%get3A_1248] {strides = array<i32>} : memref<5120xf32, #tpu.memory_space<vmem>>, vector<16xf32>,
      %sub3A_1250 = arith.subf %get3A_1247, %get3A_1249 : vector<16xf32>
      %swap3A_1251 = arith.index_cast %mul3A_1239 : i32 to index
      %swap3A_1252 = tpu.vector_load %arg18[%swap3A_1251] {strides = array<i32>} : memref<5120xf32, #tpu.memory_space<vmem>>, vector<16xf32>,
      tpu.vector_store %arg18[%swap3A_1251], %sub3A_1250 {strides = array<i32>} : memref<5120xf32, #tpu.memory_space<vmem>>, vector<16xf32>,
      %get3A_1253 = arith.index_cast %mul3A_1239 : i32 to index
      %get3A_1254 = tpu.vector_load %arg19[%get3A_1253] {strides = array<i32>} : memref<5120xf32, #tpu.memory_space<vmem>>, vector<16xf32>,
      %get3A_1255 = arith.index_cast %mul3A_1239 : i32 to index
      %get3A_1256 = tpu.vector_load %arg16[%get3A_1255] {strides = array<i32>} : memref<5120xf32, #tpu.memory_space<vmem>>, vector<16xf32>,
      %sub3A_1257 = arith.subf %get3A_1254, %get3A_1256 : vector<16xf32>
      %swap3A_1258 = arith.index_cast %mul3A_1239 : i32 to index
      %swap3A_1259 = tpu.vector_load %arg19[%swap3A_1258] {strides = array<i32>} : memref<5120xf32, #tpu.memory_space<vmem>>, vector<16xf32>,
      tpu.vector_store %arg19[%swap3A_1258], %sub3A_1257 {strides = array<i32>} : memref<5120xf32, #tpu.memory_space<vmem>>, vector<16xf32>,
    }
    %scan3A_1232 = arith.constant 320 : i32
    "tpu.region"() ({
      %run_scoped3A = tpu.sem_alloc : memref<!tpu.dma_semaphore, #tpu.memory_space<semaphore_mem>>
      %dma_start3A_1233 = tpu.memref_slice %arg6[%mul3A_1203] : memref<163840xf32, #tpu.memory_space<hbm>> -> memref<5120xf32, #tpu.memory_space<hbm>>
      %dma_start3A_1234 = tpu.memref_slice %arg6[%mul3A_1203] : memref<163840xf32, #tpu.memory_space<hbm>> -> memref<5120xf32, #tpu.memory_space<hbm>>
      tpu.enqueue_dma source(%arg17 : memref<5120xf32, #tpu.memory_space<vmem>>) target(%dma_start3A_1234 : memref<5120xf32, #tpu.memory_space<hbm>>) target_semaphore(%run_scoped3A : memref<!tpu.dma_semaphore, #tpu.memory_space<semaphore_mem>>)
      %dma_wait3A_1235 = tpu.memref_slice %arg6[%mul3A_1203] : memref<163840xf32, #tpu.memory_space<hbm>> -> memref<5120xf32, #tpu.memory_space<hbm>>
      %dma_wait3A_1236 = tpu.memref_slice %arg6[%mul3A_1203] : memref<163840xf32, #tpu.memory_space<hbm>> -> memref<5120xf32, #tpu.memory_space<hbm>>
      tpu.wait_dma2 semaphore(%run_scoped3A : memref<!tpu.dma_semaphore, #tpu.memory_space<semaphore_mem>>) src(%arg17 : memref<5120xf32, #tpu.memory_space<vmem>>) dst(%dma_wait3A_1236 : memref<5120xf32, #tpu.memory_space<hbm>>)
      tpu.yield
    }) : () -> ()
    "tpu.region"() ({
      %run_scoped3A = tpu.sem_alloc : memref<!tpu.dma_semaphore, #tpu.memory_space<semaphore_mem>>
      %dma_start3A_1233 = tpu.memref_slice %arg7[%mul3A_1203] : memref<163840xf32, #tpu.memory_space<hbm>> -> memref<5120xf32, #tpu.memory_space<hbm>>
      %dma_start3A_1234 = tpu.memref_slice %arg7[%mul3A_1203] : memref<163840xf32, #tpu.memory_space<hbm>> -> memref<5120xf32, #tpu.memory_space<hbm>>
      tpu.enqueue_dma source(%arg18 : memref<5120xf32, #tpu.memory_space<vmem>>) target(%dma_start3A_1234 : memref<5120xf32, #tpu.memory_space<hbm>>) target_semaphore(%run_scoped3A : memref<!tpu.dma_semaphore, #tpu.memory_space<semaphore_mem>>)
      %dma_wait3A_1235 = tpu.memref_slice %arg7[%mul3A_1203] : memref<163840xf32, #tpu.memory_space<hbm>> -> memref<5120xf32, #tpu.memory_space<hbm>>
      %dma_wait3A_1236 = tpu.memref_slice %arg7[%mul3A_1203] : memref<163840xf32, #tpu.memory_space<hbm>> -> memref<5120xf32, #tpu.memory_space<hbm>>
      tpu.wait_dma2 semaphore(%run_scoped3A : memref<!tpu.dma_semaphore, #tpu.memory_space<semaphore_mem>>) src(%arg18 : memref<5120xf32, #tpu.memory_space<vmem>>) dst(%dma_wait3A_1236 : memref<5120xf32, #tpu.memory_space<hbm>>)
      tpu.yield
    }) : () -> ()
    "tpu.region"() ({
      %run_scoped3A = tpu.sem_alloc : memref<!tpu.dma_semaphore, #tpu.memory_space<semaphore_mem>>
      %dma_start3A_1233 = tpu.memref_slice %arg8[%mul3A_1203] : memref<163840xf32, #tpu.memory_space<hbm>> -> memref<5120xf32, #tpu.memory_space<hbm>>
      %dma_start3A_1234 = tpu.memref_slice %arg8[%mul3A_1203] : memref<163840xf32, #tpu.memory_space<hbm>> -> memref<5120xf32, #tpu.memory_space<hbm>>
      tpu.enqueue_dma source(%arg19 : memref<5120xf32, #tpu.memory_space<vmem>>) target(%dma_start3A_1234 : memref<5120xf32, #tpu.memory_space<hbm>>) target_semaphore(%run_scoped3A : memref<!tpu.dma_semaphore, #tpu.memory_space<semaphore_mem>>)
      %dma_wait3A_1235 = tpu.memref_slice %arg8[%mul3A_1203] : memref<163840xf32, #tpu.memory_space<hbm>> -> memref<5120xf32, #tpu.memory_space<hbm>>
      %dma_wait3A_1236 = tpu.memref_slice %arg8[%mul3A_1203] : memref<163840xf32, #tpu.memory_space<hbm>> -> memref<5120xf32, #tpu.memory_space<hbm>>
      tpu.wait_dma2 semaphore(%run_scoped3A : memref<!tpu.dma_semaphore, #tpu.memory_space<semaphore_mem>>) src(%arg19 : memref<5120xf32, #tpu.memory_space<vmem>>) dst(%dma_wait3A_1236 : memref<5120xf32, #tpu.memory_space<hbm>>)
      tpu.yield
    }) : () -> ()
    return
  }
}

</mosaic_0001>

<sc_bundles>
// kernel: _center.3.cloned.1.call-start
scs
__scs_entry_jumppad:
0x0: {  	(pc) =	sbr.rel $0x88, $3  }
0x1: {  	(tag) =	ssettag $0x0;
	lr =	simm.s32 $0x1  }
0x2: {  	[smem:$0x3F9D] =	sst lr;
	_ =	strace $0xD0000000  }
0x3: {  	_ = 	snop  }
0x4: {  	_ = 	snop  }
0x5: {  	_ = 	snop  }
0x6: {  	_ = 	snop  }
0x7: {  	_ = 	snop  }
__scs_overlays_trampoline_lowered:
0x8: {  	[smem:$0x3FAC] =	sst s0  }
0x9: {  	[smem:$0x3FAD] =	sst s1  }
0xa: {  	[smem:$0x3FAE] =	sst s2  }
0xb: {  	[smem:$0x3FAF] =	sst s3  }
0xc: {  	[smem:$0x3FB0] =	sst s4  }
0xd: {  	[smem:$0x3FB1] =	sst s5  }
0xe: {  	[smem:$0x3FB2] =	sst s6  }
0xf: {  	[smem:$0x3FB3] =	sst s7  }
0x10: {  	[smem:$0x3FB4] =	sst s8  }
0x11: {  	[smem:$0x3FB5] =	sst s9;
	s0 =	simm.s32 @!p0 $0x0  }
0x12: {  	s1 =	sld [smem:$0x3F9B];
	s0 =	simm.s32 @p0 $0x1  }
0x13: {  	[smem:$0x3FB6] =	sst s0;
	s0 =	simm.s32 @!p1 $0x0  }
0x14: {  	s2 =	sld [smem:$0x3F9A];
	s0 =	simm.s32 @p1 $0x1  }
0x15: {  	[smem:$0x3FB7] =	sst s0;
	s0 =	simm.s32 @!p2 $0x0  }
0x16: {  	s3 =	sld [smem:$0x3FDB];
	s0 =	simm.s32 @p2 $0x1  }
0x17: {  	s4 =	simm.s32 $0x1BF5;
	[smem:$0x3FB9] =	sst s0  }
0x18: {  	s0 =	sld [smem:$0x3F9C];
	_ =	swait.ge [sflag:s4], $0x0  }
0x19: {  	s7 =	sld [smem:$0x3F9D]  }
0x1a: {  	s8 =	sadd.s32 $0xFFFFE003, lr  }
0x1b: {  	s9 =	sadd.s32 $0xFFFFFEF7, lr;
	s5 =	simm.s32 $0xFFFFFFFF;
	p2 =	slt.u32 s8, $0xFFFFF086  }
0x1c: {  	p1 =	slt.u32 s9, $0xF7A;
	s5 =	simm.s32 @!p2 $0x0  }
0x1d: {  	s5 =	simm.s32 @p1 $0x1;
	p0 =	seq.s32 s7, s2  }
0x1e: {  	s7 =	smul.u32 @!p0 $0xF7A, s2;
	p2 =	seq.s32 @!p0 s5, $0x0  }
0x1f: {  	s9 =	smul.u32 $0xF7A, s1;
	s8 =	simm.s32 @!p0 $0x1BF5;
	p2 =	por !p2, p0  }
0x20: {  	[sflag:s8] =	ssyncset.s32 @!p0 $0xFFFFF086;
	s6 =	sadd.s32 @!p0 s3, s7;
	s7 =	simm.s32 @!p0 $0x108  }
0x21: {  	s3 =	sadd.s32 s3, s9;
	s6 =	sadd.s32 @!p0 $0x88, s6;
	s7 =	simm.s32 @p2 $0x1082  }
0x22: {  	[simem:s7], [sflag:s8] =	dma.local @!p0 [hbm:s6], $0xF7A  }
0x23: {  	s9 =	sor.u32 $0xD0000000, s2;
	s6 =	simm.s32 $0x108;
	_ =	swait.ge @!p0 [sflag:s8], $0x0  }
0x24: {  	s3 =	sadd.s32 $0x88, s3;
	s6 =	simm.s32 @!p1 $0x1082;
	[sflag:s4] =	ssyncset.s32 $0xFFFFF086  }
0x25: {  	[simem:s6], [sflag:s4] =	dma.local [hbm:s3], $0xF7A  }
0x26: {  	[smem:$0x3F9D] =	sst s1;
	(tag) =	ssettag s2;
	_ =	strace s9  }
0x27: {  	s1 =	sld [smem:$0x3FAD]  }
0x28: {  	s2 =	sld [smem:$0x3FAE]  }
0x29: {  	s4 =	sld [smem:$0x3FB0]  }
0x2a: {  	p0 =	seq.s32 s5, $0x0;
	s5 =	sld [smem:$0x3FB1]  }
0x2b: {  	s6 =	sld [smem:$0x3FB2]  }
0x2c: {  	s7 =	sld [smem:$0x3FB3]  }
0x2d: {  	s3 =	simm.s32 $0x108;
	s8 =	sld [smem:$0x3FB4]  }
0x2e: {  	s3 =	simm.s32 @!p0 $0x1082;
	s9 =	sld [smem:$0x3FB5]  }
0x2f: {  	lr =	sadd.s32 s0, s3;
	s0 =	sld [smem:$0x3FAC]  }
0x30: {  	s3 =	sld [smem:$0x3FAF]  }
0x31: {  	[smem:$0x3FB8] =	sst s10  }
0x32: {  	s10 =	sld [smem:$0x3FB6];
	_ =	sdelay $0x3  }
0x33: {  	p0 =	seq.s32 s10, $0x1;
	s10 =	sld [smem:$0x3FB8];
	_ =	sdelay $0x3  }
0x34: {  	[smem:$0x3FB8] =	sst s10  }
0x35: {  	s10 =	sld [smem:$0x3FB7];
	_ =	sdelay $0x3  }
0x36: {  	p1 =	seq.s32 s10, $0x1;
	s10 =	sld [smem:$0x3FB8];
	_ =	sdelay $0x3  }
0x37: {  	[smem:$0x3FB8] =	sst s10  }
0x38: {  	s10 =	sld [smem:$0x3FB9]  }
0x39: {  	_ = 	snop;
	(pc) =	sbr.ind lr, $3  }
0x3a: {  	_ = 	snop  }
0x3b: {  	_ = 	snop  }
0x3c: {  	p2 =	seq.s32 s10, $0x1;
	s10 =	sld [smem:$0x3FB8]  }
0x3d: {  	_ =	shalt  }
0x3e: {  	_ =	shalt  }
0x3f: {  	_ =	shalt  }
0x40: {  	_ =	shalt  }
0x41: {  	_ =	shalt  }
0x42: {  	_ =	shalt  }
0x43: {  	_ =	shalt  }
0x44: {  	_ =	shalt  }
0x45: {  	_ =	shalt  }
0x46: {  	_ =	shalt  }
0x47: {  	_ =	shalt  }
0x48: {  	_ =	shalt  }
0x49: {  	_ =	shalt  }
0x4a: {  	_ =	shalt  }
0x4b: {  	_ =	shalt  }
0x4c: {  	_ =	shalt  }
0x4d: {  	_ =	shalt  }
0x4e: {  	_ =	shalt  }
0x4f: {  	_ =	shalt  }
0x50: {  	_ =	shalt  }
0x51: {  	_ =	shalt  }
0x52: {  	_ =	shalt  }
0x53: {  	_ =	shalt  }
0x54: {  	_ =	shalt  }
0x55: {  	_ =	shalt  }
0x56: {  	_ =	shalt  }
0x57: {  	_ =	shalt  }
0x58: {  	_ =	shalt  }
0x59: {  	_ =	shalt  }
0x5a: {  	_ =	shalt  }
0x5b: {  	_ =	shalt  }
0x5c: {  	_ =	shalt  }
0x5d: {  	_ =	shalt  }
0x5e: {  	_ =	shalt  }
0x5f: {  	_ =	shalt  }
0x60: {  	_ =	shalt  }
0x61: {  	_ =	shalt  }
0x62: {  	_ =	shalt  }
0x63: {  	_ =	shalt  }
0x64: {  	_ =	shalt  }
0x65: {  	_ =	shalt  }
0x66: {  	_ =	shalt  }
0x67: {  	_ =	shalt  }
0x68: {  	_ =	shalt  }
0x69: {  	_ =	shalt  }
0x6a: {  	_ =	shalt  }
0x6b: {  	_ =	shalt  }
0x6c: {  	_ =	shalt  }
0x6d: {  	_ =	shalt  }
0x6e: {  	_ =	shalt  }
0x6f: {  	_ =	shalt  }
0x70: {  	_ =	shalt  }
0x71: {  	_ =	shalt  }
0x72: {  	_ =	shalt  }
0x73: {  	_ =	shalt  }
0x74: {  	_ =	shalt  }
0x75: {  	_ =	shalt  }
0x76: {  	_ =	shalt  }
0x77: {  	_ =	shalt  }
0x78: {  	_ =	shalt  }
0x79: {  	_ =	shalt  }
0x7a: {  	_ =	shalt  }
0x7b: {  	_ =	shalt  }
0x7c: {  	_ =	shalt  }
0x7d: {  	_ =	shalt  }
0x7e: {  	_ =	shalt  }
0x7f: {  	_ =	shalt  }
0x80: {  	_ =	shalt  }
0x81: {  	_ =	shalt  }
0x82: {  	_ =	shalt  }
0x83: {  	_ =	shalt  }
0x84: {  	_ =	shalt  }
0x85: {  	_ =	shalt  }
0x86: {  	_ =	shalt  }
0x87: {  	_ =	shalt  }
.Lfunc_end0:
.L_simem_size_0:
called_computation_lowered:
.L_overlay_start_0:
0x88: {  	s2 =	sld [smem:$0x3FD9]  }
0x89: {  	s3 =	sld [smem:$0x3FFE];
	_ =	sdelay $0x1  }
0x8a: {  	s1 =	srdreg.scid  }
0x8b: {  	s0 =	sand.u32 $0x1, s1  }
0x8c: {  	s15 =	sshll.u32 s0, $0xA;
	s2 =	sadd.s32 s3, s2  }
0x8d: {  	s2 =	sadd.s32 s2, s15  }
0x8e: {  	[smem:$0x3FC4] =	sst s2  }
0x8f: {  	_ = 	snop  }
0x90: {  	s2 =	sld [smem:$0x3FC9]  }
0x91: {  	s16 =	sld [smem:$0x3FD0]  }
0x92: {  	s4 =	sld [smem:$0x3FC8]  }
0x93: {  	s5 =	sld [smem:$0x3FC7]  }
0x94: {  	s7 =	simm.s32 $0xA;
	s8 =	simm.s32 $0x10;
	s6 =	sld [smem:$0x3FC6]  }
0x95: {  	[smem:s8], [sflag:s7] =	dma.local [hbm:s16], $0x1  }
0x96: {  	_ =	swait.eq [sflag:s7], $0x1  }
0x97: {  	s17 =	sld [smem:$0x10];
	[sflag:s7] =	ssyncset.done $0x0  }
0x98: {  	s18 =	sld [smem:$0x11];
	[sflag:s7] =	ssyncadd.s32 $0xFFFFFFFF  }
0x99: {  	s19 =	sld [smem:$0x12];
	(tm) =	ssettm $0x1  }
0x9a: {  	s9 =	sld [smem:$0x3FFB];
	_ =	sdelay $0x3  }
0x9b: {  	_ =	strace s9  }
0x9c: {  	s9 =	sld [smem:$0x3FFC];
	_ =	sdelay $0x3  }
0x9d: {  	_ =	strace s9  }
0x9e: {  	s9 =	sld [smem:$0x3FFD];
	_ =	sdelay $0x3  }
0x9f: {  	_ =	strace s9  }
0xa0: {  	_ =	strace $0x8FFFFFFF  }
0xa1: {  	s20 =	sld [smem:$0x3FDB];
	_ =	sdelay $0x1  }
0xa2: {  	s10 =	simm.s32 $_scs_section_size  }
0xa3: {  	s11 =	simm.s32 $_size__tile_overlayer_lowered;
	s12 =	simm.s32 $_tile_overlayer_lowered  }
0xa4: {  	s23 =	simm.s32 $0x1BFF;
	s22 =	sshll.u32 s12, $0x1;
	s9 =	sadd.s32 s10, s20  }
0xa5: {  	s13 =	simm.s32 $0x0;
	s21 =	sshll.u32 s11, $0x1;
	s11 =	sadd.s32 s22, s9  }
0xa6: {  	[timem:s13], [sflag:s23] =	dma.local [hbm:s11], s21  }
0xa7: {  	_ =	swait.ge [sflag:s23], s21  }
0xa8: {  	s10 =	ssub.s32 $0x0, s21;
	[sflag:s23] =	ssyncset.done $0x0  }
0xa9: {  	[sflag:s23] =	ssyncadd.s32 s10;
	_ =	sdelay $0x1  }
0xaa: {  	s24 =	simm.s32 $0x1B8B  }
0xab: {  	_ =	swait.ge [sflag:s24], $0x1  }
0xac: {  	[sflag:s24] =	ssyncset.done $0x0  }
0xad: {  	s25 =	simm.s32 $0x1B8E;
	[sflag:s24] =	ssyncadd.s32 $0xFFFFFFFF  }
0xae: {  	s26 =	simm.s32 $execute0_lowered;
	[smem:$0x3FD2] =	sst s25  }
0xaf: {  	s10 =	sshll.u32 s26, $0x1;
	_ =	strace $0x80000046;
	[dreg:$0x1] =	wrdreg $0xFFFFFFFF  }
0xb0: {  	s28 =	simm.s32 $_size_execute0_lowered;
	s9 =	sadd.s32 s9, s10;
	[dreg:$0x0] =	wrdreg $0x0  }
0xb1: {  	s10 =	sshll.u32 s28, $0x1;
	[dreg:$0x2] =	wrdreg s9  }
0xb2: {  	[dreg:$0x3] =	wrdreg s10  }
0xb3: {  	[dreg:$0x4] =	wrdreg $0xC0  }
0xb4: {  	_ =	task [dreg:s13], $0x5FFFF  }
0xb5: {  	[dreg:$0x1] =	wrdreg $0xFFFFFFFF  }
0xb6: {  	[dreg:$0x0] =	wrdreg $0x60  }
0xb7: {  	[dreg:$0x2] =	wrdreg s2  }
0xb8: {  	[dreg:$0x3] =	wrdreg s4  }
0xb9: {  	[dreg:$0x4] =	wrdreg s5  }
0xba: {  	[dreg:$0x5] =	wrdreg s6  }
0xbb: {  	[dreg:$0x6] =	wrdreg s17  }
0xbc: {  	[dreg:$0x7] =	wrdreg s18  }
0xbd: {  	[dreg:$0x8] =	wrdreg s19  }
0xbe: {  	[dreg:$0x9] =	wrdreg $0x159000  }
0xbf: {  	[dreg:$0xa] =	wrdreg $0x15B800  }
0xc0: {  	[dreg:$0xb] =	wrdreg $0x15E000  }
0xc1: {  	[dreg:$0xc] =	wrdreg $0x160800  }
0xc2: {  	[dreg:$0xd] =	wrdreg $0x9  }
0xc3: {  	_ =	task.clear_ibuf [dreg:s13], $0xEFFFF;
	_ =	strace $0x90000046  }
0xc4: {  	s29 =	simm.s32 $0x9;
	_ =	strace $0x80000048  }
0xc5: {  	_ =	swait.ge [sflag:s29], $0x1  }
0xc6: {  	[sflag:s29] =	ssyncadd.s32 $0xFFFFFFFF  }
0xc7: {  	_ =	strace $0x90000048  }
0xc8: {  	_ =	sfence  }
0xc9: {  	s30 =	sld [smem:$0x0];
	_ =	sdelay $0x2  }
0xca: {  	s31 =	sshll.u32 s1, $0xD;
	s1 =	sshrl.u32 s1, $0x2  }
0xcb: {  	s3 =	sand.u32 $0x4000, s31;
	s1 =	sadd.s32 s1, s30  }
0xcc: {  	s0 =	sor.u32 s3, s0;
	s1 =	sshll.u32 s1, $0x11  }
0xcd: {  	s0 =	sor.u32 s1, s0  }
0xce: {  	s0 =	sadd.s32 $0x8F2B, s0  }
0xcf: {  	[sflag:s0] =	ssyncadd.remote.s32 $0x1  }
0xd0: {  	_ =	sfence.sel $0xFFFF  }
0xd1: {  	[dreg:$0x0] =	wrdreg $0xFFFFFFFF;
	(pc) =	sbr.abs _section_cstart, $3  }
0xd2: {  	[dreg:$0x1] =	wrdreg $0xFFFFFFFF  }
0xd3: {  	_ =	task.clear_ibuf [dreg:s13], $0x2FFFF;
	_ =	strace $0x9FFFFFFF  }
0xd4: {  	(tm) =	ssettm $0x7FFFFFFF  }
0xd5: {  	_ =	shalt  }
tec
execute0_lowered:
.L_overlay_start_1:
0x0: {  	(tag) =	ssettag $0x1  }
0x1: {  	s0 =	rddreg [dreg:$0x0]  }
0x2: {  	s1 =	rddreg [dreg:$0x1]  }
0x3: {  	s2 =	rddreg [dreg:$0x2]  }
0x4: {  	s3 =	rddreg [dreg:$0x3]  }
0x5: {  	s4 =	rddreg [dreg:$0x4]  }
0x6: {  	s5 =	rddreg [dreg:$0x5]  }
0x7: {  	s7 =	rddreg [dreg:$0x6]  }
0x8: {  	s13 =	rddreg [dreg:$0x7]  }
0x9: {  	s15 =	rddreg [dreg:$0x8]  }
0xa: {  	s16 =	rddreg [dreg:$0x9]  }
0xb: {  	s17 =	rddreg [dreg:$0xa];
	s8 =	srdreg.scid  }
0xc: {  	s6 =	simm.s32 $0x0;
	s14 =	stileid.u32;
	s28 =	simm.s32 $0x3  }
0xd: {  	s29 =	simm.s32 $0x2;
	s31 =	simm.s32 $0x1;
	s30 =	simm.s32 $0x11800  }
0xe: {  	s8 =	sand.u32 $0x1, s8;
	[smem:$0x7FF] =	sst s6;
	s12 =	smul.u32 $0x500, s14  }
0xf: {  	s11 =	sshll.u32 s14, $0x1;
	s14 =	smul.u32 $0x280, s14;
	s9 =	ssub.s32 $0x2, s8  }
0x10: {  	_ =	strace $0x80000047;
	s8 =	sor.u32 s8, s11;
	s10 =	sshrl.u32 s9, $0x1  }
0x11: {  	s23 =	sadd.s32 s0, s12;
	s24 =	sadd.s32 s1, s12;
	s25 =	sadd.s32 s2, s12  }
0x12: {  	s26 =	sadd.s32 s3, s12;
	s8 =	smul.u32 $0x280, s8;
	[dreg:$0xc] =	wrdreg s23  }
0x13: {  	s11 =	sadd.s32 s14, s13;
	s12 =	sadd.s32 s14, s15;
	[dreg:$0xd] =	wrdreg s24  }
0x14: {  	s13 =	sadd.s32 s14, s16;
	s14 =	sadd.s32 s14, s17;
	[dreg:$0xe] =	wrdreg s25  }
0x15: {  	s22 =	ssub.s32 s9, s10;
	[dreg:$0xf] =	wrdreg s26;
	s23 =	simm.s32 $0x2800  }
0x16: {  	s10 =	simm.s32 $0x5000;
	s24 =	simm.s32 $0x7800;
	s26 =	simm.s32 $0x15400  }
0x17: {  	s25 =	simm.s32 $0x12C00;
	s15 =	sadd.s32 s1, s8;
	s16 =	sadd.s32 s2, s8  }
0x18: {  	s17 =	sadd.s32 s3, s8;
	s18 =	sadd.s32 s0, s8;
	s19 =	sadd.s32 s4, s8  }
0x19: {  	s20 =	sadd.s32 s5, s8;
	s21 =	sadd.s32 s7, s8;
	s22 =	smax.u32 s22, $0x1  }
0x1a: {  	s0 =	simm.s32 $0x15680;
	s5 =	simm.s32 $0xF000;
	s4 =	simm.s32 $0x10400  }
0x1b: {  	v0 =	vimm.f32 $1.000000000e+00;
	v1 =	vimm.f32 $0.0e+00;
	s1 =	simm.s32 $0xA000;
	s2 =	simm.s32 $0x1400;
	s3 =	simm.s32 $0x0  }
.LBB2_1:
0x1c: {  	s7 =	rddreg [dreg:$0xc]  }
0x1d: {  	[tilespmem:s6], [sflag:$0x2] =	stream.linear.gather [hbm4b:s7+s6], $0x2800, $0x38;
	[tilespmem:$0x16300] =	vst v63  }
0x1e: {  	s9 =	rddreg [dreg:$0xd]  }
0x1f: {  	[tilespmem:s23], [sflag:$0x2] =	stream.linear.gather [hbm4b:s9+s6], $0x2800, $0x38;
	[tilespmem:$0x16300] =	vst v63  }
0x20: {  	s8 =	rddreg [dreg:$0xe]  }
0x21: {  	[tilespmem:s10], [sflag:$0x2] =	stream.linear.gather [hbm4b:s8+s6], $0x2800, $0x38;
	[tilespmem:$0x16300] =	vst v63  }
0x22: {  	s7 =	simm.s32 $0x40;
	s9 =	rddreg [dreg:$0xf];
	s8 =	simm.s32 $0x0  }
0x23: {  	[tilespmem:s24], [sflag:$0x2] =	stream.linear.gather [hbm4b:s9+s6], $0x2800, $0x38;
	[tilespmem:$0x16300] =	vst v63  }
.LBB2_2:
0x24: {  	p0 =	sne.s32 s7, $0x9FC0;
	[tilespmem:s8+$0x12C00] =	vst v0;
	s8 =	smov.u32 s7;
	s7 =	sadd.s32 $0x40, s7  }
.Ltmp0:
0x25: {  	(pc) =	sbr.rel @p0 .LBB2_2-.Ltmp0, $2  }
0x26: {  	_ =	sdelay $0x2  }
0x27: {  	s8 =	sshra.s32 s8, $0x2  }
0x28: {  	[tilespmem:s8+$0x12C00] =	vst v0  }
0x29: {  	[tilespmem:$0x15400] =	vst v1  }
0x2a: {  	[tilespmem:$0x15410] =	vst v1  }
0x2b: {  	[tilespmem:$0x15420] =	vst v1  }
0x2c: {  	[tilespmem:$0x15430] =	vst v1  }
0x2d: {  	[tilespmem:$0x15440] =	vst v1  }
0x2e: {  	[tilespmem:$0x15450] =	vst v1  }
0x2f: {  	[tilespmem:$0x15460] =	vst v1  }
0x30: {  	[tilespmem:$0x15470] =	vst v1  }
0x31: {  	[tilespmem:$0x15480] =	vst v1  }
0x32: {  	[tilespmem:$0x15490] =	vst v1  }
0x33: {  	[tilespmem:$0x154A0] =	vst v1  }
0x34: {  	[tilespmem:$0x154B0] =	vst v1  }
0x35: {  	[tilespmem:$0x154C0] =	vst v1  }
0x36: {  	[tilespmem:$0x154D0] =	vst v1  }
0x37: {  	[tilespmem:$0x154E0] =	vst v1  }
0x38: {  	[tilespmem:$0x154F0] =	vst v1  }
0x39: {  	[tilespmem:$0x15500] =	vst v1  }
0x3a: {  	[tilespmem:$0x15510] =	vst v1  }
0x3b: {  	[tilespmem:$0x15520] =	vst v1  }
0x3c: {  	[tilespmem:$0x15530] =	vst v1  }
0x3d: {  	[tilespmem:$0x15540] =	vst v1  }
0x3e: {  	[tilespmem:$0x15550] =	vst v1  }
0x3f: {  	[tilespmem:$0x15560] =	vst v1  }
0x40: {  	[tilespmem:$0x15570] =	vst v1  }
0x41: {  	[tilespmem:$0x15580] =	vst v1  }
0x42: {  	[tilespmem:$0x15590] =	vst v1  }
0x43: {  	[tilespmem:$0x155A0] =	vst v1  }
0x44: {  	[tilespmem:$0x155B0] =	vst v1  }
0x45: {  	[tilespmem:$0x155C0] =	vst v1  }
0x46: {  	[tilespmem:$0x155D0] =	vst v1  }
0x47: {  	[tilespmem:$0x155E0] =	vst v1  }
0x48: {  	[tilespmem:$0x155F0] =	vst v1  }
0x49: {  	[tilespmem:$0x15600] =	vst v1  }
0x4a: {  	[tilespmem:$0x15610] =	vst v1  }
0x4b: {  	[tilespmem:$0x15620] =	vst v1  }
0x4c: {  	[tilespmem:$0x15630] =	vst v1  }
0x4d: {  	[tilespmem:$0x15640] =	vst v1  }
0x4e: {  	[tilespmem:$0x15650] =	vst v1  }
0x4f: {  	[tilespmem:$0x15660] =	vst v1  }
0x50: {  	[tilespmem:$0x15670] =	vst v1  }
0x51: {  	[spmem:s11] =	stream.linear.scatter [tilespmem:s26], [sflag:$0x3], $0x280, $0x38;
	[tilespmem:$0x16300] =	vst v63  }
0x52: {  	_ =	swait.ge [sflag:s28], $0x280  }
0x53: {  	[sflag:s28] =	ssyncset.done $0x0  }
0x54: {  	[sflag:s28] =	ssyncadd.s32 $0xFFFFFD80  }
0x55: {  	[spmem:s12] =	stream.linear.scatter [tilespmem:s26], [sflag:$0x3], $0x280, $0x38;
	[tilespmem:$0x16300] =	vst v63  }
0x56: {  	_ =	swait.ge [sflag:s28], $0x280  }
0x57: {  	[sflag:s28] =	ssyncset.done $0x0  }
0x58: {  	[sflag:s28] =	ssyncadd.s32 $0xFFFFFD80  }
0x59: {  	[spmem:s13] =	stream.linear.scatter [tilespmem:s26], [sflag:$0x3], $0x280, $0x38;
	[tilespmem:$0x16300] =	vst v63  }
0x5a: {  	_ =	swait.ge [sflag:s28], $0x280  }
0x5b: {  	[sflag:s28] =	ssyncset.done $0x0  }
0x5c: {  	[sflag:s28] =	ssyncadd.s32 $0xFFFFFD80  }
0x5d: {  	[spmem:s14] =	stream.linear.scatter [tilespmem:s26], [sflag:$0x3], $0x280, $0x38;
	[tilespmem:$0x16300] =	vst v63  }
0x5e: {  	_ =	swait.ge [sflag:s28], $0x280  }
0x5f: {  	[sflag:s28] =	ssyncset.done $0x0  }
0x60: {  	[sflag:s28] =	ssyncadd.s32 $0xFFFFFD80  }
0x61: {  	[bflag:$0x0] =	sbarrier.arrive $0xFFFF  }
0x62: {  	_ =	swait.ge [sflag:s29], $0x2800  }
0x63: {  	[sflag:s29] =	ssyncset.done $0x0  }
0x64: {  	[sflag:s29] =	ssyncadd.s32 $0xFFFFD800  }
0x65: {  	_ =	swait.ge [sflag:s29], $0x2800  }
0x66: {  	[sflag:s29] =	ssyncset.done $0x0  }
0x67: {  	[sflag:s29] =	ssyncadd.s32 $0xFFFFD800  }
0x68: {  	_ =	swait.ge [sflag:s29], $0x2800  }
0x69: {  	[sflag:s29] =	ssyncset.done $0x0  }
0x6a: {  	[sflag:s29] =	ssyncadd.s32 $0xFFFFD800  }
0x6b: {  	_ =	swait.ge [sflag:s29], $0x2800  }
0x6c: {  	[sflag:s29] =	ssyncset.done $0x0  }
0x6d: {  	[sflag:s29] =	ssyncadd.s32 $0xFFFFD800  }
0x6e: {  	s7 =	simm.s32 $0x0;
	s8 =	rddreg [dreg:$0x7]  }
0x6f: {  	[spmem:s8] =	stream.indirect.scatter.add.f32 [tilespmem:s23], [sflag:$0x1], $0x1, s7, s23, $0xb8;
	[tilespmem:$0x16300] =	vst v63  }
0x70: {  	s9 =	rddreg [dreg:$0x8]  }
0x71: {  	[spmem:s9] =	stream.indirect.scatter.add.f32 [tilespmem:s10], [sflag:$0x1], $0x1, s7, s23, $0xb8;
	[tilespmem:$0x16300] =	vst v63  }
0x72: {  	s10 =	rddreg [dreg:$0x9]  }
0x73: {  	[spmem:s10] =	stream.indirect.scatter.add.f32 [tilespmem:s24], [sflag:$0x1], $0x1, s7, s23, $0xb8;
	[tilespmem:$0x16300] =	vst v63  }
0x74: {  	s24 =	rddreg [dreg:$0xa]  }
0x75: {  	[spmem:s24] =	stream.indirect.scatter.add.f32 [tilespmem:s25], [sflag:$0x1], $0x1, s7, s23, $0xb8;
	[tilespmem:$0x16300] =	vst v63  }
0x76: {  	_ =	swait.ge [sflag:s31], $0x2800  }
0x77: {  	[sflag:s31] =	ssyncset.done $0x0  }
0x78: {  	[sflag:s31] =	ssyncadd.s32 $0xFFFFD800  }
0x79: {  	_ =	swait.ge [sflag:s31], $0x2800  }
0x7a: {  	[sflag:s31] =	ssyncset.done $0x0  }
0x7b: {  	[sflag:s31] =	ssyncadd.s32 $0xFFFFD800  }
0x7c: {  	_ =	swait.ge [sflag:s31], $0x2800  }
0x7d: {  	[sflag:s31] =	ssyncset.done $0x0  }
0x7e: {  	[sflag:s31] =	ssyncadd.s32 $0xFFFFD800  }
0x7f: {  	_ =	swait.ge [sflag:s31], $0x2800  }
0x80: {  	[sflag:s31] =	ssyncset.done $0x0  }
0x81: {  	[sflag:s31] =	ssyncadd.s32 $0xFFFFD800  }
0x82: {  	[bflag:$0x0] =	sbarrier.arrive $0xFFFF  }
0x83: {  	[tilespmem:s26], [sflag:$0x3] =	stream.linear.gather [spmem:s14], $0x280, $0x38;
	[tilespmem:$0x16300] =	vst v63  }
0x84: {  	_ =	swait.ge [sflag:s28], $0x280  }
0x85: {  	[sflag:s28] =	ssyncset.done $0x0  }
0x86: {  	[sflag:s28] =	ssyncadd.s32 $0xFFFFFD80  }
0x87: {  	v2 =	vld [tilespmem:$0x15400]  }
0x88: {  	v3 =	vld [tilespmem:$0x15410]  }
0x89: {  	v4 =	vld [tilespmem:$0x15420]  }
0x8a: {  	v5 =	vld [tilespmem:$0x15430]  }
0x8b: {  	v6 =	vld [tilespmem:$0x15440]  }
0x8c: {  	v7 =	vld [tilespmem:$0x15450];
	v2 =	vmax.f32 v2, $1.000000000e+00  }
0x8d: {  	(erf) = vrcp.f32 v2;
	v2 =	vmax.f32 v3, $1.000000000e+00;
	v3 =	vld [tilespmem:$0x15460]  }
0x8e: {  	(erf) = vrcp.f32 v2;
	v2 =	vmax.f32 v4, $1.000000000e+00;
	v4 =	vld [tilespmem:$0x15470]  }
0x8f: {  	(erf) = vrcp.f32 v2;
	v2 =	vmax.f32 v5, $1.000000000e+00;
	v5 =	vld [tilespmem:$0x15480]  }
0x90: {  	(erf) = vrcp.f32 v2;
	v2 =	vmax.f32 v6, $1.000000000e+00;
	v6 =	vld [tilespmem:$0x15490]  }
0x91: {  	(erf) = vrcp.f32 v2;
	v2 =	vmax.f32 v7, $1.000000000e+00;
	v7 =	vld [tilespmem:$0x154A0]  }
0x92: {  	(erf) = vrcp.f32 v2;
	v2 =	vmax.f32 v3, $1.000000000e+00;
	v3 =	vld [tilespmem:$0x154B0]  }
0x93: {  	(erf) = vrcp.f32 v2;
	v2 =	vmax.f32 v4, $1.000000000e+00;
	v4 =	vld [tilespmem:$0x154C0]  }
0x94: {  	(erf) = vrcp.f32 v2;
	v2 =	vmax.f32 v5, $1.000000000e+00;
	v5 =	vld [tilespmem:$0x154D0]  }
0x95: {  	(erf) = vrcp.f32 v2;
	v2 =	vmax.f32 v6, $1.000000000e+00;
	v6 =	vld [tilespmem:$0x154E0]  }
0x96: {  	v8 =	vpop (erf);
	(erf) = vrcp.f32 v2;
	v2 =	vmax.f32 v7, $1.000000000e+00;
	v7 =	vld [tilespmem:$0x154F0]  }
0x97: {  	[tilespmem:$0x15400] =	vst v8;
	v8 =	vpop (erf);
	(erf) = vrcp.f32 v2;
	v2 =	vmax.f32 v3, $1.000000000e+00  }
0x98: {  	v3 =	vpop (erf);
	(erf) = vrcp.f32 v2;
	v2 =	vmax.f32 v4, $1.000000000e+00  }
0x99: {  	[tilespmem:$0x15420] =	vst v3;
	v3 =	vpop (erf);
	(erf) = vrcp.f32 v2;
	v2 =	vmax.f32 v5, $1.000000000e+00  }
0x9a: {  	[tilespmem:$0x15430] =	vst v3;
	v3 =	vpop (erf);
	(erf) = vrcp.f32 v2;
	v2 =	vmax.f32 v6, $1.000000000e+00  }
0x9b: {  	[tilespmem:$0x15440] =	vst v3;
	v3 =	vpop (erf);
	(erf) = vrcp.f32 v2;
	v2 =	vmax.f32 v7, $1.000000000e+00  }
0x9c: {  	[tilespmem:$0x15410] =	vst v8  }
0x9d: {  	[tilespmem:$0x15450] =	vst v3;
	v3 =	vpop (erf);
	(erf) = vrcp.f32 v2  }
0x9e: {  	[tilespmem:$0x15460] =	vst v3;
	v2 =	vpop (erf)  }
0x9f: {  	[tilespmem:$0x15470] =	vst v2;
	v2 =	vpop (erf)  }
0xa0: {  	[tilespmem:$0x15480] =	vst v2;
	v2 =	vpop (erf)  }
0xa1: {  	[tilespmem:$0x15490] =	vst v2;
	v2 =	vpop (erf)  }
0xa2: {  	[tilespmem:$0x154A0] =	vst v2;
	v2 =	vpop (erf)  }
0xa3: {  	[tilespmem:$0x154B0] =	vst v2;
	v2 =	vpop (erf)  }
0xa4: {  	[tilespmem:$0x154C0] =	vst v2;
	v2 =	vpop (erf)  }
0xa5: {  	[tilespmem:$0x154D0] =	vst v2;
	v2 =	vpop (erf)  }
0xa6: {  	[tilespmem:$0x154E0] =	vst v2;
	v2 =	vpop (erf)  }
0xa7: {  	[tilespmem:$0x154F0] =	vst v2  }
0xa8: {  	v2 =	vld [tilespmem:$0x15500]  }
0xa9: {  	v3 =	vld [tilespmem:$0x15510]  }
0xaa: {  	v4 =	vld [tilespmem:$0x15520]  }
0xab: {  	v5 =	vld [tilespmem:$0x15530]  }
0xac: {  	v6 =	vld [tilespmem:$0x15540]  }
0xad: {  	v7 =	vld [tilespmem:$0x15550];
	v2 =	vmax.f32 v2, $1.000000000e+00  }
0xae: {  	(erf) = vrcp.f32 v2;
	v2 =	vmax.f32 v3, $1.000000000e+00;
	v3 =	vld [tilespmem:$0x15560]  }
0xaf: {  	(erf) = vrcp.f32 v2;
	v2 =	vmax.f32 v4, $1.000000000e+00;
	v4 =	vld [tilespmem:$0x15570]  }
0xb0: {  	(erf) = vrcp.f32 v2;
	v2 =	vmax.f32 v5, $1.000000000e+00;
	v5 =	vld [tilespmem:$0x15580]  }
0xb1: {  	(erf) = vrcp.f32 v2;
	v2 =	vmax.f32 v6, $1.000000000e+00;
	v6 =	vld [tilespmem:$0x15590]  }
0xb2: {  	(erf) = vrcp.f32 v2;
	v2 =	vmax.f32 v7, $1.000000000e+00;
	v7 =	vld [tilespmem:$0x155A0]  }
0xb3: {  	(erf) = vrcp.f32 v2;
	v2 =	vmax.f32 v3, $1.000000000e+00;
	v3 =	vld [tilespmem:$0x155B0]  }
0xb4: {  	(erf) = vrcp.f32 v2;
	v2 =	vmax.f32 v4, $1.000000000e+00;
	v4 =	vld [tilespmem:$0x155C0]  }
0xb5: {  	(erf) = vrcp.f32 v2;
	v2 =	vmax.f32 v5, $1.000000000e+00;
	v5 =	vld [tilespmem:$0x155D0]  }
0xb6: {  	(erf) = vrcp.f32 v2;
	v2 =	vmax.f32 v6, $1.000000000e+00;
	v6 =	vld [tilespmem:$0x155E0]  }
0xb7: {  	v8 =	vpop (erf);
	(erf) = vrcp.f32 v2;
	v2 =	vmax.f32 v7, $1.000000000e+00;
	v7 =	vld [tilespmem:$0x155F0]  }
0xb8: {  	[tilespmem:$0x15500] =	vst v8;
	v8 =	vpop (erf);
	(erf) = vrcp.f32 v2;
	v2 =	vmax.f32 v3, $1.000000000e+00;
	v3 =	vld [tilespmem:$0x15600]  }
0xb9: {  	[tilespmem:$0x15510] =	vst v8;
	v8 =	vpop (erf);
	(erf) = vrcp.f32 v2;
	v2 =	vmax.f32 v4, $1.000000000e+00;
	v4 =	vld [tilespmem:$0x15610]  }
0xba: {  	[tilespmem:$0x15520] =	vst v8;
	v8 =	vpop (erf);
	(erf) = vrcp.f32 v2;
	v2 =	vmax.f32 v5, $1.000000000e+00;
	v5 =	vld [tilespmem:$0x15620]  }
0xbb: {  	[tilespmem:$0x15530] =	vst v8;
	v8 =	vpop (erf);
	(erf) = vrcp.f32 v2;
	v2 =	vmax.f32 v6, $1.000000000e+00;
	v6 =	vld [tilespmem:$0x15630]  }
0xbc: {  	[tilespmem:$0x15540] =	vst v8;
	v8 =	vpop (erf);
	(erf) = vrcp.f32 v2;
	v2 =	vmax.f32 v7, $1.000000000e+00;
	v7 =	vld [tilespmem:$0x15640]  }
0xbd: {  	[tilespmem:$0x15550] =	vst v8;
	v8 =	vpop (erf);
	(erf) = vrcp.f32 v2;
	v2 =	vmax.f32 v3, $1.000000000e+00;
	v3 =	vld [tilespmem:$0x15650]  }
0xbe: {  	[tilespmem:$0x15560] =	vst v8;
	v8 =	vpop (erf);
	(erf) = vrcp.f32 v2;
	v2 =	vmax.f32 v4, $1.000000000e+00;
	v4 =	vld [tilespmem:$0x15660]  }
0xbf: {  	[tilespmem:$0x15570] =	vst v8;
	v8 =	vpop (erf);
	(erf) = vrcp.f32 v2;
	v2 =	vmax.f32 v5, $1.000000000e+00;
	v5 =	vld [tilespmem:$0x15670]  }
0xc0: {  	[tilespmem:$0x15580] =	vst v8;
	v8 =	vpop (erf);
	(erf) = vrcp.f32 v2;
	v2 =	vmax.f32 v6, $1.000000000e+00  }
0xc1: {  	v6 =	vpop (erf);
	(erf) = vrcp.f32 v2;
	v2 =	vmax.f32 v7, $1.000000000e+00  }
0xc2: {  	[tilespmem:$0x155A0] =	vst v6;
	v6 =	vpop (erf);
	(erf) = vrcp.f32 v2;
	v2 =	vmax.f32 v3, $1.000000000e+00  }
0xc3: {  	[tilespmem:$0x15590] =	vst v8;
	v3 =	vpop (erf);
	(erf) = vrcp.f32 v2;
	v2 =	vmax.f32 v4, $1.000000000e+00  }
0xc4: {  	[tilespmem:$0x155C0] =	vst v3;
	v3 =	vpop (erf);
	(erf) = vrcp.f32 v2;
	v2 =	vmax.f32 v5, $1.000000000e+00  }
0xc5: {  	[tilespmem:$0x155B0] =	vst v6  }
0xc6: {  	[tilespmem:$0x155D0] =	vst v3;
	v3 =	vpop (erf);
	(erf) = vrcp.f32 v2  }
0xc7: {  	[tilespmem:$0x155E0] =	vst v3;
	v2 =	vpop (erf)  }
0xc8: {  	v3 =	vpop (erf);
	[tilespmem:$0x155F0] =	vst v2  }
0xc9: {  	v2 =	vpop (erf);
	[tilespmem:$0x15600] =	vst v3  }
0xca: {  	v3 =	vpop (erf);
	[tilespmem:$0x15610] =	vst v2  }
0xcb: {  	v2 =	vpop (erf);
	[tilespmem:$0x15620] =	vst v3  }
0xcc: {  	v3 =	vpop (erf);
	[tilespmem:$0x15630] =	vst v2  }
0xcd: {  	v2 =	vpop (erf);
	[tilespmem:$0x15640] =	vst v3  }
0xce: {  	v3 =	vpop (erf);
	[tilespmem:$0x15650] =	vst v2  }
0xcf: {  	[tilespmem:$0x15660] =	vst v3;
	v2 =	vpop (erf)  }
0xd0: {  	[tilespmem:$0x15670] =	vst v2  }
0xd1: {  	[tilespmem:s0], [sflag:$0x3] =	stream.linear.gather [spmem:s11], $0x280, $0x38;
	[tilespmem:$0x16300] =	vst v63  }
0xd2: {  	_ =	swait.ge [sflag:s28], $0x280  }
0xd3: {  	[sflag:s28] =	ssyncset.done $0x0  }
0xd4: {  	[sflag:s28] =	ssyncadd.s32 $0xFFFFFD80  }
0xd5: {  	v2 =	vld [tilespmem:$0x15680]  }
0xd6: {  	v3 =	vld [tilespmem:$0x15400]  }
0xd7: {  	v4 =	vld [tilespmem:$0x15690]  }
0xd8: {  	v5 =	vld [tilespmem:$0x15410]  }
0xd9: {  	v6 =	vld [tilespmem:$0x156A0]  }
0xda: {  	v7 =	vld [tilespmem:$0x15420]  }
0xdb: {  	v8 =	vld [tilespmem:$0x156B0]  }
0xdc: {  	v9 =	vld [tilespmem:$0x15430]  }
0xdd: {  	v10 =	vld [tilespmem:$0x156C0]  }
0xde: {  	v11 =	vld [tilespmem:$0x15440]  }
0xdf: {  	v12 =	vld [tilespmem:$0x156D0]  }
0xe0: {  	v13 =	vld [tilespmem:$0x15450]  }
0xe1: {  	v14 =	vld [tilespmem:$0x156E0]  }
0xe2: {  	v15 =	vld [tilespmem:$0x15460]  }
0xe3: {  	v16 =	vld [tilespmem:$0x156F0]  }
0xe4: {  	v17 =	vld [tilespmem:$0x15470]  }
0xe5: {  	v18 =	vld [tilespmem:$0x15700]  }
0xe6: {  	v19 =	vld [tilespmem:$0x15480]  }
0xe7: {  	v20 =	vld [tilespmem:$0x15710]  }
0xe8: {  	v21 =	vld [tilespmem:$0x15490]  }
0xe9: {  	v22 =	vld [tilespmem:$0x15720]  }
0xea: {  	v23 =	vld [tilespmem:$0x154A0]  }
0xeb: {  	v24 =	vld [tilespmem:$0x15730]  }
0xec: {  	v25 =	vld [tilespmem:$0x154B0]  }
0xed: {  	v26 =	vld [tilespmem:$0x15740]  }
0xee: {  	v27 =	vld [tilespmem:$0x154C0]  }
0xef: {  	v28 =	vld [tilespmem:$0x15750]  }
0xf0: {  	v29 =	vld [tilespmem:$0x154D0]  }
0xf1: {  	v30 =	vld [tilespmem:$0x15760]  }
0xf2: {  	v31 =	vld [tilespmem:$0x154E0]  }
0xf3: {  	v32 =	vld [tilespmem:$0x15770]  }
0xf4: {  	v33 =	vld [tilespmem:$0x154F0]  }
0xf5: {  	v34 =	vld [tilespmem:$0x15780]  }
0xf6: {  	v35 =	vld [tilespmem:$0x15500]  }
0xf7: {  	v36 =	vld [tilespmem:$0x15790]  }
0xf8: {  	v37 =	vld [tilespmem:$0x15510]  }
0xf9: {  	v38 =	vld [tilespmem:$0x157A0]  }
0xfa: {  	v39 =	vld [tilespmem:$0x15520]  }
0xfb: {  	v40 =	vld [tilespmem:$0x157B0]  }
0xfc: {  	v41 =	vld [tilespmem:$0x15530]  }
0xfd: {  	v42 =	vld [tilespmem:$0x157C0]  }
0xfe: {  	v43 =	vld [tilespmem:$0x15540]  }
0xff: {  	v44 =	vld [tilespmem:$0x157D0]  }
0x100: {  	v45 =	vld [tilespmem:$0x15550]  }
0x101: {  	v46 =	vld [tilespmem:$0x157E0]  }
0x102: {  	v56 =	vld [tilespmem:$0x15810];
	v2 =	vmul.f32 v3, v2  }
0x103: {  	v57 =	vld [tilespmem:$0x15590];
	v4 =	vmul.f32 v5, v4  }
0x104: {  	v58 =	vld [tilespmem:$0x15820];
	[tilespmem:$0x15680] =	vst v2;
	v2 =	vmul.f32 v7, v6  }
0x105: {  	v59 =	vld [tilespmem:$0x155A0];
	[tilespmem:$0x15690] =	vst v4;
	v4 =	vmul.f32 v9, v8  }
0x106: {  	v60 =	vld [tilespmem:$0x15830];
	[tilespmem:$0x156A0] =	vst v2;
	v2 =	vmul.f32 v11, v10  }
0x107: {  	v61 =	vld [tilespmem:$0x155B0];
	[tilespmem:$0x156B0] =	vst v4;
	v4 =	vmul.f32 v13, v12  }
0x108: {  	v62 =	vld [tilespmem:$0x15840];
	[tilespmem:$0x156C0] =	vst v2;
	v2 =	vmul.f32 v15, v14  }
0x109: {  	v63 =	vld [tilespmem:$0x155C0];
	[tilespmem:$0x156D0] =	vst v4;
	v4 =	vmul.f32 v17, v16  }
0x10a: {  	v47 =	vld [tilespmem:$0x15880];
	[tilespmem:$0x156E0] =	vst v2;
	v2 =	vmul.f32 v19, v18  }
0x10b: {  	v48 =	vld [tilespmem:$0x15600];
	[tilespmem:$0x156F0] =	vst v4;
	v4 =	vmul.f32 v21, v20  }
0x10c: {  	v49 =	vld [tilespmem:$0x15890];
	[tilespmem:$0x15700] =	vst v2;
	v2 =	vmul.f32 v23, v22  }
0x10d: {  	v50 =	vld [tilespmem:$0x158C0];
	[tilespmem:$0x15710] =	vst v4;
	v4 =	vmul.f32 v25, v24  }
0x10e: {  	v51 =	vld [tilespmem:$0x15640];
	[tilespmem:$0x15720] =	vst v2;
	v2 =	vmul.f32 v27, v26  }
0x10f: {  	v52 =	vld [tilespmem:$0x158D0];
	[tilespmem:$0x15730] =	vst v4;
	v4 =	vmul.f32 v29, v28  }
0x110: {  	v53 =	vld [tilespmem:$0x15650];
	[tilespmem:$0x15740] =	vst v2;
	v2 =	vmul.f32 v31, v30  }
0x111: {  	v3 =	vld [tilespmem:$0x15560];
	[tilespmem:$0x15750] =	vst v4;
	v4 =	vmul.f32 v33, v32  }
0x112: {  	v5 =	vld [tilespmem:$0x157F0];
	[tilespmem:$0x15760] =	vst v2;
	v2 =	vmul.f32 v35, v34  }
0x113: {  	v6 =	vld [tilespmem:$0x15570];
	[tilespmem:$0x15770] =	vst v4;
	v4 =	vmul.f32 v37, v36  }
0x114: {  	v7 =	vld [tilespmem:$0x15800];
	[tilespmem:$0x15780] =	vst v2;
	v2 =	vmul.f32 v39, v38  }
0x115: {  	v8 =	vld [tilespmem:$0x15580];
	[tilespmem:$0x15790] =	vst v4;
	v4 =	vmul.f32 v41, v40  }
0x116: {  	v29 =	vld [tilespmem:$0x15850];
	[tilespmem:$0x157A0] =	vst v2;
	v2 =	vmul.f32 v43, v42  }
0x117: {  	v31 =	vld [tilespmem:$0x155D0];
	[tilespmem:$0x157B0] =	vst v4;
	v4 =	vmul.f32 v45, v44  }
0x118: {  	v33 =	vld [tilespmem:$0x15860];
	[tilespmem:$0x157C0] =	vst v2;
	v2 =	vmul.f32 v3, v46  }
0x119: {  	v35 =	vld [tilespmem:$0x155E0];
	[tilespmem:$0x157D0] =	vst v4;
	v4 =	vmul.f32 v6, v5  }
0x11a: {  	v37 =	vld [tilespmem:$0x15870];
	[tilespmem:$0x157E0] =	vst v2;
	v2 =	vmul.f32 v8, v7  }
0x11b: {  	v39 =	vld [tilespmem:$0x155F0];
	[tilespmem:$0x157F0] =	vst v4;
	v4 =	vmul.f32 v57, v56  }
0x11c: {  	v3 =	vld [tilespmem:$0x15610];
	[tilespmem:$0x15800] =	vst v2;
	v2 =	vmul.f32 v59, v58  }
0x11d: {  	v5 =	vld [tilespmem:$0x158A0];
	[tilespmem:$0x15810] =	vst v4;
	v4 =	vmul.f32 v61, v60  }
0x11e: {  	v6 =	vld [tilespmem:$0x15620];
	[tilespmem:$0x15820] =	vst v2;
	v2 =	vmul.f32 v63, v62  }
0x11f: {  	v7 =	vld [tilespmem:$0x158B0];
	[tilespmem:$0x15830] =	vst v4;
	v4 =	vmul.f32 v31, v29  }
0x120: {  	v8 =	vld [tilespmem:$0x15630];
	[tilespmem:$0x15840] =	vst v2;
	v2 =	vmul.f32 v35, v33  }
0x121: {  	v54 =	vld [tilespmem:$0x158E0];
	[tilespmem:$0x15850] =	vst v4;
	v4 =	vmul.f32 v39, v37  }
0x122: {  	v55 =	vld [tilespmem:$0x15660];
	[tilespmem:$0x15860] =	vst v2;
	v2 =	vmul.f32 v48, v47  }
0x123: {  	v3 =	vmul.f32 v3, v49;
	[tilespmem:$0x15870] =	vst v4;
	v4 =	vld [tilespmem:$0x158F0]  }
0x124: {  	[tilespmem:$0x15880] =	vst v2;
	v2 =	vmul.f32 v6, v5;
	v5 =	vld [tilespmem:$0x15670]  }
0x125: {  	[tilespmem:$0x15890] =	vst v3;
	v3 =	vmul.f32 v8, v7  }
0x126: {  	[tilespmem:$0x158A0] =	vst v2;
	v2 =	vmul.f32 v51, v50  }
0x127: {  	[tilespmem:$0x158B0] =	vst v3;
	v3 =	vmul.f32 v53, v52  }
0x128: {  	[tilespmem:$0x158C0] =	vst v2;
	v2 =	vmul.f32 v55, v54  }
0x129: {  	[tilespmem:$0x158D0] =	vst v3;
	v3 =	vmul.f32 v5, v4  }
0x12a: {  	[tilespmem:$0x158E0] =	vst v2  }
0x12b: {  	[tilespmem:$0x158F0] =	vst v3  }
0x12c: {  	[spmem:s11] =	stream.linear.scatter [tilespmem:s0], [sflag:$0x3], $0x280, $0x38;
	[tilespmem:$0x16300] =	vst v63  }
0x12d: {  	_ =	swait.ge [sflag:s28], $0x280  }
0x12e: {  	[sflag:s28] =	ssyncset.done $0x0  }
0x12f: {  	[sflag:s28] =	ssyncadd.s32 $0xFFFFFD80  }
0x130: {  	[tilespmem:s0], [sflag:$0x3] =	stream.linear.gather [spmem:s12], $0x280, $0x38;
	[tilespmem:$0x16300] =	vst v63  }
0x131: {  	_ =	swait.ge [sflag:s28], $0x280  }
0x132: {  	[sflag:s28] =	ssyncset.done $0x0  }
0x133: {  	[sflag:s28] =	ssyncadd.s32 $0xFFFFFD80  }
0x134: {  	v2 =	vld [tilespmem:$0x15680]  }
0x135: {  	v3 =	vld [tilespmem:$0x15400]  }
0x136: {  	v4 =	vld [tilespmem:$0x15690]  }
0x137: {  	v5 =	vld [tilespmem:$0x15410]  }
0x138: {  	v6 =	vld [tilespmem:$0x156A0]  }
0x139: {  	v7 =	vld [tilespmem:$0x15420]  }
0x13a: {  	v8 =	vld [tilespmem:$0x156B0]  }
0x13b: {  	v9 =	vld [tilespmem:$0x15430]  }
0x13c: {  	v10 =	vld [tilespmem:$0x156C0]  }
0x13d: {  	v11 =	vld [tilespmem:$0x15440]  }
0x13e: {  	v12 =	vld [tilespmem:$0x156D0]  }
0x13f: {  	v56 =	vld [tilespmem:$0x15450]  }
0x140: {  	v14 =	vld [tilespmem:$0x156E0]  }
0x141: {  	v57 =	vld [tilespmem:$0x15460]  }
0x142: {  	v16 =	vld [tilespmem:$0x156F0]  }
0x143: {  	v58 =	vld [tilespmem:$0x15470]  }
0x144: {  	v18 =	vld [tilespmem:$0x15700]  }
0x145: {  	v59 =	vld [tilespmem:$0x15480]  }
0x146: {  	v20 =	vld [tilespmem:$0x15710]  }
0x147: {  	v60 =	vld [tilespmem:$0x15490]  }
0x148: {  	v22 =	vld [tilespmem:$0x15720]  }
0x149: {  	v61 =	vld [tilespmem:$0x154A0]  }
0x14a: {  	v24 =	vld [tilespmem:$0x15730]  }
0x14b: {  	v62 =	vld [tilespmem:$0x154B0]  }
0x14c: {  	v26 =	vld [tilespmem:$0x15740]  }
0x14d: {  	v63 =	vld [tilespmem:$0x154C0]  }
0x14e: {  	v28 =	vld [tilespmem:$0x15750]  }
0x14f: {  	v29 =	vld [tilespmem:$0x154D0]  }
0x150: {  	v30 =	vld [tilespmem:$0x15760]  }
0x151: {  	v31 =	vld [tilespmem:$0x154E0]  }
0x152: {  	v32 =	vld [tilespmem:$0x15770]  }
0x153: {  	v33 =	vld [tilespmem:$0x154F0]  }
0x154: {  	v34 =	vld [tilespmem:$0x15780]  }
0x155: {  	v35 =	vld [tilespmem:$0x15500]  }
0x156: {  	v36 =	vld [tilespmem:$0x15790]  }
0x157: {  	v37 =	vld [tilespmem:$0x15510]  }
0x158: {  	v38 =	vld [tilespmem:$0x157A0]  }
0x159: {  	v48 =	vld [tilespmem:$0x15520]  }
0x15a: {  	v49 =	vld [tilespmem:$0x157B0]  }
0x15b: {  	v50 =	vld [tilespmem:$0x15530]  }
0x15c: {  	v51 =	vld [tilespmem:$0x157C0]  }
0x15d: {  	v52 =	vld [tilespmem:$0x15540]  }
0x15e: {  	v53 =	vld [tilespmem:$0x157D0]  }
0x15f: {  	v54 =	vld [tilespmem:$0x15550]  }
0x160: {  	v55 =	vld [tilespmem:$0x157E0]  }
0x161: {  	v47 =	vld [tilespmem:$0x15870];
	v2 =	vmul.f32 v3, v2  }
0x162: {  	v3 =	vld [tilespmem:$0x15560];
	v4 =	vmul.f32 v5, v4  }
0x163: {  	v5 =	vld [tilespmem:$0x157F0];
	[tilespmem:$0x15680] =	vst v2;
	v2 =	vmul.f32 v7, v6  }
0x164: {  	v6 =	vld [tilespmem:$0x15570];
	[tilespmem:$0x15690] =	vst v4;
	v4 =	vmul.f32 v9, v8  }
0x165: {  	v7 =	vld [tilespmem:$0x15800];
	[tilespmem:$0x156A0] =	vst v2;
	v2 =	vmul.f32 v11, v10  }
0x166: {  	v8 =	vld [tilespmem:$0x15580];
	[tilespmem:$0x156B0] =	vst v4;
	v4 =	vmul.f32 v56, v12  }
0x167: {  	v56 =	vld [tilespmem:$0x15810];
	[tilespmem:$0x156C0] =	vst v2;
	v2 =	vmul.f32 v57, v14  }
0x168: {  	v57 =	vld [tilespmem:$0x15590];
	[tilespmem:$0x156D0] =	vst v4;
	v4 =	vmul.f32 v58, v16  }
0x169: {  	v58 =	vld [tilespmem:$0x15820];
	[tilespmem:$0x156E0] =	vst v2;
	v2 =	vmul.f32 v59, v18  }
0x16a: {  	v59 =	vld [tilespmem:$0x155A0];
	[tilespmem:$0x156F0] =	vst v4;
	v4 =	vmul.f32 v60, v20  }
0x16b: {  	v60 =	vld [tilespmem:$0x15830];
	[tilespmem:$0x15700] =	vst v2;
	v2 =	vmul.f32 v61, v22  }
0x16c: {  	v61 =	vld [tilespmem:$0x155B0];
	[tilespmem:$0x15710] =	vst v4;
	v4 =	vmul.f32 v62, v24  }
0x16d: {  	v62 =	vld [tilespmem:$0x15840];
	[tilespmem:$0x15720] =	vst v2;
	v2 =	vmul.f32 v63, v26  }
0x16e: {  	v63 =	vld [tilespmem:$0x155C0];
	[tilespmem:$0x15730] =	vst v4;
	v4 =	vmul.f32 v29, v28  }
0x16f: {  	v29 =	vld [tilespmem:$0x15850];
	[tilespmem:$0x15740] =	vst v2;
	v2 =	vmul.f32 v31, v30  }
0x170: {  	v31 =	vld [tilespmem:$0x155D0];
	[tilespmem:$0x15750] =	vst v4;
	v4 =	vmul.f32 v33, v32  }
0x171: {  	v33 =	vld [tilespmem:$0x15860];
	[tilespmem:$0x15760] =	vst v2;
	v2 =	vmul.f32 v35, v34  }
0x172: {  	v35 =	vld [tilespmem:$0x155E0];
	[tilespmem:$0x15770] =	vst v4;
	v4 =	vmul.f32 v37, v36  }
0x173: {  	[tilespmem:$0x15780] =	vst v2;
	v2 =	vmul.f32 v48, v38;
	v48 =	vld [tilespmem:$0x155F0]  }
0x174: {  	[tilespmem:$0x15790] =	vst v4;
	v4 =	vmul.f32 v50, v49;
	v49 =	vld [tilespmem:$0x15880]  }
0x175: {  	v50 =	vld [tilespmem:$0x15600];
	[tilespmem:$0x157A0] =	vst v2;
	v2 =	vmul.f32 v52, v51  }
0x176: {  	[tilespmem:$0x157B0] =	vst v4;
	v4 =	vmul.f32 v54, v53;
	v51 =	vld [tilespmem:$0x15890]  }
0x177: {  	v52 =	vld [tilespmem:$0x158C0];
	[tilespmem:$0x157C0] =	vst v2;
	v2 =	vmul.f32 v3, v55  }
0x178: {  	v53 =	vld [tilespmem:$0x15640];
	[tilespmem:$0x157D0] =	vst v4;
	v4 =	vmul.f32 v6, v5  }
0x179: {  	v54 =	vld [tilespmem:$0x158D0];
	[tilespmem:$0x157E0] =	vst v2;
	v2 =	vmul.f32 v8, v7  }
0x17a: {  	v3 =	vld [tilespmem:$0x15610];
	[tilespmem:$0x157F0] =	vst v4;
	v4 =	vmul.f32 v57, v56  }
0x17b: {  	v5 =	vld [tilespmem:$0x158A0];
	[tilespmem:$0x15800] =	vst v2;
	v2 =	vmul.f32 v59, v58  }
0x17c: {  	v6 =	vld [tilespmem:$0x15620];
	[tilespmem:$0x15810] =	vst v4;
	v4 =	vmul.f32 v61, v60  }
0x17d: {  	v55 =	vld [tilespmem:$0x15650];
	[tilespmem:$0x15820] =	vst v2;
	v2 =	vmul.f32 v63, v62  }
0x17e: {  	v7 =	vld [tilespmem:$0x158B0];
	[tilespmem:$0x15830] =	vst v4;
	v4 =	vmul.f32 v31, v29  }
0x17f: {  	v8 =	vld [tilespmem:$0x15630];
	[tilespmem:$0x15840] =	vst v2;
	v2 =	vmul.f32 v35, v33  }
0x180: {  	v56 =	vld [tilespmem:$0x158E0];
	[tilespmem:$0x15850] =	vst v4;
	v4 =	vmul.f32 v48, v47  }
0x181: {  	v57 =	vld [tilespmem:$0x15660];
	[tilespmem:$0x15860] =	vst v2;
	v2 =	vmul.f32 v50, v49  }
0x182: {  	v3 =	vmul.f32 v3, v51;
	[tilespmem:$0x15870] =	vst v4;
	v4 =	vld [tilespmem:$0x158F0]  }
0x183: {  	[tilespmem:$0x15880] =	vst v2;
	v2 =	vmul.f32 v6, v5;
	v5 =	vld [tilespmem:$0x15670]  }
0x184: {  	[tilespmem:$0x15890] =	vst v3;
	v3 =	vmul.f32 v8, v7  }
0x185: {  	[tilespmem:$0x158A0] =	vst v2;
	v2 =	vmul.f32 v53, v52  }
0x186: {  	[tilespmem:$0x158B0] =	vst v3;
	v3 =	vmul.f32 v55, v54  }
0x187: {  	[tilespmem:$0x158C0] =	vst v2;
	v2 =	vmul.f32 v57, v56  }
0x188: {  	[tilespmem:$0x158D0] =	vst v3;
	v3 =	vmul.f32 v5, v4  }
0x189: {  	[tilespmem:$0x158E0] =	vst v2  }
0x18a: {  	[tilespmem:$0x158F0] =	vst v3  }
0x18b: {  	[spmem:s12] =	stream.linear.scatter [tilespmem:s0], [sflag:$0x3], $0x280, $0x38;
	[tilespmem:$0x16300] =	vst v63  }
0x18c: {  	_ =	swait.ge [sflag:s28], $0x280  }
0x18d: {  	[sflag:s28] =	ssyncset.done $0x0  }
0x18e: {  	[sflag:s28] =	ssyncadd.s32 $0xFFFFFD80  }
0x18f: {  	[tilespmem:s0], [sflag:$0x3] =	stream.linear.gather [spmem:s13], $0x280, $0x38;
	[tilespmem:$0x16300] =	vst v63  }
0x190: {  	_ =	swait.ge [sflag:s28], $0x280  }
0x191: {  	[sflag:s28] =	ssyncset.done $0x0  }
0x192: {  	[sflag:s28] =	ssyncadd.s32 $0xFFFFFD80  }
0x193: {  	v2 =	vld [tilespmem:$0x15680]  }
0x194: {  	v3 =	vld [tilespmem:$0x15400]  }
0x195: {  	v4 =	vld [tilespmem:$0x15690]  }
0x196: {  	v5 =	vld [tilespmem:$0x15410]  }
0x197: {  	v6 =	vld [tilespmem:$0x156A0]  }
0x198: {  	v7 =	vld [tilespmem:$0x15420]  }
0x199: {  	v8 =	vld [tilespmem:$0x156B0]  }
0x19a: {  	v9 =	vld [tilespmem:$0x15430]  }
0x19b: {  	v10 =	vld [tilespmem:$0x156C0]  }
0x19c: {  	v11 =	vld [tilespmem:$0x15440]  }
0x19d: {  	v12 =	vld [tilespmem:$0x156D0]  }
0x19e: {  	v58 =	vld [tilespmem:$0x15450]  }
0x19f: {  	v14 =	vld [tilespmem:$0x156E0]  }
0x1a0: {  	v59 =	vld [tilespmem:$0x15460]  }
0x1a1: {  	v16 =	vld [tilespmem:$0x156F0]  }
0x1a2: {  	v60 =	vld [tilespmem:$0x15470]  }
0x1a3: {  	v18 =	vld [tilespmem:$0x15700]  }
0x1a4: {  	v61 =	vld [tilespmem:$0x15480]  }
0x1a5: {  	v20 =	vld [tilespmem:$0x15710]  }
0x1a6: {  	v62 =	vld [tilespmem:$0x15490]  }
0x1a7: {  	v22 =	vld [tilespmem:$0x15720]  }
0x1a8: {  	v63 =	vld [tilespmem:$0x154A0]  }
0x1a9: {  	v24 =	vld [tilespmem:$0x15730]  }
0x1aa: {  	v25 =	vld [tilespmem:$0x154B0]  }
0x1ab: {  	v26 =	vld [tilespmem:$0x15740]  }
0x1ac: {  	v48 =	vld [tilespmem:$0x154C0]  }
0x1ad: {  	v28 =	vld [tilespmem:$0x15750]  }
0x1ae: {  	v49 =	vld [tilespmem:$0x154D0]  }
0x1af: {  	v30 =	vld [tilespmem:$0x15760]  }
0x1b0: {  	v50 =	vld [tilespmem:$0x154E0]  }
0x1b1: {  	v32 =	vld [tilespmem:$0x15770]  }
0x1b2: {  	v51 =	vld [tilespmem:$0x154F0]  }
0x1b3: {  	v34 =	vld [tilespmem:$0x15780]  }
0x1b4: {  	v52 =	vld [tilespmem:$0x15500]  }
0x1b5: {  	v36 =	vld [tilespmem:$0x15790]  }
0x1b6: {  	v53 =	vld [tilespmem:$0x15510]  }
0x1b7: {  	v38 =	vld [tilespmem:$0x157A0]  }
0x1b8: {  	v54 =	vld [tilespmem:$0x15520]  }
0x1b9: {  	v40 =	vld [tilespmem:$0x157B0]  }
0x1ba: {  	v55 =	vld [tilespmem:$0x15530]  }
0x1bb: {  	v42 =	vld [tilespmem:$0x157C0]  }
0x1bc: {  	v56 =	vld [tilespmem:$0x15540]  }
0x1bd: {  	v44 =	vld [tilespmem:$0x157D0]  }
0x1be: {  	v57 =	vld [tilespmem:$0x15550]  }
0x1bf: {  	v46 =	vld [tilespmem:$0x157E0]  }
0x1c0: {  	v47 =	vld [tilespmem:$0x15840];
	v2 =	vmul.f32 v3, v2  }
0x1c1: {  	v3 =	vld [tilespmem:$0x15560];
	v4 =	vmul.f32 v5, v4  }
0x1c2: {  	v5 =	vld [tilespmem:$0x157F0];
	[tilespmem:$0x15680] =	vst v2;
	v2 =	vmul.f32 v7, v6  }
0x1c3: {  	v6 =	vld [tilespmem:$0x15570];
	[tilespmem:$0x15690] =	vst v4;
	v4 =	vmul.f32 v9, v8  }
0x1c4: {  	v7 =	vld [tilespmem:$0x15800];
	[tilespmem:$0x156A0] =	vst v2;
	v2 =	vmul.f32 v11, v10  }
0x1c5: {  	v8 =	vld [tilespmem:$0x15580];
	[tilespmem:$0x156B0] =	vst v4;
	v4 =	vmul.f32 v58, v12  }
0x1c6: {  	v58 =	vld [tilespmem:$0x15810];
	[tilespmem:$0x156C0] =	vst v2;
	v2 =	vmul.f32 v59, v14  }
0x1c7: {  	v59 =	vld [tilespmem:$0x15590];
	[tilespmem:$0x156D0] =	vst v4;
	v4 =	vmul.f32 v60, v16  }
0x1c8: {  	v60 =	vld [tilespmem:$0x15820];
	[tilespmem:$0x156E0] =	vst v2;
	v2 =	vmul.f32 v61, v18  }
0x1c9: {  	v61 =	vld [tilespmem:$0x155A0];
	[tilespmem:$0x156F0] =	vst v4;
	v4 =	vmul.f32 v62, v20  }
0x1ca: {  	v62 =	vld [tilespmem:$0x15830];
	[tilespmem:$0x15700] =	vst v2;
	v2 =	vmul.f32 v63, v22  }
0x1cb: {  	v63 =	vld [tilespmem:$0x155B0];
	[tilespmem:$0x15710] =	vst v4;
	v4 =	vmul.f32 v25, v24  }
0x1cc: {  	[tilespmem:$0x15720] =	vst v2;
	v2 =	vmul.f32 v48, v26;
	v48 =	vld [tilespmem:$0x155C0]  }
0x1cd: {  	[tilespmem:$0x15730] =	vst v4;
	v4 =	vmul.f32 v49, v28;
	v49 =	vld [tilespmem:$0x15850]  }
0x1ce: {  	[tilespmem:$0x15740] =	vst v2;
	v2 =	vmul.f32 v50, v30;
	v50 =	vld [tilespmem:$0x155D0]  }
0x1cf: {  	[tilespmem:$0x15750] =	vst v4;
	v4 =	vmul.f32 v51, v32;
	v51 =	vld [tilespmem:$0x15860]  }
0x1d0: {  	[tilespmem:$0x15760] =	vst v2;
	v2 =	vmul.f32 v52, v34;
	v52 =	vld [tilespmem:$0x155E0]  }
0x1d1: {  	[tilespmem:$0x15770] =	vst v4;
	v4 =	vmul.f32 v53, v36;
	v53 =	vld [tilespmem:$0x15870]  }
0x1d2: {  	[tilespmem:$0x15780] =	vst v2;
	v2 =	vmul.f32 v54, v38;
	v54 =	vld [tilespmem:$0x155F0]  }
0x1d3: {  	[tilespmem:$0x15790] =	vst v4;
	v4 =	vmul.f32 v55, v40;
	v55 =	vld [tilespmem:$0x15880]  }
0x1d4: {  	[tilespmem:$0x157A0] =	vst v2;
	v2 =	vmul.f32 v56, v42;
	v56 =	vld [tilespmem:$0x15600]  }
0x1d5: {  	[tilespmem:$0x157B0] =	vst v4;
	v4 =	vmul.f32 v57, v44;
	v57 =	vld [tilespmem:$0x15890]  }
0x1d6: {  	[tilespmem:$0x157C0] =	vst v2;
	v2 =	vmul.f32 v3, v46;
	v3 =	vld [tilespmem:$0x15610]  }
0x1d7: {  	[tilespmem:$0x157D0] =	vst v4;
	v4 =	vmul.f32 v6, v5;
	v5 =	vld [tilespmem:$0x158A0]  }
0x1d8: {  	v6 =	vld [tilespmem:$0x15620];
	[tilespmem:$0x157E0] =	vst v2;
	v2 =	vmul.f32 v8, v7  }
0x1d9: {  	[tilespmem:$0x157F0] =	vst v4;
	v4 =	vmul.f32 v59, v58;
	v7 =	vld [tilespmem:$0x158B0]  }
0x1da: {  	v8 =	vld [tilespmem:$0x15630];
	[tilespmem:$0x15800] =	vst v2;
	v2 =	vmul.f32 v61, v60  }
0x1db: {  	v58 =	vld [tilespmem:$0x158C0];
	[tilespmem:$0x15810] =	vst v4;
	v4 =	vmul.f32 v63, v62  }
0x1dc: {  	v59 =	vld [tilespmem:$0x15640];
	[tilespmem:$0x15820] =	vst v2;
	v2 =	vmul.f32 v48, v47  }
0x1dd: {  	v60 =	vld [tilespmem:$0x158D0];
	[tilespmem:$0x15830] =	vst v4;
	v4 =	vmul.f32 v50, v49  }
0x1de: {  	v61 =	vld [tilespmem:$0x15650];
	[tilespmem:$0x15840] =	vst v2;
	v2 =	vmul.f32 v52, v51  }
0x1df: {  	v62 =	vld [tilespmem:$0x158E0];
	[tilespmem:$0x15850] =	vst v4;
	v4 =	vmul.f32 v54, v53  }
0x1e0: {  	v63 =	vld [tilespmem:$0x15660];
	[tilespmem:$0x15860] =	vst v2;
	v2 =	vmul.f32 v56, v55  }
0x1e1: {  	v3 =	vmul.f32 v3, v57;
	[tilespmem:$0x15870] =	vst v4;
	v4 =	vld [tilespmem:$0x158F0]  }
0x1e2: {  	[tilespmem:$0x15880] =	vst v2;
	v2 =	vmul.f32 v6, v5;
	v5 =	vld [tilespmem:$0x15670]  }
0x1e3: {  	[tilespmem:$0x15890] =	vst v3;
	v3 =	vmul.f32 v8, v7  }
0x1e4: {  	[tilespmem:$0x158A0] =	vst v2;
	v2 =	vmul.f32 v59, v58  }
0x1e5: {  	[tilespmem:$0x158B0] =	vst v3;
	v3 =	vmul.f32 v61, v60  }
0x1e6: {  	[tilespmem:$0x158C0] =	vst v2;
	v2 =	vmul.f32 v63, v62  }
0x1e7: {  	[tilespmem:$0x158D0] =	vst v3;
	v3 =	vmul.f32 v5, v4  }
0x1e8: {  	[tilespmem:$0x158E0] =	vst v2  }
0x1e9: {  	[tilespmem:$0x158F0] =	vst v3  }
0x1ea: {  	[spmem:s13] =	stream.linear.scatter [tilespmem:s0], [sflag:$0x3], $0x280, $0x38;
	[tilespmem:$0x16300] =	vst v63  }
0x1eb: {  	_ =	swait.ge [sflag:s28], $0x280  }
0x1ec: {  	[sflag:s28] =	ssyncset.done $0x0  }
0x1ed: {  	[sflag:s28] =	ssyncadd.s32 $0xFFFFFD80  }
0x1ee: {  	[bflag:$0x0] =	sbarrier.arrive $0xFFFF  }
0x1ef: {  	[tilespmem:s5], [sflag:$0x2] =	stream.linear.gather [hbm4b:s15+s7], $0x1400, $0x38;
	[tilespmem:$0x16300] =	vst v63  }
0x1f0: {  	_ = 	snop  }
0x1f1: {  	[tilespmem:s4], [sflag:$0x2] =	stream.linear.gather [hbm4b:s16+s7], $0x1400, $0x38;
	[tilespmem:$0x16300] =	vst v63  }
0x1f2: {  	_ = 	snop  }
0x1f3: {  	[tilespmem:s30], [sflag:$0x2] =	stream.linear.gather [hbm4b:s17+s7], $0x1400, $0x38;
	[tilespmem:$0x16300] =	vst v63  }
0x1f4: {  	_ = 	snop  }
0x1f5: {  	[tilespmem:s1], [sflag:$0x3] =	stream.linear.gather [hbm4b:s18+s7], $0x1400, $0x38;
	[tilespmem:$0x16300] =	vst v63  }
0x1f6: {  	_ =	swait.ge [sflag:s28], $0x1400  }
0x1f7: {  	[sflag:s28] =	ssyncset.done $0x0  }
0x1f8: {  	s24 =	simm.s32 $0xB400;
	[sflag:s28] =	ssyncadd.s32 $0xFFFFEC00  }
0x1f9: {  	[tilespmem:s24], [sflag:$0x1] =	stream.indirect.gather [spmem:s8], $0x1, s1, s2, $0xb8;
	[tilespmem:$0x16300] =	vst v63  }
0x1fa: {  	s8 =	simm.s32 $0xC800  }
0x1fb: {  	[tilespmem:s8], [sflag:$0x1] =	stream.indirect.gather [spmem:s9], $0x1, s1, s2, $0xb8;
	[tilespmem:$0x16300] =	vst v63  }
0x1fc: {  	s24 =	simm.s32 $0xDC00  }
0x1fd: {  	[tilespmem:s24], [sflag:$0x1] =	stream.indirect.gather [spmem:s10], $0x1, s1, s2, $0xb8;
	[tilespmem:$0x16300] =	vst v63  }
0x1fe: {  	_ =	swait.ge [sflag:s31], $0x1400  }
0x1ff: {  	[sflag:s31] =	ssyncset.done $0x0  }
0x200: {  	[sflag:s31] =	ssyncadd.s32 $0xFFFFEC00  }
0x201: {  	_ =	swait.ge [sflag:s31], $0x1400  }
0x202: {  	[sflag:s31] =	ssyncset.done $0x0  }
0x203: {  	[sflag:s31] =	ssyncadd.s32 $0xFFFFEC00  }
0x204: {  	_ =	swait.ge [sflag:s31], $0x1400  }
0x205: {  	[sflag:s31] =	ssyncset.done $0x0  }
0x206: {  	[sflag:s31] =	ssyncadd.s32 $0xFFFFEC00  }
0x207: {  	_ =	swait.ge [sflag:s29], $0x1400  }
0x208: {  	[sflag:s29] =	ssyncset.done $0x0  }
0x209: {  	[sflag:s29] =	ssyncadd.s32 $0xFFFFEC00  }
0x20a: {  	_ =	swait.ge [sflag:s29], $0x1400  }
0x20b: {  	[sflag:s29] =	ssyncset.done $0x0  }
0x20c: {  	[sflag:s29] =	ssyncadd.s32 $0xFFFFEC00  }
0x20d: {  	_ =	swait.ge [sflag:s29], $0x1400  }
0x20e: {  	[sflag:s29] =	ssyncset.done $0x0  }
0x20f: {  	s7 =	simm.s32 $0x0;
	[sflag:s29] =	ssyncadd.s32 $0xFFFFEC00  }
0x210: {  	v3 =	vld [tilespmem:s7+$0xB400]  }
0x211: {  	v4 =	vld [tilespmem:s7+$0xC800]  }
0x212: {  	v2 =	vld [tilespmem:s7+$0xDC00]  }
0x213: {  	v5 =	vld [tilespmem:s7+$0xF000]  }
0x214: {  	s8 =	simm.s32 $0x40;
	v6 =	vld [tilespmem:s7+$0x10400]  }
.LBB2_4:
0x215: {  	p0 =	sne.s32 s8, $0x4FC0;
	v7 =	vld [tilespmem:s7+$0x11800];
	_ =	sdelay $0x1  }
0x216: {  	s9 =	sshra.s32 s8, $0x2  }
.Ltmp1:
0x217: {  	v5 =	vsub.f32 v5, v3;
	v3 =	vld [tilespmem:s9+$0xB400];
	(pc) =	sbr.rel @p0 .LBB2_4-.Ltmp1, $4  }
0x218: {  	v6 =	vsub.f32 v6, v4;
	v4 =	vld [tilespmem:s9+$0xC800]  }
0x219: {  	[tilespmem:s7+$0xF000] =	vst v5;
	v7 =	vsub.f32 v7, v2;
	v2 =	vld [tilespmem:s9+$0xDC00]  }
0x21a: {  	v5 =	vld [tilespmem:s9+$0xF000];
	[tilespmem:s7+$0x10400] =	vst v6  }
0x21b: {  	s8 =	sadd.s32 $0x40, s8;
	v6 =	vld [tilespmem:s9+$0x10400];
	[tilespmem:s7+$0x11800] =	vst v7;
	s7 =	smov.u32 s9  }
0x21c: {  	v7 =	vld [tilespmem:s7+$0x11800];
	_ =	sdelay $0x2  }
0x21d: {  	v3 =	vsub.f32 v5, v3  }
0x21e: {  	v4 =	vsub.f32 v6, v4  }
0x21f: {  	[tilespmem:s7+$0xF000] =	vst v3;
	v2 =	vsub.f32 v7, v2  }
0x220: {  	[tilespmem:s7+$0x10400] =	vst v4  }
0x221: {  	[tilespmem:s7+$0x11800] =	vst v2  }
0x222: {  	[hbm4b:s19+s6] =	stream.linear.scatter [tilespmem:s5], [sflag:$0x3], $0x1400, $0x38;
	[tilespmem:$0x16300] =	vst v63  }
0x223: {  	_ =	swait.ge [sflag:s28], $0x1400  }
0x224: {  	[sflag:s28] =	ssyncset.done $0x0  }
0x225: {  	[sflag:s28] =	ssyncadd.s32 $0xFFFFEC00  }
0x226: {  	[hbm4b:s20+s6] =	stream.linear.scatter [tilespmem:s4], [sflag:$0x3], $0x1400, $0x38;
	[tilespmem:$0x16300] =	vst v63  }
0x227: {  	s3 =	sadd.s32 $0x1, s3;
	_ =	swait.ge [sflag:s28], $0x1400  }
0x228: {  	p0 =	sne.s32 s3, s22;
	[sflag:s28] =	ssyncset.done $0x0  }
.Ltmp2:
0x229: {  	[sflag:s28] =	ssyncadd.s32 $0xFFFFEC00;
	(pc) =	sbr.rel @p0 .LBB2_1-.Ltmp2, $4  }
0x22a: {  	[hbm4b:s21+s6] =	stream.linear.scatter [tilespmem:s30], [sflag:$0x3], $0x1400, $0x38;
	[tilespmem:$0x16300] =	vst v63  }
0x22b: {  	_ =	swait.ge [sflag:s28], $0x1400  }
0x22c: {  	[sflag:s28] =	ssyncset.done $0x0  }
0x22d: {  	s10 =	simm.s32 $0x5000;
	s24 =	simm.s32 $0x7800;
	[sflag:s28] =	ssyncadd.s32 $0xFFFFEC00  }
0x22e: {  	_ =	sfence.sel $0x180000  }
0x22f: {  	[bflag:$0x0] =	sbarrier.arrive $0xFFFF  }
0x230: {  	_ =	strace $0x90000047  }
0x231: {  	s0 =	stileid.u32;
	[bflag:$0x2] =	sbarrier.arrive $0xFFFF  }
0x232: {  	p0 =	sne.s32 s0, $0x0;
	s0 =	rddreg [dreg:$0xb]  }
0x233: {  	s0 =	sadd.s32 @!p0 $0x100000, s0  }
0x234: {  	[sflag:s0] =	ssyncadd.tile.s32 @!p0 $0x1;
	_ =	shalt  }
.Lfunc_end2:
_tile_overlayer_lowered:
.L_overlay_start_2:
0x235: {  	(tag) =	ssettag $0x2  }
0x236: {  	s0 =	rddreg [dreg:$0x0];
	s2 =	stileid.u32  }
0x237: {  	s1 =	rddreg [dreg:$0x1];
	p0 =	sne.s32 s2, $0x0  }
0x238: {  	s3 =	rddreg [dreg:$0x2];
	[bflag:$0x3] =	sbarrier.arrive $0xFFFF;
	s2 =	simm.s32 @!p0 $0x1C03  }
0x239: {  	[timem:s3], [sflag:s2] =	dma.local @!p0 [hbm:s0], s1  }
0x23a: {  	s0 =	simm.s32 @!p0 $0x3  }
0x23b: {  	_ =	swait.ge @!p0 [sflag:s0], s1  }
0x23c: {  	s1 =	ssub.s32 @!p0 $0x0, s1;
	[sflag:s0] =	ssyncset.done @!p0 $0x0  }
0x23d: {  	[sflag:s0] =	ssyncadd.s32 @!p0 s1  }
0x23e: {  	[bflag:$0x3] =	sbarrier.arrive $0xFFFF  }
0x23f: {  	_ =	shalt  }

</sc_bundles>
